<compile_context>
chip_gen: v7x
topology: tpu7x:2x2x1
jax: 0.10.2.dev20260603
libtpu: 0.0.44.dev20260713+nightly
codegen_flags: <defaults>
</compile_context>

<pallas_src>
import jax
import jax.numpy as jnp
from jax import lax
from jax.experimental import pallas as pl
from jax.experimental.pallas import tpu as pltpu
from jax.experimental.pallas import tpu_sc as plsc

_NC = 2
_NS = 16
_NB = 3
_NO = 3
_C = 48
_K = 4
_D = 128
_L = 16
_NCHUNK = 3125
_QLO = _NCHUNK // (_NC * _NS)
_REM = _NCHUNK - _QLO * (_NC * _NS)
_QHI = _QLO + 1


def _body(x_hbm, c0_hbm, c1_hbm, c2_hbm, c3_hbm, out_hbm,
          v0, v1, v2, v3, r0, r1, r2, o0, o1, o2,
          g0, g1, g2, s0, s1, s2, ssem):
    cols_hbm = [c0_hbm, c1_hbm, c2_hbm, c3_hbm]
    colv = [v0, v1, v2, v3]
    rows = [r0, r1, r2]
    outs = [o0, o1, o2]
    gsem = [g0, g1, g2]
    osem = [s0, s1, s2]
    w = lax.axis_index("s") * _NC + lax.axis_index("c")
    base = w * _QLO + jnp.minimum(w, _REM)
    nw = _QLO + jnp.where(w < _REM, 1, 0)

    for k in range(_K):
        pltpu.async_copy(cols_hbm[k].at[pl.ds(base * _C, _QLO * _C)],
                         colv[k].at[pl.ds(0, _QLO * _C)], ssem)

    @pl.when(w < _REM)
    def _():
        for k in range(_K):
            pltpu.async_copy(
                cols_hbm[k].at[pl.ds((base + _QLO) * _C, _C)],
                colv[k].at[pl.ds(_QLO * _C, _C)], ssem)

    for k in range(_K):
        pltpu.make_async_copy(cols_hbm[k].at[pl.ds(0, _QLO * _C)],
                              colv[k].at[pl.ds(0, _QLO * _C)], ssem).wait()

    @pl.when(w < _REM)
    def _():
        for k in range(_K):
            pltpu.make_async_copy(
                cols_hbm[k].at[pl.ds(0, _C)],
                colv[k].at[pl.ds(_QLO * _C, _C)], ssem).wait()

    def gather_start(t, b):
        for k in range(_K):
            pltpu.async_copy(x_hbm.at[colv[k].at[pl.ds(t * _C, _C)]],
                             rows[b].at[pl.ds(k * _C, _C)], gsem[b])

    def gather_wait(b):
        pltpu.make_async_copy(x_hbm.at[pl.ds(0, _K * _C)], rows[b],
                              gsem[b]).wait()

    def out_wait(b):
        pltpu.make_async_copy(outs[b], out_hbm.at[pl.ds(0, _C)], osem[b]).wait()

    for b in range(_NB):
        gather_start(jnp.int32(b), b)

    @pl.loop(0, nw, step=_NB)
    def _group(g):
        for b in range(_NB):
            t = g + b

            ob = b % _NO

            @pl.when(t < nw)
            def _():
                gather_wait(b)

                @pl.when(t >= _NO)
                def _():
                    out_wait(ob)

                @pl.loop(0, _C)
                def _row(i):
                    for j in range(_D // _L):
                        s = pl.ds(j * _L, _L)
                        outs[ob][i, s] = ((rows[b][i, s]
                                          * rows[b][_C + i, s])
                                         * (rows[b][2 * _C + i, s]
                                            * rows[b][3 * _C + i, s]))

                @pl.when(t + _NB < nw)
                def _():
                    gather_start(t + _NB, b)

                pltpu.async_copy(outs[ob],
                                 out_hbm.at[pl.ds((base + t) * _C, _C)],
                                 osem[ob])

    for b in range(_NO):
        out_wait(b)


def kernel(x, indices):
    m, k = indices.shape
    d = x.shape[1]
    assert k == _K and d == _D and m == _NCHUNK * _C
    cols = [indices[:, kk] for kk in range(_K)]
    mesh = plsc.VectorSubcoreMesh(core_axis_name="c", subcore_axis_name="s")
    f = pl.kernel(
        _body,
        out_type=jax.ShapeDtypeStruct((m, d), jnp.float32),
        mesh=mesh,
        compiler_params=pltpu.CompilerParams(needs_layout_passes=False),
        scratch_types=(
            [pltpu.VMEM((_QHI * _C,), jnp.int32) for _ in range(_K)]
            + [pltpu.VMEM((_K * _C, _D), jnp.float32) for _ in range(_NB)]
            + [pltpu.VMEM((_C, _D), jnp.float32) for _ in range(_NO)]
            + [pltpu.SemaphoreType.DMA for _ in range(_NB + _NO + 1)]
        ),
    )
    return f(x, *cols)

# --- scband reference (transcript-rebuilt; emitter-appended) ---
"""Pipeline reference for scband-product-layer-82703890252336 (READ-ONLY COPY).

The authoritative reference and input builder live on the scoring server;
editing this copy changes nothing except your own understanding.
"""

import jax, jax.numpy as jnp
import numpy as np


def setup_inputs(seed: int = 0) -> dict:
    key = jax.random.key(seed)
    k1, k2 = jax.random.split(key)
    x = jax.random.normal(k1, (50000, 128), dtype=jnp.float32)
    indices = jax.random.randint(k2, (150000, 4), 0, 50000, dtype=jnp.int32)
    return {"x": x, "indices": indices}


def reference(x, indices):
    # ProductLayer.forward: x[self.indices].prod(axis=1)
    # gather rows -> [M, K, d], then product-reduce over the K axis -> [M, d]
    gathered = jnp.take(x, indices, axis=0)
    result = jnp.prod(gathered, axis=1)
    return result

if __name__ == "__main__":
    import jax
    _d = setup_inputs()
    print(jax.jit(kernel)(*tuple(_d.values())))

</pallas_src>

<mosaic_0001>
#map = affine_map<(d0, d1) -> (0, 0)>
#map1 = affine_map<(d0, d1) -> (0)>
module attributes {stable_mosaic.version = 14 : i64} {
  func.func @_body(%arg0: i32, %arg1: i32, %arg2: memref<50000x128xf32, #tpu.memory_space<hbm>>, %arg3: memref<150000xi32, #tpu.memory_space<hbm>>, %arg4: memref<150000xi32, #tpu.memory_space<hbm>>, %arg5: memref<150000xi32, #tpu.memory_space<hbm>>, %arg6: memref<150000xi32, #tpu.memory_space<hbm>>, %arg7: memref<150000x128xf32, #tpu.memory_space<hbm>>, %arg8: memref<4704xi32, #tpu.memory_space<vmem>>, %arg9: memref<4704xi32, #tpu.memory_space<vmem>>, %arg10: memref<4704xi32, #tpu.memory_space<vmem>>, %arg11: memref<4704xi32, #tpu.memory_space<vmem>>, %arg12: memref<192x128xf32, #tpu.memory_space<vmem>>, %arg13: memref<192x128xf32, #tpu.memory_space<vmem>>, %arg14: memref<192x128xf32, #tpu.memory_space<vmem>>, %arg15: memref<48x128xf32, #tpu.memory_space<vmem>>, %arg16: memref<48x128xf32, #tpu.memory_space<vmem>>, %arg17: memref<48x128xf32, #tpu.memory_space<vmem>>, %arg18: memref<!tpu.dma_semaphore, #tpu.memory_space<semaphore_mem>>, %arg19: memref<!tpu.dma_semaphore, #tpu.memory_space<semaphore_mem>>, %arg20: memref<!tpu.dma_semaphore, #tpu.memory_space<semaphore_mem>>, %arg21: memref<!tpu.dma_semaphore, #tpu.memory_space<semaphore_mem>>, %arg22: memref<!tpu.dma_semaphore, #tpu.memory_space<semaphore_mem>>, %arg23: memref<!tpu.dma_semaphore, #tpu.memory_space<semaphore_mem>>, %arg24: memref<!tpu.dma_semaphore, #tpu.memory_space<semaphore_mem>>) attributes {dimension_semantics = [#tpu.dimension_semantics<core_parallel>, #tpu.dimension_semantics<subcore_parallel>], iteration_bounds = array<i64: 2, 16>, scalar_prefetch = 0 : i64, scratch_operands = 17 : i64, tpu.core_type = #tpu.core_type<sc_vector_subcore>, window_params = [{transform_indices = #map}, {transform_indices = #map1}, {transform_indices = #map1}, {transform_indices = #map1}, {transform_indices = #map1}, {transform_indices = #map}]} {
    %mul3A = arith.constant 2 : i32
    %mul3A_0 = arith.muli %arg1, %mul3A : i32
    %add3A = arith.addi %mul3A_0, %arg0 : i32
    %mul3A_1 = arith.constant 97 : i32
    %mul3A_2 = arith.muli %add3A, %mul3A_1 : i32
    %min3A = arith.constant 21 : i32
    %min3A_3 = arith.minsi %add3A, %min3A : i32
    %add3A_4 = arith.addi %mul3A_2, %min3A_3 : i32
    %lt3A = arith.constant 21 : i32
    %lt3A_5 = arith.cmpi slt, %add3A, %lt3A : i32
    %jit3A = arith.constant 1 : i32
    %jit3A_6 = arith.constant 0 : i32
    %select_n3A = arith.select %lt3A_5, %jit3A, %jit3A_6 : i32
    %add3A_7 = arith.constant 97 : i32
    %add3A_8 = arith.addi %add3A_7, %select_n3A : i32
    %mul3A_9 = arith.constant 48 : i32
    %mul3A_10 = arith.muli %add3A_4, %mul3A_9 : i32
    %dma_start3A = arith.constant 0 : i32
    %dma_start3A_11 = tpu.memref_slice %arg8[%dma_start3A] : memref<4704xi32, #tpu.memory_space<vmem>> -> memref<4656xi32, #tpu.memory_space<vmem>>
    %dma_start3A_12 = tpu.memref_slice %arg3[%mul3A_10] : memref<150000xi32, #tpu.memory_space<hbm>> -> memref<4656xi32, #tpu.memory_space<hbm>>
    %dma_start3A_13 = arith.constant 0 : i32
    %dma_start3A_14 = tpu.memref_slice %arg8[%dma_start3A_13] : memref<4704xi32, #tpu.memory_space<vmem>> -> memref<4656xi32, #tpu.memory_space<vmem>>
    %dma_start3A_15 = tpu.memref_slice %arg3[%mul3A_10] : memref<150000xi32, #tpu.memory_space<hbm>> -> memref<4656xi32, #tpu.memory_space<hbm>>
    tpu.enqueue_dma source(%dma_start3A_15 : memref<4656xi32, #tpu.memory_space<hbm>>) target(%dma_start3A_14 : memref<4656xi32, #tpu.memory_space<vmem>>) target_semaphore(%arg24 : memref<!tpu.dma_semaphore, #tpu.memory_space<semaphore_mem>>)
    %mul3A_16 = arith.constant 48 : i32
    %mul3A_17 = arith.muli %add3A_4, %mul3A_16 : i32
    %dma_start3A_18 = arith.constant 0 : i32
    %dma_start3A_19 = tpu.memref_slice %arg9[%dma_start3A_18] : memref<4704xi32, #tpu.memory_space<vmem>> -> memref<4656xi32, #tpu.memory_space<vmem>>
    %dma_start3A_20 = tpu.memref_slice %arg4[%mul3A_17] : memref<150000xi32, #tpu.memory_space<hbm>> -> memref<4656xi32, #tpu.memory_space<hbm>>
    %dma_start3A_21 = arith.constant 0 : i32
    %dma_start3A_22 = tpu.memref_slice %arg9[%dma_start3A_21] : memref<4704xi32, #tpu.memory_space<vmem>> -> memref<4656xi32, #tpu.memory_space<vmem>>
    %dma_start3A_23 = tpu.memref_slice %arg4[%mul3A_17] : memref<150000xi32, #tpu.memory_space<hbm>> -> memref<4656xi32, #tpu.memory_space<hbm>>
    tpu.enqueue_dma source(%dma_start3A_23 : memref<4656xi32, #tpu.memory_space<hbm>>) target(%dma_start3A_22 : memref<4656xi32, #tpu.memory_space<vmem>>) target_semaphore(%arg24 : memref<!tpu.dma_semaphore, #tpu.memory_space<semaphore_mem>>)
    %mul3A_24 = arith.constant 48 : i32
    %mul3A_25 = arith.muli %add3A_4, %mul3A_24 : i32
    %dma_start3A_26 = arith.constant 0 : i32
    %dma_start3A_27 = tpu.memref_slice %arg10[%dma_start3A_26] : memref<4704xi32, #tpu.memory_space<vmem>> -> memref<4656xi32, #tpu.memory_space<vmem>>
    %dma_start3A_28 = tpu.memref_slice %arg5[%mul3A_25] : memref<150000xi32, #tpu.memory_space<hbm>> -> memref<4656xi32, #tpu.memory_space<hbm>>
    %dma_start3A_29 = arith.constant 0 : i32
    %dma_start3A_30 = tpu.memref_slice %arg10[%dma_start3A_29] : memref<4704xi32, #tpu.memory_space<vmem>> -> memref<4656xi32, #tpu.memory_space<vmem>>
    %dma_start3A_31 = tpu.memref_slice %arg5[%mul3A_25] : memref<150000xi32, #tpu.memory_space<hbm>> -> memref<4656xi32, #tpu.memory_space<hbm>>
    tpu.enqueue_dma source(%dma_start3A_31 : memref<4656xi32, #tpu.memory_space<hbm>>) target(%dma_start3A_30 : memref<4656xi32, #tpu.memory_space<vmem>>) target_semaphore(%arg24 : memref<!tpu.dma_semaphore, #tpu.memory_space<semaphore_mem>>)
    %mul3A_32 = arith.constant 48 : i32
    %mul3A_33 = arith.muli %add3A_4, %mul3A_32 : i32
    %dma_start3A_34 = arith.constant 0 : i32
    %dma_start3A_35 = tpu.memref_slice %arg11[%dma_start3A_34] : memref<4704xi32, #tpu.memory_space<vmem>> -> memref<4656xi32, #tpu.memory_space<vmem>>
    %dma_start3A_36 = tpu.memref_slice %arg6[%mul3A_33] : memref<150000xi32, #tpu.memory_space<hbm>> -> memref<4656xi32, #tpu.memory_space<hbm>>
    %dma_start3A_37 = arith.constant 0 : i32
    %dma_start3A_38 = tpu.memref_slice %arg11[%dma_start3A_37] : memref<4704xi32, #tpu.memory_space<vmem>> -> memref<4656xi32, #tpu.memory_space<vmem>>
    %dma_start3A_39 = tpu.memref_slice %arg6[%mul3A_33] : memref<150000xi32, #tpu.memory_space<hbm>> -> memref<4656xi32, #tpu.memory_space<hbm>>
    tpu.enqueue_dma source(%dma_start3A_39 : memref<4656xi32, #tpu.memory_space<hbm>>) target(%dma_start3A_38 : memref<4656xi32, #tpu.memory_space<vmem>>) target_semaphore(%arg24 : memref<!tpu.dma_semaphore, #tpu.memory_space<semaphore_mem>>)
    %lt3A_40 = arith.constant 21 : i32
    %lt3A_41 = arith.cmpi slt, %add3A, %lt3A_40 : i32
    %convert_element_type3A = arith.extui %lt3A_41 : i1 to i32
    %cond3A = arith.constant 0 : i32
    %cond3A_42 = arith.cmpi ne, %convert_element_type3A, %cond3A : i32
    scf.if %cond3A_42 {
      %add3A_233 = arith.constant 97 : i32
      %add3A_234 = arith.addi %add3A_4, %add3A_233 : i32
      %mul3A_235 = arith.constant 48 : i32
      %mul3A_236 = arith.muli %add3A_234, %mul3A_235 : i32
      %dma_start3A_237 = arith.constant 4656 : i32
      %dma_start3A_238 = tpu.memref_slice %arg8[%dma_start3A_237] : memref<4704xi32, #tpu.memory_space<vmem>> -> memref<48xi32, #tpu.memory_space<vmem>>
      %dma_start3A_239 = tpu.memref_slice %arg3[%mul3A_236] : memref<150000xi32, #tpu.memory_space<hbm>> -> memref<48xi32, #tpu.memory_space<hbm>>
      %dma_start3A_240 = arith.constant 4656 : i32
      %dma_start3A_241 = tpu.memref_slice %arg8[%dma_start3A_240] : memref<4704xi32, #tpu.memory_space<vmem>> -> memref<48xi32, #tpu.memory_space<vmem>>
      %dma_start3A_242 = tpu.memref_slice %arg3[%mul3A_236] : memref<150000xi32, #tpu.memory_space<hbm>> -> memref<48xi32, #tpu.memory_space<hbm>>
      tpu.enqueue_dma source(%dma_start3A_242 : memref<48xi32, #tpu.memory_space<hbm>>) target(%dma_start3A_241 : memref<48xi32, #tpu.memory_space<vmem>>) target_semaphore(%arg24 : memref<!tpu.dma_semaphore, #tpu.memory_space<semaphore_mem>>)
      %add3A_243 = arith.constant 97 : i32
      %add3A_244 = arith.addi %add3A_4, %add3A_243 : i32
      %mul3A_245 = arith.constant 48 : i32
      %mul3A_246 = arith.muli %add3A_244, %mul3A_245 : i32
      %dma_start3A_247 = arith.constant 4656 : i32
      %dma_start3A_248 = tpu.memref_slice %arg9[%dma_start3A_247] : memref<4704xi32, #tpu.memory_space<vmem>> -> memref<48xi32, #tpu.memory_space<vmem>>
      %dma_start3A_249 = tpu.memref_slice %arg4[%mul3A_246] : memref<150000xi32, #tpu.memory_space<hbm>> -> memref<48xi32, #tpu.memory_space<hbm>>
      %dma_start3A_250 = arith.constant 4656 : i32
      %dma_start3A_251 = tpu.memref_slice %arg9[%dma_start3A_250] : memref<4704xi32, #tpu.memory_space<vmem>> -> memref<48xi32, #tpu.memory_space<vmem>>
      %dma_start3A_252 = tpu.memref_slice %arg4[%mul3A_246] : memref<150000xi32, #tpu.memory_space<hbm>> -> memref<48xi32, #tpu.memory_space<hbm>>
      tpu.enqueue_dma source(%dma_start3A_252 : memref<48xi32, #tpu.memory_space<hbm>>) target(%dma_start3A_251 : memref<48xi32, #tpu.memory_space<vmem>>) target_semaphore(%arg24 : memref<!tpu.dma_semaphore, #tpu.memory_space<semaphore_mem>>)
      %add3A_253 = arith.constant 97 : i32
      %add3A_254 = arith.addi %add3A_4, %add3A_253 : i32
      %mul3A_255 = arith.constant 48 : i32
      %mul3A_256 = arith.muli %add3A_254, %mul3A_255 : i32
      %dma_start3A_257 = arith.constant 4656 : i32
      %dma_start3A_258 = tpu.memref_slice %arg10[%dma_start3A_257] : memref<4704xi32, #tpu.memory_space<vmem>> -> memref<48xi32, #tpu.memory_space<vmem>>
      %dma_start3A_259 = tpu.memref_slice %arg5[%mul3A_256] : memref<150000xi32, #tpu.memory_space<hbm>> -> memref<48xi32, #tpu.memory_space<hbm>>
      %dma_start3A_260 = arith.constant 4656 : i32
      %dma_start3A_261 = tpu.memref_slice %arg10[%dma_start3A_260] : memref<4704xi32, #tpu.memory_space<vmem>> -> memref<48xi32, #tpu.memory_space<vmem>>
      %dma_start3A_262 = tpu.memref_slice %arg5[%mul3A_256] : memref<150000xi32, #tpu.memory_space<hbm>> -> memref<48xi32, #tpu.memory_space<hbm>>
      tpu.enqueue_dma source(%dma_start3A_262 : memref<48xi32, #tpu.memory_space<hbm>>) target(%dma_start3A_261 : memref<48xi32, #tpu.memory_space<vmem>>) target_semaphore(%arg24 : memref<!tpu.dma_semaphore, #tpu.memory_space<semaphore_mem>>)
      %add3A_263 = arith.constant 97 : i32
      %add3A_264 = arith.addi %add3A_4, %add3A_263 : i32
      %mul3A_265 = arith.constant 48 : i32
      %mul3A_266 = arith.muli %add3A_264, %mul3A_265 : i32
      %dma_start3A_267 = arith.constant 4656 : i32
      %dma_start3A_268 = tpu.memref_slice %arg11[%dma_start3A_267] : memref<4704xi32, #tpu.memory_space<vmem>> -> memref<48xi32, #tpu.memory_space<vmem>>
      %dma_start3A_269 = tpu.memref_slice %arg6[%mul3A_266] : memref<150000xi32, #tpu.memory_space<hbm>> -> memref<48xi32, #tpu.memory_space<hbm>>
      %dma_start3A_270 = arith.constant 4656 : i32
      %dma_start3A_271 = tpu.memref_slice %arg11[%dma_start3A_270] : memref<4704xi32, #tpu.memory_space<vmem>> -> memref<48xi32, #tpu.memory_space<vmem>>
      %dma_start3A_272 = tpu.memref_slice %arg6[%mul3A_266] : memref<150000xi32, #tpu.memory_space<hbm>> -> memref<48xi32, #tpu.memory_space<hbm>>
      tpu.enqueue_dma source(%dma_start3A_272 : memref<48xi32, #tpu.memory_space<hbm>>) target(%dma_start3A_271 : memref<48xi32, #tpu.memory_space<vmem>>) target_semaphore(%arg24 : memref<!tpu.dma_semaphore, #tpu.memory_space<semaphore_mem>>)
    } else {
    }
    %dma_wait3A = arith.constant 0 : i32
    %dma_wait3A_43 = tpu.memref_slice %arg8[%dma_wait3A] : memref<4704xi32, #tpu.memory_space<vmem>> -> memref<4656xi32, #tpu.memory_space<vmem>>
    %dma_wait3A_44 = arith.constant 0 : i32
    %dma_wait3A_45 = tpu.memref_slice %arg3[%dma_wait3A_44] : memref<150000xi32, #tpu.memory_space<hbm>> -> memref<4656xi32, #tpu.memory_space<hbm>>
    %dma_wait3A_46 = arith.constant 0 : i32
    %dma_wait3A_47 = tpu.memref_slice %arg8[%dma_wait3A_46] : memref<4704xi32, #tpu.memory_space<vmem>> -> memref<4656xi32, #tpu.memory_space<vmem>>
    %dma_wait3A_48 = arith.constant 0 : i32
    %dma_wait3A_49 = tpu.memref_slice %arg3[%dma_wait3A_48] : memref<150000xi32, #tpu.memory_space<hbm>> -> memref<4656xi32, #tpu.memory_space<hbm>>
    tpu.wait_dma2 semaphore(%arg24 : memref<!tpu.dma_semaphore, #tpu.memory_space<semaphore_mem>>) src(%dma_wait3A_49 : memref<4656xi32, #tpu.memory_space<hbm>>) dst(%dma_wait3A_47 : memref<4656xi32, #tpu.memory_space<vmem>>)
    %dma_wait3A_50 = arith.constant 0 : i32
    %dma_wait3A_51 = tpu.memref_slice %arg9[%dma_wait3A_50] : memref<4704xi32, #tpu.memory_space<vmem>> -> memref<4656xi32, #tpu.memory_space<vmem>>
    %dma_wait3A_52 = arith.constant 0 : i32
    %dma_wait3A_53 = tpu.memref_slice %arg4[%dma_wait3A_52] : memref<150000xi32, #tpu.memory_space<hbm>> -> memref<4656xi32, #tpu.memory_space<hbm>>
    %dma_wait3A_54 = arith.constant 0 : i32
    %dma_wait3A_55 = tpu.memref_slice %arg9[%dma_wait3A_54] : memref<4704xi32, #tpu.memory_space<vmem>> -> memref<4656xi32, #tpu.memory_space<vmem>>
    %dma_wait3A_56 = arith.constant 0 : i32
    %dma_wait3A_57 = tpu.memref_slice %arg4[%dma_wait3A_56] : memref<150000xi32, #tpu.memory_space<hbm>> -> memref<4656xi32, #tpu.memory_space<hbm>>
    tpu.wait_dma2 semaphore(%arg24 : memref<!tpu.dma_semaphore, #tpu.memory_space<semaphore_mem>>) src(%dma_wait3A_57 : memref<4656xi32, #tpu.memory_space<hbm>>) dst(%dma_wait3A_55 : memref<4656xi32, #tpu.memory_space<vmem>>)
    %dma_wait3A_58 = arith.constant 0 : i32
    %dma_wait3A_59 = tpu.memref_slice %arg10[%dma_wait3A_58] : memref<4704xi32, #tpu.memory_space<vmem>> -> memref<4656xi32, #tpu.memory_space<vmem>>
    %dma_wait3A_60 = arith.constant 0 : i32
    %dma_wait3A_61 = tpu.memref_slice %arg5[%dma_wait3A_60] : memref<150000xi32, #tpu.memory_space<hbm>> -> memref<4656xi32, #tpu.memory_space<hbm>>
    %dma_wait3A_62 = arith.constant 0 : i32
    %dma_wait3A_63 = tpu.memref_slice %arg10[%dma_wait3A_62] : memref<4704xi32, #tpu.memory_space<vmem>> -> memref<4656xi32, #tpu.memory_space<vmem>>
    %dma_wait3A_64 = arith.constant 0 : i32
    %dma_wait3A_65 = tpu.memref_slice %arg5[%dma_wait3A_64] : memref<150000xi32, #tpu.memory_space<hbm>> -> memref<4656xi32, #tpu.memory_space<hbm>>
    tpu.wait_dma2 semaphore(%arg24 : memref<!tpu.dma_semaphore, #tpu.memory_space<semaphore_mem>>) src(%dma_wait3A_65 : memref<4656xi32, #tpu.memory_space<hbm>>) dst(%dma_wait3A_63 : memref<4656xi32, #tpu.memory_space<vmem>>)
    %dma_wait3A_66 = arith.constant 0 : i32
    %dma_wait3A_67 = tpu.memref_slice %arg11[%dma_wait3A_66] : memref<4704xi32, #tpu.memory_space<vmem>> -> memref<4656xi32, #tpu.memory_space<vmem>>
    %dma_wait3A_68 = arith.constant 0 : i32
    %dma_wait3A_69 = tpu.memref_slice %arg6[%dma_wait3A_68] : memref<150000xi32, #tpu.memory_space<hbm>> -> memref<4656xi32, #tpu.memory_space<hbm>>
    %dma_wait3A_70 = arith.constant 0 : i32
    %dma_wait3A_71 = tpu.memref_slice %arg11[%dma_wait3A_70] : memref<4704xi32, #tpu.memory_space<vmem>> -> memref<4656xi32, #tpu.memory_space<vmem>>
    %dma_wait3A_72 = arith.constant 0 : i32
    %dma_wait3A_73 = tpu.memref_slice %arg6[%dma_wait3A_72] : memref<150000xi32, #tpu.memory_space<hbm>> -> memref<4656xi32, #tpu.memory_space<hbm>>
    tpu.wait_dma2 semaphore(%arg24 : memref<!tpu.dma_semaphore, #tpu.memory_space<semaphore_mem>>) src(%dma_wait3A_73 : memref<4656xi32, #tpu.memory_space<hbm>>) dst(%dma_wait3A_71 : memref<4656xi32, #tpu.memory_space<vmem>>)
    %lt3A_74 = arith.constant 21 : i32
    %lt3A_75 = arith.cmpi slt, %add3A, %lt3A_74 : i32
    %convert_element_type3A_76 = arith.extui %lt3A_75 : i1 to i32
    %cond3A_77 = arith.constant 0 : i32
    %cond3A_78 = arith.cmpi ne, %convert_element_type3A_76, %cond3A_77 : i32
    scf.if %cond3A_78 {
      %dma_wait3A_233 = arith.constant 4656 : i32
      %dma_wait3A_234 = tpu.memref_slice %arg8[%dma_wait3A_233] : memref<4704xi32, #tpu.memory_space<vmem>> -> memref<48xi32, #tpu.memory_space<vmem>>
      %dma_wait3A_235 = arith.constant 0 : i32
      %dma_wait3A_236 = tpu.memref_slice %arg3[%dma_wait3A_235] : memref<150000xi32, #tpu.memory_space<hbm>> -> memref<48xi32, #tpu.memory_space<hbm>>
      %dma_wait3A_237 = arith.constant 4656 : i32
      %dma_wait3A_238 = tpu.memref_slice %arg8[%dma_wait3A_237] : memref<4704xi32, #tpu.memory_space<vmem>> -> memref<48xi32, #tpu.memory_space<vmem>>
      %dma_wait3A_239 = arith.constant 0 : i32
      %dma_wait3A_240 = tpu.memref_slice %arg3[%dma_wait3A_239] : memref<150000xi32, #tpu.memory_space<hbm>> -> memref<48xi32, #tpu.memory_space<hbm>>
      tpu.wait_dma2 semaphore(%arg24 : memref<!tpu.dma_semaphore, #tpu.memory_space<semaphore_mem>>) src(%dma_wait3A_240 : memref<48xi32, #tpu.memory_space<hbm>>) dst(%dma_wait3A_238 : memref<48xi32, #tpu.memory_space<vmem>>)
      %dma_wait3A_241 = arith.constant 4656 : i32
      %dma_wait3A_242 = tpu.memref_slice %arg9[%dma_wait3A_241] : memref<4704xi32, #tpu.memory_space<vmem>> -> memref<48xi32, #tpu.memory_space<vmem>>
      %dma_wait3A_243 = arith.constant 0 : i32
      %dma_wait3A_244 = tpu.memref_slice %arg4[%dma_wait3A_243] : memref<150000xi32, #tpu.memory_space<hbm>> -> memref<48xi32, #tpu.memory_space<hbm>>
      %dma_wait3A_245 = arith.constant 4656 : i32
      %dma_wait3A_246 = tpu.memref_slice %arg9[%dma_wait3A_245] : memref<4704xi32, #tpu.memory_space<vmem>> -> memref<48xi32, #tpu.memory_space<vmem>>
      %dma_wait3A_247 = arith.constant 0 : i32
      %dma_wait3A_248 = tpu.memref_slice %arg4[%dma_wait3A_247] : memref<150000xi32, #tpu.memory_space<hbm>> -> memref<48xi32, #tpu.memory_space<hbm>>
      tpu.wait_dma2 semaphore(%arg24 : memref<!tpu.dma_semaphore, #tpu.memory_space<semaphore_mem>>) src(%dma_wait3A_248 : memref<48xi32, #tpu.memory_space<hbm>>) dst(%dma_wait3A_246 : memref<48xi32, #tpu.memory_space<vmem>>)
      %dma_wait3A_249 = arith.constant 4656 : i32
      %dma_wait3A_250 = tpu.memref_slice %arg10[%dma_wait3A_249] : memref<4704xi32, #tpu.memory_space<vmem>> -> memref<48xi32, #tpu.memory_space<vmem>>
      %dma_wait3A_251 = arith.constant 0 : i32
      %dma_wait3A_252 = tpu.memref_slice %arg5[%dma_wait3A_251] : memref<150000xi32, #tpu.memory_space<hbm>> -> memref<48xi32, #tpu.memory_space<hbm>>
      %dma_wait3A_253 = arith.constant 4656 : i32
      %dma_wait3A_254 = tpu.memref_slice %arg10[%dma_wait3A_253] : memref<4704xi32, #tpu.memory_space<vmem>> -> memref<48xi32, #tpu.memory_space<vmem>>
      %dma_wait3A_255 = arith.constant 0 : i32
      %dma_wait3A_256 = tpu.memref_slice %arg5[%dma_wait3A_255] : memref<150000xi32, #tpu.memory_space<hbm>> -> memref<48xi32, #tpu.memory_space<hbm>>
      tpu.wait_dma2 semaphore(%arg24 : memref<!tpu.dma_semaphore, #tpu.memory_space<semaphore_mem>>) src(%dma_wait3A_256 : memref<48xi32, #tpu.memory_space<hbm>>) dst(%dma_wait3A_254 : memref<48xi32, #tpu.memory_space<vmem>>)
      %dma_wait3A_257 = arith.constant 4656 : i32
      %dma_wait3A_258 = tpu.memref_slice %arg11[%dma_wait3A_257] : memref<4704xi32, #tpu.memory_space<vmem>> -> memref<48xi32, #tpu.memory_space<vmem>>
      %dma_wait3A_259 = arith.constant 0 : i32
      %dma_wait3A_260 = tpu.memref_slice %arg6[%dma_wait3A_259] : memref<150000xi32, #tpu.memory_space<hbm>> -> memref<48xi32, #tpu.memory_space<hbm>>
      %dma_wait3A_261 = arith.constant 4656 : i32
      %dma_wait3A_262 = tpu.memref_slice %arg11[%dma_wait3A_261] : memref<4704xi32, #tpu.memory_space<vmem>> -> memref<48xi32, #tpu.memory_space<vmem>>
      %dma_wait3A_263 = arith.constant 0 : i32
      %dma_wait3A_264 = tpu.memref_slice %arg6[%dma_wait3A_263] : memref<150000xi32, #tpu.memory_space<hbm>> -> memref<48xi32, #tpu.memory_space<hbm>>
      tpu.wait_dma2 semaphore(%arg24 : memref<!tpu.dma_semaphore, #tpu.memory_space<semaphore_mem>>) src(%dma_wait3A_264 : memref<48xi32, #tpu.memory_space<hbm>>) dst(%dma_wait3A_262 : memref<48xi32, #tpu.memory_space<vmem>>)
    } else {
    }
    %mul3A_79 = arith.constant 0 : i32
    %mul3A_80 = arith.constant 48 : i32
    %mul3A_81 = arith.muli %mul3A_79, %mul3A_80 : i32
    %dma_start3A_82 = arith.constant 0 : i32
    %dma_start3A_83 = arith.constant 0 : i32
    %dma_start3A_84 = tpu.memref_slice %arg12[%dma_start3A_82, %dma_start3A_83] : memref<192x128xf32, #tpu.memory_space<vmem>> -> memref<48x128xf32, #tpu.memory_space<vmem>>
    %dma_start3A_85 = tpu.memref_slice %arg8[%mul3A_81] : memref<4704xi32, #tpu.memory_space<vmem>> -> memref<48xi32, #tpu.memory_space<vmem>>
    %dma_start3A_86 = arith.constant 0 : i32
    %dma_start3A_87 = arith.constant 0 : i32
    %dma_start3A_88 = tpu.memref_slice %arg2[%dma_start3A_86, %dma_start3A_87] : memref<50000x128xf32, #tpu.memory_space<hbm>> -> memref<50000x128xf32, #tpu.memory_space<hbm>>
    tpu.enqueue_indirect_dma source(%dma_start3A_88 : memref<50000x128xf32, #tpu.memory_space<hbm>>) target(%dma_start3A_84 : memref<48x128xf32, #tpu.memory_space<vmem>>) offsets(%dma_start3A_85 : memref<48xi32, #tpu.memory_space<vmem>>) semaphore(%arg18 : memref<!tpu.dma_semaphore, #tpu.memory_space<semaphore_mem>>)
    %mul3A_89 = arith.constant 0 : i32
    %mul3A_90 = arith.constant 48 : i32
    %mul3A_91 = arith.muli %mul3A_89, %mul3A_90 : i32
    %dma_start3A_92 = arith.constant 48 : i32
    %dma_start3A_93 = arith.constant 0 : i32
    %dma_start3A_94 = tpu.memref_slice %arg12[%dma_start3A_92, %dma_start3A_93] : memref<192x128xf32, #tpu.memory_space<vmem>> -> memref<48x128xf32, #tpu.memory_space<vmem>>
    %dma_start3A_95 = tpu.memref_slice %arg9[%mul3A_91] : memref<4704xi32, #tpu.memory_space<vmem>> -> memref<48xi32, #tpu.memory_space<vmem>>
    %dma_start3A_96 = arith.constant 0 : i32
    %dma_start3A_97 = arith.constant 0 : i32
    %dma_start3A_98 = tpu.memref_slice %arg2[%dma_start3A_96, %dma_start3A_97] : memref<50000x128xf32, #tpu.memory_space<hbm>> -> memref<50000x128xf32, #tpu.memory_space<hbm>>
    tpu.enqueue_indirect_dma source(%dma_start3A_98 : memref<50000x128xf32, #tpu.memory_space<hbm>>) target(%dma_start3A_94 : memref<48x128xf32, #tpu.memory_space<vmem>>) offsets(%dma_start3A_95 : memref<48xi32, #tpu.memory_space<vmem>>) semaphore(%arg18 : memref<!tpu.dma_semaphore, #tpu.memory_space<semaphore_mem>>)
    %mul3A_99 = arith.constant 0 : i32
    %mul3A_100 = arith.constant 48 : i32
    %mul3A_101 = arith.muli %mul3A_99, %mul3A_100 : i32
    %dma_start3A_102 = arith.constant 96 : i32
    %dma_start3A_103 = arith.constant 0 : i32
    %dma_start3A_104 = tpu.memref_slice %arg12[%dma_start3A_102, %dma_start3A_103] : memref<192x128xf32, #tpu.memory_space<vmem>> -> memref<48x128xf32, #tpu.memory_space<vmem>>
    %dma_start3A_105 = tpu.memref_slice %arg10[%mul3A_101] : memref<4704xi32, #tpu.memory_space<vmem>> -> memref<48xi32, #tpu.memory_space<vmem>>
    %dma_start3A_106 = arith.constant 0 : i32
    %dma_start3A_107 = arith.constant 0 : i32
    %dma_start3A_108 = tpu.memref_slice %arg2[%dma_start3A_106, %dma_start3A_107] : memref<50000x128xf32, #tpu.memory_space<hbm>> -> memref<50000x128xf32, #tpu.memory_space<hbm>>
    tpu.enqueue_indirect_dma source(%dma_start3A_108 : memref<50000x128xf32, #tpu.memory_space<hbm>>) target(%dma_start3A_104 : memref<48x128xf32, #tpu.memory_space<vmem>>) offsets(%dma_start3A_105 : memref<48xi32, #tpu.memory_space<vmem>>) semaphore(%arg18 : memref<!tpu.dma_semaphore, #tpu.memory_space<semaphore_mem>>)
    %mul3A_109 = arith.constant 0 : i32
    %mul3A_110 = arith.constant 48 : i32
    %mul3A_111 = arith.muli %mul3A_109, %mul3A_110 : i32
    %dma_start3A_112 = arith.constant 144 : i32
    %dma_start3A_113 = arith.constant 0 : i32
    %dma_start3A_114 = tpu.memref_slice %arg12[%dma_start3A_112, %dma_start3A_113] : memref<192x128xf32, #tpu.memory_space<vmem>> -> memref<48x128xf32, #tpu.memory_space<vmem>>
    %dma_start3A_115 = tpu.memref_slice %arg11[%mul3A_111] : memref<4704xi32, #tpu.memory_space<vmem>> -> memref<48xi32, #tpu.memory_space<vmem>>
    %dma_start3A_116 = arith.constant 0 : i32
    %dma_start3A_117 = arith.constant 0 : i32
    %dma_start3A_118 = tpu.memref_slice %arg2[%dma_start3A_116, %dma_start3A_117] : memref<50000x128xf32, #tpu.memory_space<hbm>> -> memref<50000x128xf32, #tpu.memory_space<hbm>>
    tpu.enqueue_indirect_dma source(%dma_start3A_118 : memref<50000x128xf32, #tpu.memory_space<hbm>>) target(%dma_start3A_114 : memref<48x128xf32, #tpu.memory_space<vmem>>) offsets(%dma_start3A_115 : memref<48xi32, #tpu.memory_space<vmem>>) semaphore(%arg18 : memref<!tpu.dma_semaphore, #tpu.memory_space<semaphore_mem>>)
    %mul3A_119 = arith.constant 1 : i32
    %mul3A_120 = arith.constant 48 : i32
    %mul3A_121 = arith.muli %mul3A_119, %mul3A_120 : i32
    %dma_start3A_122 = arith.constant 0 : i32
    %dma_start3A_123 = arith.constant 0 : i32
    %dma_start3A_124 = tpu.memref_slice %arg13[%dma_start3A_122, %dma_start3A_123] : memref<192x128xf32, #tpu.memory_space<vmem>> -> memref<48x128xf32, #tpu.memory_space<vmem>>
    %dma_start3A_125 = tpu.memref_slice %arg8[%mul3A_121] : memref<4704xi32, #tpu.memory_space<vmem>> -> memref<48xi32, #tpu.memory_space<vmem>>
    %dma_start3A_126 = arith.constant 0 : i32
    %dma_start3A_127 = arith.constant 0 : i32
    %dma_start3A_128 = tpu.memref_slice %arg2[%dma_start3A_126, %dma_start3A_127] : memref<50000x128xf32, #tpu.memory_space<hbm>> -> memref<50000x128xf32, #tpu.memory_space<hbm>>
    tpu.enqueue_indirect_dma source(%dma_start3A_128 : memref<50000x128xf32, #tpu.memory_space<hbm>>) target(%dma_start3A_124 : memref<48x128xf32, #tpu.memory_space<vmem>>) offsets(%dma_start3A_125 : memref<48xi32, #tpu.memory_space<vmem>>) semaphore(%arg19 : memref<!tpu.dma_semaphore, #tpu.memory_space<semaphore_mem>>)
    %mul3A_129 = arith.constant 1 : i32
    %mul3A_130 = arith.constant 48 : i32
    %mul3A_131 = arith.muli %mul3A_129, %mul3A_130 : i32
    %dma_start3A_132 = arith.constant 48 : i32
    %dma_start3A_133 = arith.constant 0 : i32
    %dma_start3A_134 = tpu.memref_slice %arg13[%dma_start3A_132, %dma_start3A_133] : memref<192x128xf32, #tpu.memory_space<vmem>> -> memref<48x128xf32, #tpu.memory_space<vmem>>
    %dma_start3A_135 = tpu.memref_slice %arg9[%mul3A_131] : memref<4704xi32, #tpu.memory_space<vmem>> -> memref<48xi32, #tpu.memory_space<vmem>>
    %dma_start3A_136 = arith.constant 0 : i32
    %dma_start3A_137 = arith.constant 0 : i32
    %dma_start3A_138 = tpu.memref_slice %arg2[%dma_start3A_136, %dma_start3A_137] : memref<50000x128xf32, #tpu.memory_space<hbm>> -> memref<50000x128xf32, #tpu.memory_space<hbm>>
    tpu.enqueue_indirect_dma source(%dma_start3A_138 : memref<50000x128xf32, #tpu.memory_space<hbm>>) target(%dma_start3A_134 : memref<48x128xf32, #tpu.memory_space<vmem>>) offsets(%dma_start3A_135 : memref<48xi32, #tpu.memory_space<vmem>>) semaphore(%arg19 : memref<!tpu.dma_semaphore, #tpu.memory_space<semaphore_mem>>)
    %mul3A_139 = arith.constant 1 : i32
    %mul3A_140 = arith.constant 48 : i32
    %mul3A_141 = arith.muli %mul3A_139, %mul3A_140 : i32
    %dma_start3A_142 = arith.constant 96 : i32
    %dma_start3A_143 = arith.constant 0 : i32
    %dma_start3A_144 = tpu.memref_slice %arg13[%dma_start3A_142, %dma_start3A_143] : memref<192x128xf32, #tpu.memory_space<vmem>> -> memref<48x128xf32, #tpu.memory_space<vmem>>
    %dma_start3A_145 = tpu.memref_slice %arg10[%mul3A_141] : memref<4704xi32, #tpu.memory_space<vmem>> -> memref<48xi32, #tpu.memory_space<vmem>>
    %dma_start3A_146 = arith.constant 0 : i32
    %dma_start3A_147 = arith.constant 0 : i32
    %dma_start3A_148 = tpu.memref_slice %arg2[%dma_start3A_146, %dma_start3A_147] : memref<50000x128xf32, #tpu.memory_space<hbm>> -> memref<50000x128xf32, #tpu.memory_space<hbm>>
    tpu.enqueue_indirect_dma source(%dma_start3A_148 : memref<50000x128xf32, #tpu.memory_space<hbm>>) target(%dma_start3A_144 : memref<48x128xf32, #tpu.memory_space<vmem>>) offsets(%dma_start3A_145 : memref<48xi32, #tpu.memory_space<vmem>>) semaphore(%arg19 : memref<!tpu.dma_semaphore, #tpu.memory_space<semaphore_mem>>)
    %mul3A_149 = arith.constant 1 : i32
    %mul3A_150 = arith.constant 48 : i32
    %mul3A_151 = arith.muli %mul3A_149, %mul3A_150 : i32
    %dma_start3A_152 = arith.constant 144 : i32
    %dma_start3A_153 = arith.constant 0 : i32
    %dma_start3A_154 = tpu.memref_slice %arg13[%dma_start3A_152, %dma_start3A_153] : memref<192x128xf32, #tpu.memory_space<vmem>> -> memref<48x128xf32, #tpu.memory_space<vmem>>
    %dma_start3A_155 = tpu.memref_slice %arg11[%mul3A_151] : memref<4704xi32, #tpu.memory_space<vmem>> -> memref<48xi32, #tpu.memory_space<vmem>>
    %dma_start3A_156 = arith.constant 0 : i32
    %dma_start3A_157 = arith.constant 0 : i32
    %dma_start3A_158 = tpu.memref_slice %arg2[%dma_start3A_156, %dma_start3A_157] : memref<50000x128xf32, #tpu.memory_space<hbm>> -> memref<50000x128xf32, #tpu.memory_space<hbm>>
    tpu.enqueue_indirect_dma source(%dma_start3A_158 : memref<50000x128xf32, #tpu.memory_space<hbm>>) target(%dma_start3A_154 : memref<48x128xf32, #tpu.memory_space<vmem>>) offsets(%dma_start3A_155 : memref<48xi32, #tpu.memory_space<vmem>>) semaphore(%arg19 : memref<!tpu.dma_semaphore, #tpu.memory_space<semaphore_mem>>)
    %mul3A_159 = arith.constant 2 : i32
    %mul3A_160 = arith.constant 48 : i32
    %mul3A_161 = arith.muli %mul3A_159, %mul3A_160 : i32
    %dma_start3A_162 = arith.constant 0 : i32
    %dma_start3A_163 = arith.constant 0 : i32
    %dma_start3A_164 = tpu.memref_slice %arg14[%dma_start3A_162, %dma_start3A_163] : memref<192x128xf32, #tpu.memory_space<vmem>> -> memref<48x128xf32, #tpu.memory_space<vmem>>
    %dma_start3A_165 = tpu.memref_slice %arg8[%mul3A_161] : memref<4704xi32, #tpu.memory_space<vmem>> -> memref<48xi32, #tpu.memory_space<vmem>>
    %dma_start3A_166 = arith.constant 0 : i32
    %dma_start3A_167 = arith.constant 0 : i32
    %dma_start3A_168 = tpu.memref_slice %arg2[%dma_start3A_166, %dma_start3A_167] : memref<50000x128xf32, #tpu.memory_space<hbm>> -> memref<50000x128xf32, #tpu.memory_space<hbm>>
    tpu.enqueue_indirect_dma source(%dma_start3A_168 : memref<50000x128xf32, #tpu.memory_space<hbm>>) target(%dma_start3A_164 : memref<48x128xf32, #tpu.memory_space<vmem>>) offsets(%dma_start3A_165 : memref<48xi32, #tpu.memory_space<vmem>>) semaphore(%arg20 : memref<!tpu.dma_semaphore, #tpu.memory_space<semaphore_mem>>)
    %mul3A_169 = arith.constant 2 : i32
    %mul3A_170 = arith.constant 48 : i32
    %mul3A_171 = arith.muli %mul3A_169, %mul3A_170 : i32
    %dma_start3A_172 = arith.constant 48 : i32
    %dma_start3A_173 = arith.constant 0 : i32
    %dma_start3A_174 = tpu.memref_slice %arg14[%dma_start3A_172, %dma_start3A_173] : memref<192x128xf32, #tpu.memory_space<vmem>> -> memref<48x128xf32, #tpu.memory_space<vmem>>
    %dma_start3A_175 = tpu.memref_slice %arg9[%mul3A_171] : memref<4704xi32, #tpu.memory_space<vmem>> -> memref<48xi32, #tpu.memory_space<vmem>>
    %dma_start3A_176 = arith.constant 0 : i32
    %dma_start3A_177 = arith.constant 0 : i32
    %dma_start3A_178 = tpu.memref_slice %arg2[%dma_start3A_176, %dma_start3A_177] : memref<50000x128xf32, #tpu.memory_space<hbm>> -> memref<50000x128xf32, #tpu.memory_space<hbm>>
    tpu.enqueue_indirect_dma source(%dma_start3A_178 : memref<50000x128xf32, #tpu.memory_space<hbm>>) target(%dma_start3A_174 : memref<48x128xf32, #tpu.memory_space<vmem>>) offsets(%dma_start3A_175 : memref<48xi32, #tpu.memory_space<vmem>>) semaphore(%arg20 : memref<!tpu.dma_semaphore, #tpu.memory_space<semaphore_mem>>)
    %mul3A_179 = arith.constant 2 : i32
    %mul3A_180 = arith.constant 48 : i32
    %mul3A_181 = arith.muli %mul3A_179, %mul3A_180 : i32
    %dma_start3A_182 = arith.constant 96 : i32
    %dma_start3A_183 = arith.constant 0 : i32
    %dma_start3A_184 = tpu.memref_slice %arg14[%dma_start3A_182, %dma_start3A_183] : memref<192x128xf32, #tpu.memory_space<vmem>> -> memref<48x128xf32, #tpu.memory_space<vmem>>
    %dma_start3A_185 = tpu.memref_slice %arg10[%mul3A_181] : memref<4704xi32, #tpu.memory_space<vmem>> -> memref<48xi32, #tpu.memory_space<vmem>>
    %dma_start3A_186 = arith.constant 0 : i32
    %dma_start3A_187 = arith.constant 0 : i32
    %dma_start3A_188 = tpu.memref_slice %arg2[%dma_start3A_186, %dma_start3A_187] : memref<50000x128xf32, #tpu.memory_space<hbm>> -> memref<50000x128xf32, #tpu.memory_space<hbm>>
    tpu.enqueue_indirect_dma source(%dma_start3A_188 : memref<50000x128xf32, #tpu.memory_space<hbm>>) target(%dma_start3A_184 : memref<48x128xf32, #tpu.memory_space<vmem>>) offsets(%dma_start3A_185 : memref<48xi32, #tpu.memory_space<vmem>>) semaphore(%arg20 : memref<!tpu.dma_semaphore, #tpu.memory_space<semaphore_mem>>)
    %mul3A_189 = arith.constant 2 : i32
    %mul3A_190 = arith.constant 48 : i32
    %mul3A_191 = arith.muli %mul3A_189, %mul3A_190 : i32
    %dma_start3A_192 = arith.constant 144 : i32
    %dma_start3A_193 = arith.constant 0 : i32
    %dma_start3A_194 = tpu.memref_slice %arg14[%dma_start3A_192, %dma_start3A_193] : memref<192x128xf32, #tpu.memory_space<vmem>> -> memref<48x128xf32, #tpu.memory_space<vmem>>
    %dma_start3A_195 = tpu.memref_slice %arg11[%mul3A_191] : memref<4704xi32, #tpu.memory_space<vmem>> -> memref<48xi32, #tpu.memory_space<vmem>>
    %dma_start3A_196 = arith.constant 0 : i32
    %dma_start3A_197 = arith.constant 0 : i32
    %dma_start3A_198 = tpu.memref_slice %arg2[%dma_start3A_196, %dma_start3A_197] : memref<50000x128xf32, #tpu.memory_space<hbm>> -> memref<50000x128xf32, #tpu.memory_space<hbm>>
    tpu.enqueue_indirect_dma source(%dma_start3A_198 : memref<50000x128xf32, #tpu.memory_space<hbm>>) target(%dma_start3A_194 : memref<48x128xf32, #tpu.memory_space<vmem>>) offsets(%dma_start3A_195 : memref<48xi32, #tpu.memory_space<vmem>>) semaphore(%arg20 : memref<!tpu.dma_semaphore, #tpu.memory_space<semaphore_mem>>)
    %sub3A = arith.constant 0 : i32
    %sub3A_199 = arith.subi %add3A_8, %sub3A : i32
    %sub3A_200 = arith.constant 3 : i32
    %sub3A_201 = arith.constant 1 : i32
    %sub3A_202 = arith.subi %sub3A_200, %sub3A_201 : i32
    %add3A_203 = arith.addi %sub3A_199, %sub3A_202 : i32
    %div3A = arith.constant 3 : i32
    %div3A_204 = arith.divsi %add3A_203, %div3A : i32
    %while3A = arith.constant 3 : i32
    %while3A_205 = arith.constant 0 : i32
    %while3A_206 = arith.constant 0 : i32
    %while3A_207 = arith.subi %div3A_204, %while3A_206 : i32
    %while3A_208 = arith.addi %while3A_206, %while3A_207 : i32
    %while3A_209 = arith.constant 1 : i32
    %while3A_210 = arith.divsi %while3A_207, %while3A_209 : i32
    %while3A_211 = arith.muli %while3A_210, %while3A_209 : i32
    %while3A_212 = arith.addi %while3A_206, %while3A_211 : i32
    %while3A_213 = arith.constant 1 : i32
    scf.for %while3A_233 = %while3A_206 to %while3A_212 step %while3A_213  : i32 {
      %mul3A_234 = arith.muli %while3A_233, %while3A : i32
      %add3A_235 = arith.addi %while3A_205, %mul3A_234 : i32
      %add3A_236 = arith.constant 0 : i32
      %add3A_237 = arith.addi %add3A_235, %add3A_236 : i32
      %lt3A_238 = arith.cmpi slt, %add3A_237, %add3A_8 : i32
      %convert_element_type3A_239 = arith.extui %lt3A_238 : i1 to i32
      %cond3A_240 = arith.constant 0 : i32
      %cond3A_241 = arith.cmpi ne, %convert_element_type3A_239, %cond3A_240 : i32
      scf.if %cond3A_241 {
        %dma_wait3A_254 = arith.constant 0 : i32
        %dma_wait3A_255 = arith.constant 0 : i32
        %dma_wait3A_256 = tpu.memref_slice %arg2[%dma_wait3A_254, %dma_wait3A_255] : memref<50000x128xf32, #tpu.memory_space<hbm>> -> memref<192x128xf32, #tpu.memory_space<hbm>>
        %dma_wait3A_257 = arith.constant 0 : i32
        %dma_wait3A_258 = arith.constant 0 : i32
        %dma_wait3A_259 = tpu.memref_slice %arg2[%dma_wait3A_257, %dma_wait3A_258] : memref<50000x128xf32, #tpu.memory_space<hbm>> -> memref<192x128xf32, #tpu.memory_space<hbm>>
        tpu.wait_dma2 semaphore(%arg18 : memref<!tpu.dma_semaphore, #tpu.memory_space<semaphore_mem>>) src(%dma_wait3A_259 : memref<192x128xf32, #tpu.memory_space<hbm>>) dst(%arg12 : memref<192x128xf32, #tpu.memory_space<vmem>>)
        %ge3A = arith.constant 3 : i32
        %ge3A_260 = arith.cmpi sge, %add3A_237, %ge3A : i32
        %convert_element_type3A_261 = arith.extui %ge3A_260 : i1 to i32
        %cond3A_262 = arith.constant 0 : i32
        %cond3A_263 = arith.cmpi ne, %convert_element_type3A_261, %cond3A_262 : i32
        scf.if %cond3A_263 {
          %dma_wait3A_281 = arith.constant 0 : i32
          %dma_wait3A_282 = arith.constant 0 : i32
          %dma_wait3A_283 = tpu.memref_slice %arg7[%dma_wait3A_281, %dma_wait3A_282] : memref<150000x128xf32, #tpu.memory_space<hbm>> -> memref<48x128xf32, #tpu.memory_space<hbm>>
          %dma_wait3A_284 = arith.constant 0 : i32
          %dma_wait3A_285 = arith.constant 0 : i32
          %dma_wait3A_286 = tpu.memref_slice %arg7[%dma_wait3A_284, %dma_wait3A_285] : memref<150000x128xf32, #tpu.memory_space<hbm>> -> memref<48x128xf32, #tpu.memory_space<hbm>>
          tpu.wait_dma2 semaphore(%arg21 : memref<!tpu.dma_semaphore, #tpu.memory_space<semaphore_mem>>) src(%arg15 : memref<48x128xf32, #tpu.memory_space<vmem>>) dst(%dma_wait3A_286 : memref<48x128xf32, #tpu.memory_space<hbm>>)
        } else {
        }
        %scan3A = arith.constant 0 : i32
        %scan3A_264 = arith.constant 48 : i32
        %scan3A_265 = arith.addi %scan3A, %scan3A_264 : i32
        %scan3A_266 = arith.constant 1 : i32
        scf.for %scan3A_281 = %scan3A to %scan3A_265 step %scan3A_266  : i32 {
          %mul3A_282 = arith.constant 1 : i32
          %mul3A_283 = arith.muli %scan3A_281, %mul3A_282 : i32
          %add3A_284 = arith.constant 0 : i32
          %add3A_285 = arith.addi %add3A_284, %mul3A_283 : i32
          %get3A = arith.index_cast %add3A_285 : i32 to index
          %get3A_286 = arith.constant 0 : index
          %get3A_287 = tpu.vector_load %arg12[%get3A, %get3A_286] {strides = array<i32>} : memref<192x128xf32, #tpu.memory_space<vmem>>, vector<16xf32>,
          %add3A_288 = arith.constant 48 : i32
          %add3A_289 = arith.addi %add3A_288, %add3A_285 : i32
          %get3A_290 = arith.index_cast %add3A_289 : i32 to index
          %get3A_291 = arith.constant 0 : index
          %get3A_292 = tpu.vector_load %arg12[%get3A_290, %get3A_291] {strides = array<i32>} : memref<192x128xf32, #tpu.memory_space<vmem>>, vector<16xf32>,
          %mul3A_293 = arith.mulf %get3A_287, %get3A_292 : vector<16xf32>
          %add3A_294 = arith.constant 96 : i32
          %add3A_295 = arith.addi %add3A_294, %add3A_285 : i32
          %get3A_296 = arith.index_cast %add3A_295 : i32 to index
          %get3A_297 = arith.constant 0 : index
          %get3A_298 = tpu.vector_load %arg12[%get3A_296, %get3A_297] {strides = array<i32>} : memref<192x128xf32, #tpu.memory_space<vmem>>, vector<16xf32>,
          %add3A_299 = arith.constant 144 : i32
          %add3A_300 = arith.addi %add3A_299, %add3A_285 : i32
          %get3A_301 = arith.index_cast %add3A_300 : i32 to index
          %get3A_302 = arith.constant 0 : index
          %get3A_303 = tpu.vector_load %arg12[%get3A_301, %get3A_302] {strides = array<i32>} : memref<192x128xf32, #tpu.memory_space<vmem>>, vector<16xf32>,
          %mul3A_304 = arith.mulf %get3A_298, %get3A_303 : vector<16xf32>
          %mul3A_305 = arith.mulf %mul3A_293, %mul3A_304 : vector<16xf32>
          %swap3A = arith.index_cast %add3A_285 : i32 to index
          %swap3A_306 = arith.constant 0 : index
          %swap3A_307 = tpu.vector_load %arg15[%swap3A, %swap3A_306] {strides = array<i32>} : memref<48x128xf32, #tpu.memory_space<vmem>>, vector<16xf32>,
          tpu.vector_store %arg15[%swap3A, %swap3A_306], %mul3A_305 {strides = array<i32>} : memref<48x128xf32, #tpu.memory_space<vmem>>, vector<16xf32>,
          %get3A_308 = arith.index_cast %add3A_285 : i32 to index
          %get3A_309 = arith.constant 16 : index
          %get3A_310 = tpu.vector_load %arg12[%get3A_308, %get3A_309] {strides = array<i32>} : memref<192x128xf32, #tpu.memory_space<vmem>>, vector<16xf32>,
          %add3A_311 = arith.constant 48 : i32
          %add3A_312 = arith.addi %add3A_311, %add3A_285 : i32
          %get3A_313 = arith.index_cast %add3A_312 : i32 to index
          %get3A_314 = arith.constant 16 : index
          %get3A_315 = tpu.vector_load %arg12[%get3A_313, %get3A_314] {strides = array<i32>} : memref<192x128xf32, #tpu.memory_space<vmem>>, vector<16xf32>,
          %mul3A_316 = arith.mulf %get3A_310, %get3A_315 : vector<16xf32>
          %add3A_317 = arith.constant 96 : i32
          %add3A_318 = arith.addi %add3A_317, %add3A_285 : i32
          %get3A_319 = arith.index_cast %add3A_318 : i32 to index
          %get3A_320 = arith.constant 16 : index
          %get3A_321 = tpu.vector_load %arg12[%get3A_319, %get3A_320] {strides = array<i32>} : memref<192x128xf32, #tpu.memory_space<vmem>>, vector<16xf32>,
          %add3A_322 = arith.constant 144 : i32
          %add3A_323 = arith.addi %add3A_322, %add3A_285 : i32
          %get3A_324 = arith.index_cast %add3A_323 : i32 to index
          %get3A_325 = arith.constant 16 : index
          %get3A_326 = tpu.vector_load %arg12[%get3A_324, %get3A_325] {strides = array<i32>} : memref<192x128xf32, #tpu.memory_space<vmem>>, vector<16xf32>,
          %mul3A_327 = arith.mulf %get3A_321, %get3A_326 : vector<16xf32>
          %mul3A_328 = arith.mulf %mul3A_316, %mul3A_327 : vector<16xf32>
          %swap3A_329 = arith.index_cast %add3A_285 : i32 to index
          %swap3A_330 = arith.constant 16 : index
          %swap3A_331 = tpu.vector_load %arg15[%swap3A_329, %swap3A_330] {strides = array<i32>} : memref<48x128xf32, #tpu.memory_space<vmem>>, vector<16xf32>,
          tpu.vector_store %arg15[%swap3A_329, %swap3A_330], %mul3A_328 {strides = array<i32>} : memref<48x128xf32, #tpu.memory_space<vmem>>, vector<16xf32>,
          %get3A_332 = arith.index_cast %add3A_285 : i32 to index
          %get3A_333 = arith.constant 32 : index
          %get3A_334 = tpu.vector_load %arg12[%get3A_332, %get3A_333] {strides = array<i32>} : memref<192x128xf32, #tpu.memory_space<vmem>>, vector<16xf32>,
          %add3A_335 = arith.constant 48 : i32
          %add3A_336 = arith.addi %add3A_335, %add3A_285 : i32
          %get3A_337 = arith.index_cast %add3A_336 : i32 to index
          %get3A_338 = arith.constant 32 : index
          %get3A_339 = tpu.vector_load %arg12[%get3A_337, %get3A_338] {strides = array<i32>} : memref<192x128xf32, #tpu.memory_space<vmem>>, vector<16xf32>,
          %mul3A_340 = arith.mulf %get3A_334, %get3A_339 : vector<16xf32>
          %add3A_341 = arith.constant 96 : i32
          %add3A_342 = arith.addi %add3A_341, %add3A_285 : i32
          %get3A_343 = arith.index_cast %add3A_342 : i32 to index
          %get3A_344 = arith.constant 32 : index
          %get3A_345 = tpu.vector_load %arg12[%get3A_343, %get3A_344] {strides = array<i32>} : memref<192x128xf32, #tpu.memory_space<vmem>>, vector<16xf32>,
          %add3A_346 = arith.constant 144 : i32
          %add3A_347 = arith.addi %add3A_346, %add3A_285 : i32
          %get3A_348 = arith.index_cast %add3A_347 : i32 to index
          %get3A_349 = arith.constant 32 : index
          %get3A_350 = tpu.vector_load %arg12[%get3A_348, %get3A_349] {strides = array<i32>} : memref<192x128xf32, #tpu.memory_space<vmem>>, vector<16xf32>,
          %mul3A_351 = arith.mulf %get3A_345, %get3A_350 : vector<16xf32>
          %mul3A_352 = arith.mulf %mul3A_340, %mul3A_351 : vector<16xf32>
          %swap3A_353 = arith.index_cast %add3A_285 : i32 to index
          %swap3A_354 = arith.constant 32 : index
          %swap3A_355 = tpu.vector_load %arg15[%swap3A_353, %swap3A_354] {strides = array<i32>} : memref<48x128xf32, #tpu.memory_space<vmem>>, vector<16xf32>,
          tpu.vector_store %arg15[%swap3A_353, %swap3A_354], %mul3A_352 {strides = array<i32>} : memref<48x128xf32, #tpu.memory_space<vmem>>, vector<16xf32>,
          %get3A_356 = arith.index_cast %add3A_285 : i32 to index
          %get3A_357 = arith.constant 48 : index
          %get3A_358 = tpu.vector_load %arg12[%get3A_356, %get3A_357] {strides = array<i32>} : memref<192x128xf32, #tpu.memory_space<vmem>>, vector<16xf32>,
          %add3A_359 = arith.constant 48 : i32
          %add3A_360 = arith.addi %add3A_359, %add3A_285 : i32
          %get3A_361 = arith.index_cast %add3A_360 : i32 to index
          %get3A_362 = arith.constant 48 : index
          %get3A_363 = tpu.vector_load %arg12[%get3A_361, %get3A_362] {strides = array<i32>} : memref<192x128xf32, #tpu.memory_space<vmem>>, vector<16xf32>,
          %mul3A_364 = arith.mulf %get3A_358, %get3A_363 : vector<16xf32>
          %add3A_365 = arith.constant 96 : i32
          %add3A_366 = arith.addi %add3A_365, %add3A_285 : i32
          %get3A_367 = arith.index_cast %add3A_366 : i32 to index
          %get3A_368 = arith.constant 48 : index
          %get3A_369 = tpu.vector_load %arg12[%get3A_367, %get3A_368] {strides = array<i32>} : memref<192x128xf32, #tpu.memory_space<vmem>>, vector<16xf32>,
          %add3A_370 = arith.constant 144 : i32
          %add3A_371 = arith.addi %add3A_370, %add3A_285 : i32
          %get3A_372 = arith.index_cast %add3A_371 : i32 to index
          %get3A_373 = arith.constant 48 : index
          %get3A_374 = tpu.vector_load %arg12[%get3A_372, %get3A_373] {strides = array<i32>} : memref<192x128xf32, #tpu.memory_space<vmem>>, vector<16xf32>,
          %mul3A_375 = arith.mulf %get3A_369, %get3A_374 : vector<16xf32>
          %mul3A_376 = arith.mulf %mul3A_364, %mul3A_375 : vector<16xf32>
          %swap3A_377 = arith.index_cast %add3A_285 : i32 to index
          %swap3A_378 = arith.constant 48 : index
          %swap3A_379 = tpu.vector_load %arg15[%swap3A_377, %swap3A_378] {strides = array<i32>} : memref<48x128xf32, #tpu.memory_space<vmem>>, vector<16xf32>,
          tpu.vector_store %arg15[%swap3A_377, %swap3A_378], %mul3A_376 {strides = array<i32>} : memref<48x128xf32, #tpu.memory_space<vmem>>, vector<16xf32>,
          %get3A_380 = arith.index_cast %add3A_285 : i32 to index
          %get3A_381 = arith.constant 64 : index
          %get3A_382 = tpu.vector_load %arg12[%get3A_380, %get3A_381] {strides = array<i32>} : memref<192x128xf32, #tpu.memory_space<vmem>>, vector<16xf32>,
          %add3A_383 = arith.constant 48 : i32
          %add3A_384 = arith.addi %add3A_383, %add3A_285 : i32
          %get3A_385 = arith.index_cast %add3A_384 : i32 to index
          %get3A_386 = arith.constant 64 : index
          %get3A_387 = tpu.vector_load %arg12[%get3A_385, %get3A_386] {strides = array<i32>} : memref<192x128xf32, #tpu.memory_space<vmem>>, vector<16xf32>,
          %mul3A_388 = arith.mulf %get3A_382, %get3A_387 : vector<16xf32>
          %add3A_389 = arith.constant 96 : i32
          %add3A_390 = arith.addi %add3A_389, %add3A_285 : i32
          %get3A_391 = arith.index_cast %add3A_390 : i32 to index
          %get3A_392 = arith.constant 64 : index
          %get3A_393 = tpu.vector_load %arg12[%get3A_391, %get3A_392] {strides = array<i32>} : memref<192x128xf32, #tpu.memory_space<vmem>>, vector<16xf32>,
          %add3A_394 = arith.constant 144 : i32
          %add3A_395 = arith.addi %add3A_394, %add3A_285 : i32
          %get3A_396 = arith.index_cast %add3A_395 : i32 to index
          %get3A_397 = arith.constant 64 : index
          %get3A_398 = tpu.vector_load %arg12[%get3A_396, %get3A_397] {strides = array<i32>} : memref<192x128xf32, #tpu.memory_space<vmem>>, vector<16xf32>,
          %mul3A_399 = arith.mulf %get3A_393, %get3A_398 : vector<16xf32>
          %mul3A_400 = arith.mulf %mul3A_388, %mul3A_399 : vector<16xf32>
          %swap3A_401 = arith.index_cast %add3A_285 : i32 to index
          %swap3A_402 = arith.constant 64 : index
          %swap3A_403 = tpu.vector_load %arg15[%swap3A_401, %swap3A_402] {strides = array<i32>} : memref<48x128xf32, #tpu.memory_space<vmem>>, vector<16xf32>,
          tpu.vector_store %arg15[%swap3A_401, %swap3A_402], %mul3A_400 {strides = array<i32>} : memref<48x128xf32, #tpu.memory_space<vmem>>, vector<16xf32>,
          %get3A_404 = arith.index_cast %add3A_285 : i32 to index
          %get3A_405 = arith.constant 80 : index
          %get3A_406 = tpu.vector_load %arg12[%get3A_404, %get3A_405] {strides = array<i32>} : memref<192x128xf32, #tpu.memory_space<vmem>>, vector<16xf32>,
          %add3A_407 = arith.constant 48 : i32
          %add3A_408 = arith.addi %add3A_407, %add3A_285 : i32
          %get3A_409 = arith.index_cast %add3A_408 : i32 to index
          %get3A_410 = arith.constant 80 : index
          %get3A_411 = tpu.vector_load %arg12[%get3A_409, %get3A_410] {strides = array<i32>} : memref<192x128xf32, #tpu.memory_space<vmem>>, vector<16xf32>,
          %mul3A_412 = arith.mulf %get3A_406, %get3A_411 : vector<16xf32>
          %add3A_413 = arith.constant 96 : i32
          %add3A_414 = arith.addi %add3A_413, %add3A_285 : i32
          %get3A_415 = arith.index_cast %add3A_414 : i32 to index
          %get3A_416 = arith.constant 80 : index
          %get3A_417 = tpu.vector_load %arg12[%get3A_415, %get3A_416] {strides = array<i32>} : memref<192x128xf32, #tpu.memory_space<vmem>>, vector<16xf32>,
          %add3A_418 = arith.constant 144 : i32
          %add3A_419 = arith.addi %add3A_418, %add3A_285 : i32
          %get3A_420 = arith.index_cast %add3A_419 : i32 to index
          %get3A_421 = arith.constant 80 : index
          %get3A_422 = tpu.vector_load %arg12[%get3A_420, %get3A_421] {strides = array<i32>} : memref<192x128xf32, #tpu.memory_space<vmem>>, vector<16xf32>,
          %mul3A_423 = arith.mulf %get3A_417, %get3A_422 : vector<16xf32>
          %mul3A_424 = arith.mulf %mul3A_412, %mul3A_423 : vector<16xf32>
          %swap3A_425 = arith.index_cast %add3A_285 : i32 to index
          %swap3A_426 = arith.constant 80 : index
          %swap3A_427 = tpu.vector_load %arg15[%swap3A_425, %swap3A_426] {strides = array<i32>} : memref<48x128xf32, #tpu.memory_space<vmem>>, vector<16xf32>,
          tpu.vector_store %arg15[%swap3A_425, %swap3A_426], %mul3A_424 {strides = array<i32>} : memref<48x128xf32, #tpu.memory_space<vmem>>, vector<16xf32>,
          %get3A_428 = arith.index_cast %add3A_285 : i32 to index
          %get3A_429 = arith.constant 96 : index
          %get3A_430 = tpu.vector_load %arg12[%get3A_428, %get3A_429] {strides = array<i32>} : memref<192x128xf32, #tpu.memory_space<vmem>>, vector<16xf32>,
          %add3A_431 = arith.constant 48 : i32
          %add3A_432 = arith.addi %add3A_431, %add3A_285 : i32
          %get3A_433 = arith.index_cast %add3A_432 : i32 to index
          %get3A_434 = arith.constant 96 : index
          %get3A_435 = tpu.vector_load %arg12[%get3A_433, %get3A_434] {strides = array<i32>} : memref<192x128xf32, #tpu.memory_space<vmem>>, vector<16xf32>,
          %mul3A_436 = arith.mulf %get3A_430, %get3A_435 : vector<16xf32>
          %add3A_437 = arith.constant 96 : i32
          %add3A_438 = arith.addi %add3A_437, %add3A_285 : i32
          %get3A_439 = arith.index_cast %add3A_438 : i32 to index
          %get3A_440 = arith.constant 96 : index
          %get3A_441 = tpu.vector_load %arg12[%get3A_439, %get3A_440] {strides = array<i32>} : memref<192x128xf32, #tpu.memory_space<vmem>>, vector<16xf32>,
          %add3A_442 = arith.constant 144 : i32
          %add3A_443 = arith.addi %add3A_442, %add3A_285 : i32
          %get3A_444 = arith.index_cast %add3A_443 : i32 to index
          %get3A_445 = arith.constant 96 : index
          %get3A_446 = tpu.vector_load %arg12[%get3A_444, %get3A_445] {strides = array<i32>} : memref<192x128xf32, #tpu.memory_space<vmem>>, vector<16xf32>,
          %mul3A_447 = arith.mulf %get3A_441, %get3A_446 : vector<16xf32>
          %mul3A_448 = arith.mulf %mul3A_436, %mul3A_447 : vector<16xf32>
          %swap3A_449 = arith.index_cast %add3A_285 : i32 to index
          %swap3A_450 = arith.constant 96 : index
          %swap3A_451 = tpu.vector_load %arg15[%swap3A_449, %swap3A_450] {strides = array<i32>} : memref<48x128xf32, #tpu.memory_space<vmem>>, vector<16xf32>,
          tpu.vector_store %arg15[%swap3A_449, %swap3A_450], %mul3A_448 {strides = array<i32>} : memref<48x128xf32, #tpu.memory_space<vmem>>, vector<16xf32>,
          %get3A_452 = arith.index_cast %add3A_285 : i32 to index
          %get3A_453 = arith.constant 112 : index
          %get3A_454 = tpu.vector_load %arg12[%get3A_452, %get3A_453] {strides = array<i32>} : memref<192x128xf32, #tpu.memory_space<vmem>>, vector<16xf32>,
          %add3A_455 = arith.constant 48 : i32
          %add3A_456 = arith.addi %add3A_455, %add3A_285 : i32
          %get3A_457 = arith.index_cast %add3A_456 : i32 to index
          %get3A_458 = arith.constant 112 : index
          %get3A_459 = tpu.vector_load %arg12[%get3A_457, %get3A_458] {strides = array<i32>} : memref<192x128xf32, #tpu.memory_space<vmem>>, vector<16xf32>,
          %mul3A_460 = arith.mulf %get3A_454, %get3A_459 : vector<16xf32>
          %add3A_461 = arith.constant 96 : i32
          %add3A_462 = arith.addi %add3A_461, %add3A_285 : i32
          %get3A_463 = arith.index_cast %add3A_462 : i32 to index
          %get3A_464 = arith.constant 112 : index
          %get3A_465 = tpu.vector_load %arg12[%get3A_463, %get3A_464] {strides = array<i32>} : memref<192x128xf32, #tpu.memory_space<vmem>>, vector<16xf32>,
          %add3A_466 = arith.constant 144 : i32
          %add3A_467 = arith.addi %add3A_466, %add3A_285 : i32
          %get3A_468 = arith.index_cast %add3A_467 : i32 to index
          %get3A_469 = arith.constant 112 : index
          %get3A_470 = tpu.vector_load %arg12[%get3A_468, %get3A_469] {strides = array<i32>} : memref<192x128xf32, #tpu.memory_space<vmem>>, vector<16xf32>,
          %mul3A_471 = arith.mulf %get3A_465, %get3A_470 : vector<16xf32>
          %mul3A_472 = arith.mulf %mul3A_460, %mul3A_471 : vector<16xf32>
          %swap3A_473 = arith.index_cast %add3A_285 : i32 to index
          %swap3A_474 = arith.constant 112 : index
          %swap3A_475 = tpu.vector_load %arg15[%swap3A_473, %swap3A_474] {strides = array<i32>} : memref<48x128xf32, #tpu.memory_space<vmem>>, vector<16xf32>,
          tpu.vector_store %arg15[%swap3A_473, %swap3A_474], %mul3A_472 {strides = array<i32>} : memref<48x128xf32, #tpu.memory_space<vmem>>, vector<16xf32>,
        }
        %scan3A_267 = arith.constant 48 : i32
        %add3A_268 = arith.constant 3 : i32
        %add3A_269 = arith.addi %add3A_237, %add3A_268 : i32
        %lt3A_270 = arith.cmpi slt, %add3A_269, %add3A_8 : i32
        %convert_element_type3A_271 = arith.extui %lt3A_270 : i1 to i32
        %cond3A_272 = arith.constant 0 : i32
        %cond3A_273 = arith.cmpi ne, %convert_element_type3A_271, %cond3A_272 : i32
        scf.if %cond3A_273 {
          %add3A_281 = arith.constant 3 : i32
          %add3A_282 = arith.addi %add3A_237, %add3A_281 : i32
          %mul3A_283 = arith.constant 48 : i32
          %mul3A_284 = arith.muli %add3A_282, %mul3A_283 : i32
          %dma_start3A_285 = arith.constant 0 : i32
          %dma_start3A_286 = arith.constant 0 : i32
          %dma_start3A_287 = tpu.memref_slice %arg12[%dma_start3A_285, %dma_start3A_286] : memref<192x128xf32, #tpu.memory_space<vmem>> -> memref<48x128xf32, #tpu.memory_space<vmem>>
          %dma_start3A_288 = tpu.memref_slice %arg8[%mul3A_284] : memref<4704xi32, #tpu.memory_space<vmem>> -> memref<48xi32, #tpu.memory_space<vmem>>
          %dma_start3A_289 = arith.constant 0 : i32
          %dma_start3A_290 = arith.constant 0 : i32
          %dma_start3A_291 = tpu.memref_slice %arg2[%dma_start3A_289, %dma_start3A_290] : memref<50000x128xf32, #tpu.memory_space<hbm>> -> memref<50000x128xf32, #tpu.memory_space<hbm>>
          tpu.enqueue_indirect_dma source(%dma_start3A_291 : memref<50000x128xf32, #tpu.memory_space<hbm>>) target(%dma_start3A_287 : memref<48x128xf32, #tpu.memory_space<vmem>>) offsets(%dma_start3A_288 : memref<48xi32, #tpu.memory_space<vmem>>) semaphore(%arg18 : memref<!tpu.dma_semaphore, #tpu.memory_space<semaphore_mem>>)
          %mul3A_292 = arith.constant 48 : i32
          %mul3A_293 = arith.muli %add3A_282, %mul3A_292 : i32
          %dma_start3A_294 = arith.constant 48 : i32
          %dma_start3A_295 = arith.constant 0 : i32
          %dma_start3A_296 = tpu.memref_slice %arg12[%dma_start3A_294, %dma_start3A_295] : memref<192x128xf32, #tpu.memory_space<vmem>> -> memref<48x128xf32, #tpu.memory_space<vmem>>
          %dma_start3A_297 = tpu.memref_slice %arg9[%mul3A_293] : memref<4704xi32, #tpu.memory_space<vmem>> -> memref<48xi32, #tpu.memory_space<vmem>>
          %dma_start3A_298 = arith.constant 0 : i32
          %dma_start3A_299 = arith.constant 0 : i32
          %dma_start3A_300 = tpu.memref_slice %arg2[%dma_start3A_298, %dma_start3A_299] : memref<50000x128xf32, #tpu.memory_space<hbm>> -> memref<50000x128xf32, #tpu.memory_space<hbm>>
          tpu.enqueue_indirect_dma source(%dma_start3A_300 : memref<50000x128xf32, #tpu.memory_space<hbm>>) target(%dma_start3A_296 : memref<48x128xf32, #tpu.memory_space<vmem>>) offsets(%dma_start3A_297 : memref<48xi32, #tpu.memory_space<vmem>>) semaphore(%arg18 : memref<!tpu.dma_semaphore, #tpu.memory_space<semaphore_mem>>)
          %mul3A_301 = arith.constant 48 : i32
          %mul3A_302 = arith.muli %add3A_282, %mul3A_301 : i32
          %dma_start3A_303 = arith.constant 96 : i32
          %dma_start3A_304 = arith.constant 0 : i32
          %dma_start3A_305 = tpu.memref_slice %arg12[%dma_start3A_303, %dma_start3A_304] : memref<192x128xf32, #tpu.memory_space<vmem>> -> memref<48x128xf32, #tpu.memory_space<vmem>>
          %dma_start3A_306 = tpu.memref_slice %arg10[%mul3A_302] : memref<4704xi32, #tpu.memory_space<vmem>> -> memref<48xi32, #tpu.memory_space<vmem>>
          %dma_start3A_307 = arith.constant 0 : i32
          %dma_start3A_308 = arith.constant 0 : i32
          %dma_start3A_309 = tpu.memref_slice %arg2[%dma_start3A_307, %dma_start3A_308] : memref<50000x128xf32, #tpu.memory_space<hbm>> -> memref<50000x128xf32, #tpu.memory_space<hbm>>
          tpu.enqueue_indirect_dma source(%dma_start3A_309 : memref<50000x128xf32, #tpu.memory_space<hbm>>) target(%dma_start3A_305 : memref<48x128xf32, #tpu.memory_space<vmem>>) offsets(%dma_start3A_306 : memref<48xi32, #tpu.memory_space<vmem>>) semaphore(%arg18 : memref<!tpu.dma_semaphore, #tpu.memory_space<semaphore_mem>>)
          %mul3A_310 = arith.constant 48 : i32
          %mul3A_311 = arith.muli %add3A_282, %mul3A_310 : i32
          %dma_start3A_312 = arith.constant 144 : i32
          %dma_start3A_313 = arith.constant 0 : i32
          %dma_start3A_314 = tpu.memref_slice %arg12[%dma_start3A_312, %dma_start3A_313] : memref<192x128xf32, #tpu.memory_space<vmem>> -> memref<48x128xf32, #tpu.memory_space<vmem>>
          %dma_start3A_315 = tpu.memref_slice %arg11[%mul3A_311] : memref<4704xi32, #tpu.memory_space<vmem>> -> memref<48xi32, #tpu.memory_space<vmem>>
          %dma_start3A_316 = arith.constant 0 : i32
          %dma_start3A_317 = arith.constant 0 : i32
          %dma_start3A_318 = tpu.memref_slice %arg2[%dma_start3A_316, %dma_start3A_317] : memref<50000x128xf32, #tpu.memory_space<hbm>> -> memref<50000x128xf32, #tpu.memory_space<hbm>>
          tpu.enqueue_indirect_dma source(%dma_start3A_318 : memref<50000x128xf32, #tpu.memory_space<hbm>>) target(%dma_start3A_314 : memref<48x128xf32, #tpu.memory_space<vmem>>) offsets(%dma_start3A_315 : memref<48xi32, #tpu.memory_space<vmem>>) semaphore(%arg18 : memref<!tpu.dma_semaphore, #tpu.memory_space<semaphore_mem>>)
        } else {
        }
        %add3A_274 = arith.addi %add3A_4, %add3A_237 : i32
        %mul3A_275 = arith.constant 48 : i32
        %mul3A_276 = arith.muli %add3A_274, %mul3A_275 : i32
        %dma_start3A_277 = arith.constant 0 : i32
        %dma_start3A_278 = tpu.memref_slice %arg7[%mul3A_276, %dma_start3A_277] : memref<150000x128xf32, #tpu.memory_space<hbm>> -> memref<48x128xf32, #tpu.memory_space<hbm>>
        %dma_start3A_279 = arith.constant 0 : i32
        %dma_start3A_280 = tpu.memref_slice %arg7[%mul3A_276, %dma_start3A_279] : memref<150000x128xf32, #tpu.memory_space<hbm>> -> memref<48x128xf32, #tpu.memory_space<hbm>>
        tpu.enqueue_dma source(%arg15 : memref<48x128xf32, #tpu.memory_space<vmem>>) target(%dma_start3A_280 : memref<48x128xf32, #tpu.memory_space<hbm>>) target_semaphore(%arg21 : memref<!tpu.dma_semaphore, #tpu.memory_space<semaphore_mem>>)
      } else {
      }
      %add3A_242 = arith.constant 1 : i32
      %add3A_243 = arith.addi %add3A_235, %add3A_242 : i32
      %lt3A_244 = arith.cmpi slt, %add3A_243, %add3A_8 : i32
      %convert_element_type3A_245 = arith.extui %lt3A_244 : i1 to i32
      %cond3A_246 = arith.constant 0 : i32
      %cond3A_247 = arith.cmpi ne, %convert_element_type3A_245, %cond3A_246 : i32
      scf.if %cond3A_247 {
        %dma_wait3A_254 = arith.constant 0 : i32
        %dma_wait3A_255 = arith.constant 0 : i32
        %dma_wait3A_256 = tpu.memref_slice %arg2[%dma_wait3A_254, %dma_wait3A_255] : memref<50000x128xf32, #tpu.memory_space<hbm>> -> memref<192x128xf32, #tpu.memory_space<hbm>>
        %dma_wait3A_257 = arith.constant 0 : i32
        %dma_wait3A_258 = arith.constant 0 : i32
        %dma_wait3A_259 = tpu.memref_slice %arg2[%dma_wait3A_257, %dma_wait3A_258] : memref<50000x128xf32, #tpu.memory_space<hbm>> -> memref<192x128xf32, #tpu.memory_space<hbm>>
        tpu.wait_dma2 semaphore(%arg19 : memref<!tpu.dma_semaphore, #tpu.memory_space<semaphore_mem>>) src(%dma_wait3A_259 : memref<192x128xf32, #tpu.memory_space<hbm>>) dst(%arg13 : memref<192x128xf32, #tpu.memory_space<vmem>>)
        %ge3A = arith.constant 3 : i32
        %ge3A_260 = arith.cmpi sge, %add3A_243, %ge3A : i32
        %convert_element_type3A_261 = arith.extui %ge3A_260 : i1 to i32
        %cond3A_262 = arith.constant 0 : i32
        %cond3A_263 = arith.cmpi ne, %convert_element_type3A_261, %cond3A_262 : i32
        scf.if %cond3A_263 {
          %dma_wait3A_281 = arith.constant 0 : i32
          %dma_wait3A_282 = arith.constant 0 : i32
          %dma_wait3A_283 = tpu.memref_slice %arg7[%dma_wait3A_281, %dma_wait3A_282] : memref<150000x128xf32, #tpu.memory_space<hbm>> -> memref<48x128xf32, #tpu.memory_space<hbm>>
          %dma_wait3A_284 = arith.constant 0 : i32
          %dma_wait3A_285 = arith.constant 0 : i32
          %dma_wait3A_286 = tpu.memref_slice %arg7[%dma_wait3A_284, %dma_wait3A_285] : memref<150000x128xf32, #tpu.memory_space<hbm>> -> memref<48x128xf32, #tpu.memory_space<hbm>>
          tpu.wait_dma2 semaphore(%arg22 : memref<!tpu.dma_semaphore, #tpu.memory_space<semaphore_mem>>) src(%arg16 : memref<48x128xf32, #tpu.memory_space<vmem>>) dst(%dma_wait3A_286 : memref<48x128xf32, #tpu.memory_space<hbm>>)
        } else {
        }
        %scan3A = arith.constant 0 : i32
        %scan3A_264 = arith.constant 48 : i32
        %scan3A_265 = arith.addi %scan3A, %scan3A_264 : i32
        %scan3A_266 = arith.constant 1 : i32
        scf.for %scan3A_281 = %scan3A to %scan3A_265 step %scan3A_266  : i32 {
          %mul3A_282 = arith.constant 1 : i32
          %mul3A_283 = arith.muli %scan3A_281, %mul3A_282 : i32
          %add3A_284 = arith.constant 0 : i32
          %add3A_285 = arith.addi %add3A_284, %mul3A_283 : i32
          %get3A = arith.index_cast %add3A_285 : i32 to index
          %get3A_286 = arith.constant 0 : index
          %get3A_287 = tpu.vector_load %arg13[%get3A, %get3A_286] {strides = array<i32>} : memref<192x128xf32, #tpu.memory_space<vmem>>, vector<16xf32>,
          %add3A_288 = arith.constant 48 : i32
          %add3A_289 = arith.addi %add3A_288, %add3A_285 : i32
          %get3A_290 = arith.index_cast %add3A_289 : i32 to index
          %get3A_291 = arith.constant 0 : index
          %get3A_292 = tpu.vector_load %arg13[%get3A_290, %get3A_291] {strides = array<i32>} : memref<192x128xf32, #tpu.memory_space<vmem>>, vector<16xf32>,
          %mul3A_293 = arith.mulf %get3A_287, %get3A_292 : vector<16xf32>
          %add3A_294 = arith.constant 96 : i32
          %add3A_295 = arith.addi %add3A_294, %add3A_285 : i32
          %get3A_296 = arith.index_cast %add3A_295 : i32 to index
          %get3A_297 = arith.constant 0 : index
          %get3A_298 = tpu.vector_load %arg13[%get3A_296, %get3A_297] {strides = array<i32>} : memref<192x128xf32, #tpu.memory_space<vmem>>, vector<16xf32>,
          %add3A_299 = arith.constant 144 : i32
          %add3A_300 = arith.addi %add3A_299, %add3A_285 : i32
          %get3A_301 = arith.index_cast %add3A_300 : i32 to index
          %get3A_302 = arith.constant 0 : index
          %get3A_303 = tpu.vector_load %arg13[%get3A_301, %get3A_302] {strides = array<i32>} : memref<192x128xf32, #tpu.memory_space<vmem>>, vector<16xf32>,
          %mul3A_304 = arith.mulf %get3A_298, %get3A_303 : vector<16xf32>
          %mul3A_305 = arith.mulf %mul3A_293, %mul3A_304 : vector<16xf32>
          %swap3A = arith.index_cast %add3A_285 : i32 to index
          %swap3A_306 = arith.constant 0 : index
          %swap3A_307 = tpu.vector_load %arg16[%swap3A, %swap3A_306] {strides = array<i32>} : memref<48x128xf32, #tpu.memory_space<vmem>>, vector<16xf32>,
          tpu.vector_store %arg16[%swap3A, %swap3A_306], %mul3A_305 {strides = array<i32>} : memref<48x128xf32, #tpu.memory_space<vmem>>, vector<16xf32>,
          %get3A_308 = arith.index_cast %add3A_285 : i32 to index
          %get3A_309 = arith.constant 16 : index
          %get3A_310 = tpu.vector_load %arg13[%get3A_308, %get3A_309] {strides = array<i32>} : memref<192x128xf32, #tpu.memory_space<vmem>>, vector<16xf32>,
          %add3A_311 = arith.constant 48 : i32
          %add3A_312 = arith.addi %add3A_311, %add3A_285 : i32
          %get3A_313 = arith.index_cast %add3A_312 : i32 to index
          %get3A_314 = arith.constant 16 : index
          %get3A_315 = tpu.vector_load %arg13[%get3A_313, %get3A_314] {strides = array<i32>} : memref<192x128xf32, #tpu.memory_space<vmem>>, vector<16xf32>,
          %mul3A_316 = arith.mulf %get3A_310, %get3A_315 : vector<16xf32>
          %add3A_317 = arith.constant 96 : i32
          %add3A_318 = arith.addi %add3A_317, %add3A_285 : i32
          %get3A_319 = arith.index_cast %add3A_318 : i32 to index
          %get3A_320 = arith.constant 16 : index
          %get3A_321 = tpu.vector_load %arg13[%get3A_319, %get3A_320] {strides = array<i32>} : memref<192x128xf32, #tpu.memory_space<vmem>>, vector<16xf32>,
          %add3A_322 = arith.constant 144 : i32
          %add3A_323 = arith.addi %add3A_322, %add3A_285 : i32
          %get3A_324 = arith.index_cast %add3A_323 : i32 to index
          %get3A_325 = arith.constant 16 : index
          %get3A_326 = tpu.vector_load %arg13[%get3A_324, %get3A_325] {strides = array<i32>} : memref<192x128xf32, #tpu.memory_space<vmem>>, vector<16xf32>,
          %mul3A_327 = arith.mulf %get3A_321, %get3A_326 : vector<16xf32>
          %mul3A_328 = arith.mulf %mul3A_316, %mul3A_327 : vector<16xf32>
          %swap3A_329 = arith.index_cast %add3A_285 : i32 to index
          %swap3A_330 = arith.constant 16 : index
          %swap3A_331 = tpu.vector_load %arg16[%swap3A_329, %swap3A_330] {strides = array<i32>} : memref<48x128xf32, #tpu.memory_space<vmem>>, vector<16xf32>,
          tpu.vector_store %arg16[%swap3A_329, %swap3A_330], %mul3A_328 {strides = array<i32>} : memref<48x128xf32, #tpu.memory_space<vmem>>, vector<16xf32>,
          %get3A_332 = arith.index_cast %add3A_285 : i32 to index
          %get3A_333 = arith.constant 32 : index
          %get3A_334 = tpu.vector_load %arg13[%get3A_332, %get3A_333] {strides = array<i32>} : memref<192x128xf32, #tpu.memory_space<vmem>>, vector<16xf32>,
          %add3A_335 = arith.constant 48 : i32
          %add3A_336 = arith.addi %add3A_335, %add3A_285 : i32
          %get3A_337 = arith.index_cast %add3A_336 : i32 to index
          %get3A_338 = arith.constant 32 : index
          %get3A_339 = tpu.vector_load %arg13[%get3A_337, %get3A_338] {strides = array<i32>} : memref<192x128xf32, #tpu.memory_space<vmem>>, vector<16xf32>,
          %mul3A_340 = arith.mulf %get3A_334, %get3A_339 : vector<16xf32>
          %add3A_341 = arith.constant 96 : i32
          %add3A_342 = arith.addi %add3A_341, %add3A_285 : i32
          %get3A_343 = arith.index_cast %add3A_342 : i32 to index
          %get3A_344 = arith.constant 32 : index
          %get3A_345 = tpu.vector_load %arg13[%get3A_343, %get3A_344] {strides = array<i32>} : memref<192x128xf32, #tpu.memory_space<vmem>>, vector<16xf32>,
          %add3A_346 = arith.constant 144 : i32
          %add3A_347 = arith.addi %add3A_346, %add3A_285 : i32
          %get3A_348 = arith.index_cast %add3A_347 : i32 to index
          %get3A_349 = arith.constant 32 : index
          %get3A_350 = tpu.vector_load %arg13[%get3A_348, %get3A_349] {strides = array<i32>} : memref<192x128xf32, #tpu.memory_space<vmem>>, vector<16xf32>,
          %mul3A_351 = arith.mulf %get3A_345, %get3A_350 : vector<16xf32>
          %mul3A_352 = arith.mulf %mul3A_340, %mul3A_351 : vector<16xf32>
          %swap3A_353 = arith.index_cast %add3A_285 : i32 to index
          %swap3A_354 = arith.constant 32 : index
          %swap3A_355 = tpu.vector_load %arg16[%swap3A_353, %swap3A_354] {strides = array<i32>} : memref<48x128xf32, #tpu.memory_space<vmem>>, vector<16xf32>,
          tpu.vector_store %arg16[%swap3A_353, %swap3A_354], %mul3A_352 {strides = array<i32>} : memref<48x128xf32, #tpu.memory_space<vmem>>, vector<16xf32>,
          %get3A_356 = arith.index_cast %add3A_285 : i32 to index
          %get3A_357 = arith.constant 48 : index
          %get3A_358 = tpu.vector_load %arg13[%get3A_356, %get3A_357] {strides = array<i32>} : memref<192x128xf32, #tpu.memory_space<vmem>>, vector<16xf32>,
          %add3A_359 = arith.constant 48 : i32
          %add3A_360 = arith.addi %add3A_359, %add3A_285 : i32
          %get3A_361 = arith.index_cast %add3A_360 : i32 to index
          %get3A_362 = arith.constant 48 : index
          %get3A_363 = tpu.vector_load %arg13[%get3A_361, %get3A_362] {strides = array<i32>} : memref<192x128xf32, #tpu.memory_space<vmem>>, vector<16xf32>,
          %mul3A_364 = arith.mulf %get3A_358, %get3A_363 : vector<16xf32>
          %add3A_365 = arith.constant 96 : i32
          %add3A_366 = arith.addi %add3A_365, %add3A_285 : i32
          %get3A_367 = arith.index_cast %add3A_366 : i32 to index
          %get3A_368 = arith.constant 48 : index
          %get3A_369 = tpu.vector_load %arg13[%get3A_367, %get3A_368] {strides = array<i32>} : memref<192x128xf32, #tpu.memory_space<vmem>>, vector<16xf32>,
          %add3A_370 = arith.constant 144 : i32
          %add3A_371 = arith.addi %add3A_370, %add3A_285 : i32
          %get3A_372 = arith.index_cast %add3A_371 : i32 to index
          %get3A_373 = arith.constant 48 : index
          %get3A_374 = tpu.vector_load %arg13[%get3A_372, %get3A_373] {strides = array<i32>} : memref<192x128xf32, #tpu.memory_space<vmem>>, vector<16xf32>,
          %mul3A_375 = arith.mulf %get3A_369, %get3A_374 : vector<16xf32>
          %mul3A_376 = arith.mulf %mul3A_364, %mul3A_375 : vector<16xf32>
          %swap3A_377 = arith.index_cast %add3A_285 : i32 to index
          %swap3A_378 = arith.constant 48 : index
          %swap3A_379 = tpu.vector_load %arg16[%swap3A_377, %swap3A_378] {strides = array<i32>} : memref<48x128xf32, #tpu.memory_space<vmem>>, vector<16xf32>,
          tpu.vector_store %arg16[%swap3A_377, %swap3A_378], %mul3A_376 {strides = array<i32>} : memref<48x128xf32, #tpu.memory_space<vmem>>, vector<16xf32>,
          %get3A_380 = arith.index_cast %add3A_285 : i32 to index
          %get3A_381 = arith.constant 64 : index
          %get3A_382 = tpu.vector_load %arg13[%get3A_380, %get3A_381] {strides = array<i32>} : memref<192x128xf32, #tpu.memory_space<vmem>>, vector<16xf32>,
          %add3A_383 = arith.constant 48 : i32
          %add3A_384 = arith.addi %add3A_383, %add3A_285 : i32
          %get3A_385 = arith.index_cast %add3A_384 : i32 to index
          %get3A_386 = arith.constant 64 : index
          %get3A_387 = tpu.vector_load %arg13[%get3A_385, %get3A_386] {strides = array<i32>} : memref<192x128xf32, #tpu.memory_space<vmem>>, vector<16xf32>,
          %mul3A_388 = arith.mulf %get3A_382, %get3A_387 : vector<16xf32>
          %add3A_389 = arith.constant 96 : i32
          %add3A_390 = arith.addi %add3A_389, %add3A_285 : i32
          %get3A_391 = arith.index_cast %add3A_390 : i32 to index
          %get3A_392 = arith.constant 64 : index
          %get3A_393 = tpu.vector_load %arg13[%get3A_391, %get3A_392] {strides = array<i32>} : memref<192x128xf32, #tpu.memory_space<vmem>>, vector<16xf32>,
          %add3A_394 = arith.constant 144 : i32
          %add3A_395 = arith.addi %add3A_394, %add3A_285 : i32
          %get3A_396 = arith.index_cast %add3A_395 : i32 to index
          %get3A_397 = arith.constant 64 : index
          %get3A_398 = tpu.vector_load %arg13[%get3A_396, %get3A_397] {strides = array<i32>} : memref<192x128xf32, #tpu.memory_space<vmem>>, vector<16xf32>,
          %mul3A_399 = arith.mulf %get3A_393, %get3A_398 : vector<16xf32>
          %mul3A_400 = arith.mulf %mul3A_388, %mul3A_399 : vector<16xf32>
          %swap3A_401 = arith.index_cast %add3A_285 : i32 to index
          %swap3A_402 = arith.constant 64 : index
          %swap3A_403 = tpu.vector_load %arg16[%swap3A_401, %swap3A_402] {strides = array<i32>} : memref<48x128xf32, #tpu.memory_space<vmem>>, vector<16xf32>,
          tpu.vector_store %arg16[%swap3A_401, %swap3A_402], %mul3A_400 {strides = array<i32>} : memref<48x128xf32, #tpu.memory_space<vmem>>, vector<16xf32>,
          %get3A_404 = arith.index_cast %add3A_285 : i32 to index
          %get3A_405 = arith.constant 80 : index
          %get3A_406 = tpu.vector_load %arg13[%get3A_404, %get3A_405] {strides = array<i32>} : memref<192x128xf32, #tpu.memory_space<vmem>>, vector<16xf32>,
          %add3A_407 = arith.constant 48 : i32
          %add3A_408 = arith.addi %add3A_407, %add3A_285 : i32
          %get3A_409 = arith.index_cast %add3A_408 : i32 to index
          %get3A_410 = arith.constant 80 : index
          %get3A_411 = tpu.vector_load %arg13[%get3A_409, %get3A_410] {strides = array<i32>} : memref<192x128xf32, #tpu.memory_space<vmem>>, vector<16xf32>,
          %mul3A_412 = arith.mulf %get3A_406, %get3A_411 : vector<16xf32>
          %add3A_413 = arith.constant 96 : i32
          %add3A_414 = arith.addi %add3A_413, %add3A_285 : i32
          %get3A_415 = arith.index_cast %add3A_414 : i32 to index
          %get3A_416 = arith.constant 80 : index
          %get3A_417 = tpu.vector_load %arg13[%get3A_415, %get3A_416] {strides = array<i32>} : memref<192x128xf32, #tpu.memory_space<vmem>>, vector<16xf32>,
          %add3A_418 = arith.constant 144 : i32
          %add3A_419 = arith.addi %add3A_418, %add3A_285 : i32
          %get3A_420 = arith.index_cast %add3A_419 : i32 to index
          %get3A_421 = arith.constant 80 : index
          %get3A_422 = tpu.vector_load %arg13[%get3A_420, %get3A_421] {strides = array<i32>} : memref<192x128xf32, #tpu.memory_space<vmem>>, vector<16xf32>,
          %mul3A_423 = arith.mulf %get3A_417, %get3A_422 : vector<16xf32>
          %mul3A_424 = arith.mulf %mul3A_412, %mul3A_423 : vector<16xf32>
          %swap3A_425 = arith.index_cast %add3A_285 : i32 to index
          %swap3A_426 = arith.constant 80 : index
          %swap3A_427 = tpu.vector_load %arg16[%swap3A_425, %swap3A_426] {strides = array<i32>} : memref<48x128xf32, #tpu.memory_space<vmem>>, vector<16xf32>,
          tpu.vector_store %arg16[%swap3A_425, %swap3A_426], %mul3A_424 {strides = array<i32>} : memref<48x128xf32, #tpu.memory_space<vmem>>, vector<16xf32>,
          %get3A_428 = arith.index_cast %add3A_285 : i32 to index
          %get3A_429 = arith.constant 96 : index
          %get3A_430 = tpu.vector_load %arg13[%get3A_428, %get3A_429] {strides = array<i32>} : memref<192x128xf32, #tpu.memory_space<vmem>>, vector<16xf32>,
          %add3A_431 = arith.constant 48 : i32
          %add3A_432 = arith.addi %add3A_431, %add3A_285 : i32
          %get3A_433 = arith.index_cast %add3A_432 : i32 to index
          %get3A_434 = arith.constant 96 : index
          %get3A_435 = tpu.vector_load %arg13[%get3A_433, %get3A_434] {strides = array<i32>} : memref<192x128xf32, #tpu.memory_space<vmem>>, vector<16xf32>,
          %mul3A_436 = arith.mulf %get3A_430, %get3A_435 : vector<16xf32>
          %add3A_437 = arith.constant 96 : i32
          %add3A_438 = arith.addi %add3A_437, %add3A_285 : i32
          %get3A_439 = arith.index_cast %add3A_438 : i32 to index
          %get3A_440 = arith.constant 96 : index
          %get3A_441 = tpu.vector_load %arg13[%get3A_439, %get3A_440] {strides = array<i32>} : memref<192x128xf32, #tpu.memory_space<vmem>>, vector<16xf32>,
          %add3A_442 = arith.constant 144 : i32
          %add3A_443 = arith.addi %add3A_442, %add3A_285 : i32
          %get3A_444 = arith.index_cast %add3A_443 : i32 to index
          %get3A_445 = arith.constant 96 : index
          %get3A_446 = tpu.vector_load %arg13[%get3A_444, %get3A_445] {strides = array<i32>} : memref<192x128xf32, #tpu.memory_space<vmem>>, vector<16xf32>,
          %mul3A_447 = arith.mulf %get3A_441, %get3A_446 : vector<16xf32>
          %mul3A_448 = arith.mulf %mul3A_436, %mul3A_447 : vector<16xf32>
          %swap3A_449 = arith.index_cast %add3A_285 : i32 to index
          %swap3A_450 = arith.constant 96 : index
          %swap3A_451 = tpu.vector_load %arg16[%swap3A_449, %swap3A_450] {strides = array<i32>} : memref<48x128xf32, #tpu.memory_space<vmem>>, vector<16xf32>,
          tpu.vector_store %arg16[%swap3A_449, %swap3A_450], %mul3A_448 {strides = array<i32>} : memref<48x128xf32, #tpu.memory_space<vmem>>, vector<16xf32>,
          %get3A_452 = arith.index_cast %add3A_285 : i32 to index
          %get3A_453 = arith.constant 112 : index
          %get3A_454 = tpu.vector_load %arg13[%get3A_452, %get3A_453] {strides = array<i32>} : memref<192x128xf32, #tpu.memory_space<vmem>>, vector<16xf32>,
          %add3A_455 = arith.constant 48 : i32
          %add3A_456 = arith.addi %add3A_455, %add3A_285 : i32
          %get3A_457 = arith.index_cast %add3A_456 : i32 to index
          %get3A_458 = arith.constant 112 : index
          %get3A_459 = tpu.vector_load %arg13[%get3A_457, %get3A_458] {strides = array<i32>} : memref<192x128xf32, #tpu.memory_space<vmem>>, vector<16xf32>,
          %mul3A_460 = arith.mulf %get3A_454, %get3A_459 : vector<16xf32>
          %add3A_461 = arith.constant 96 : i32
          %add3A_462 = arith.addi %add3A_461, %add3A_285 : i32
          %get3A_463 = arith.index_cast %add3A_462 : i32 to index
          %get3A_464 = arith.constant 112 : index
          %get3A_465 = tpu.vector_load %arg13[%get3A_463, %get3A_464] {strides = array<i32>} : memref<192x128xf32, #tpu.memory_space<vmem>>, vector<16xf32>,
          %add3A_466 = arith.constant 144 : i32
          %add3A_467 = arith.addi %add3A_466, %add3A_285 : i32
          %get3A_468 = arith.index_cast %add3A_467 : i32 to index
          %get3A_469 = arith.constant 112 : index
          %get3A_470 = tpu.vector_load %arg13[%get3A_468, %get3A_469] {strides = array<i32>} : memref<192x128xf32, #tpu.memory_space<vmem>>, vector<16xf32>,
          %mul3A_471 = arith.mulf %get3A_465, %get3A_470 : vector<16xf32>
          %mul3A_472 = arith.mulf %mul3A_460, %mul3A_471 : vector<16xf32>
          %swap3A_473 = arith.index_cast %add3A_285 : i32 to index
          %swap3A_474 = arith.constant 112 : index
          %swap3A_475 = tpu.vector_load %arg16[%swap3A_473, %swap3A_474] {strides = array<i32>} : memref<48x128xf32, #tpu.memory_space<vmem>>, vector<16xf32>,
          tpu.vector_store %arg16[%swap3A_473, %swap3A_474], %mul3A_472 {strides = array<i32>} : memref<48x128xf32, #tpu.memory_space<vmem>>, vector<16xf32>,
        }
        %scan3A_267 = arith.constant 48 : i32
        %add3A_268 = arith.constant 3 : i32
        %add3A_269 = arith.addi %add3A_243, %add3A_268 : i32
        %lt3A_270 = arith.cmpi slt, %add3A_269, %add3A_8 : i32
        %convert_element_type3A_271 = arith.extui %lt3A_270 : i1 to i32
        %cond3A_272 = arith.constant 0 : i32
        %cond3A_273 = arith.cmpi ne, %convert_element_type3A_271, %cond3A_272 : i32
        scf.if %cond3A_273 {
          %add3A_281 = arith.constant 3 : i32
          %add3A_282 = arith.addi %add3A_243, %add3A_281 : i32
          %mul3A_283 = arith.constant 48 : i32
          %mul3A_284 = arith.muli %add3A_282, %mul3A_283 : i32
          %dma_start3A_285 = arith.constant 0 : i32
          %dma_start3A_286 = arith.constant 0 : i32
          %dma_start3A_287 = tpu.memref_slice %arg13[%dma_start3A_285, %dma_start3A_286] : memref<192x128xf32, #tpu.memory_space<vmem>> -> memref<48x128xf32, #tpu.memory_space<vmem>>
          %dma_start3A_288 = tpu.memref_slice %arg8[%mul3A_284] : memref<4704xi32, #tpu.memory_space<vmem>> -> memref<48xi32, #tpu.memory_space<vmem>>
          %dma_start3A_289 = arith.constant 0 : i32
          %dma_start3A_290 = arith.constant 0 : i32
          %dma_start3A_291 = tpu.memref_slice %arg2[%dma_start3A_289, %dma_start3A_290] : memref<50000x128xf32, #tpu.memory_space<hbm>> -> memref<50000x128xf32, #tpu.memory_space<hbm>>
          tpu.enqueue_indirect_dma source(%dma_start3A_291 : memref<50000x128xf32, #tpu.memory_space<hbm>>) target(%dma_start3A_287 : memref<48x128xf32, #tpu.memory_space<vmem>>) offsets(%dma_start3A_288 : memref<48xi32, #tpu.memory_space<vmem>>) semaphore(%arg19 : memref<!tpu.dma_semaphore, #tpu.memory_space<semaphore_mem>>)
          %mul3A_292 = arith.constant 48 : i32
          %mul3A_293 = arith.muli %add3A_282, %mul3A_292 : i32
          %dma_start3A_294 = arith.constant 48 : i32
          %dma_start3A_295 = arith.constant 0 : i32
          %dma_start3A_296 = tpu.memref_slice %arg13[%dma_start3A_294, %dma_start3A_295] : memref<192x128xf32, #tpu.memory_space<vmem>> -> memref<48x128xf32, #tpu.memory_space<vmem>>
          %dma_start3A_297 = tpu.memref_slice %arg9[%mul3A_293] : memref<4704xi32, #tpu.memory_space<vmem>> -> memref<48xi32, #tpu.memory_space<vmem>>
          %dma_start3A_298 = arith.constant 0 : i32
          %dma_start3A_299 = arith.constant 0 : i32
          %dma_start3A_300 = tpu.memref_slice %arg2[%dma_start3A_298, %dma_start3A_299] : memref<50000x128xf32, #tpu.memory_space<hbm>> -> memref<50000x128xf32, #tpu.memory_space<hbm>>
          tpu.enqueue_indirect_dma source(%dma_start3A_300 : memref<50000x128xf32, #tpu.memory_space<hbm>>) target(%dma_start3A_296 : memref<48x128xf32, #tpu.memory_space<vmem>>) offsets(%dma_start3A_297 : memref<48xi32, #tpu.memory_space<vmem>>) semaphore(%arg19 : memref<!tpu.dma_semaphore, #tpu.memory_space<semaphore_mem>>)
          %mul3A_301 = arith.constant 48 : i32
          %mul3A_302 = arith.muli %add3A_282, %mul3A_301 : i32
          %dma_start3A_303 = arith.constant 96 : i32
          %dma_start3A_304 = arith.constant 0 : i32
          %dma_start3A_305 = tpu.memref_slice %arg13[%dma_start3A_303, %dma_start3A_304] : memref<192x128xf32, #tpu.memory_space<vmem>> -> memref<48x128xf32, #tpu.memory_space<vmem>>
          %dma_start3A_306 = tpu.memref_slice %arg10[%mul3A_302] : memref<4704xi32, #tpu.memory_space<vmem>> -> memref<48xi32, #tpu.memory_space<vmem>>
          %dma_start3A_307 = arith.constant 0 : i32
          %dma_start3A_308 = arith.constant 0 : i32
          %dma_start3A_309 = tpu.memref_slice %arg2[%dma_start3A_307, %dma_start3A_308] : memref<50000x128xf32, #tpu.memory_space<hbm>> -> memref<50000x128xf32, #tpu.memory_space<hbm>>
          tpu.enqueue_indirect_dma source(%dma_start3A_309 : memref<50000x128xf32, #tpu.memory_space<hbm>>) target(%dma_start3A_305 : memref<48x128xf32, #tpu.memory_space<vmem>>) offsets(%dma_start3A_306 : memref<48xi32, #tpu.memory_space<vmem>>) semaphore(%arg19 : memref<!tpu.dma_semaphore, #tpu.memory_space<semaphore_mem>>)
          %mul3A_310 = arith.constant 48 : i32
          %mul3A_311 = arith.muli %add3A_282, %mul3A_310 : i32
          %dma_start3A_312 = arith.constant 144 : i32
          %dma_start3A_313 = arith.constant 0 : i32
          %dma_start3A_314 = tpu.memref_slice %arg13[%dma_start3A_312, %dma_start3A_313] : memref<192x128xf32, #tpu.memory_space<vmem>> -> memref<48x128xf32, #tpu.memory_space<vmem>>
          %dma_start3A_315 = tpu.memref_slice %arg11[%mul3A_311] : memref<4704xi32, #tpu.memory_space<vmem>> -> memref<48xi32, #tpu.memory_space<vmem>>
          %dma_start3A_316 = arith.constant 0 : i32
          %dma_start3A_317 = arith.constant 0 : i32
          %dma_start3A_318 = tpu.memref_slice %arg2[%dma_start3A_316, %dma_start3A_317] : memref<50000x128xf32, #tpu.memory_space<hbm>> -> memref<50000x128xf32, #tpu.memory_space<hbm>>
          tpu.enqueue_indirect_dma source(%dma_start3A_318 : memref<50000x128xf32, #tpu.memory_space<hbm>>) target(%dma_start3A_314 : memref<48x128xf32, #tpu.memory_space<vmem>>) offsets(%dma_start3A_315 : memref<48xi32, #tpu.memory_space<vmem>>) semaphore(%arg19 : memref<!tpu.dma_semaphore, #tpu.memory_space<semaphore_mem>>)
        } else {
        }
        %add3A_274 = arith.addi %add3A_4, %add3A_243 : i32
        %mul3A_275 = arith.constant 48 : i32
        %mul3A_276 = arith.muli %add3A_274, %mul3A_275 : i32
        %dma_start3A_277 = arith.constant 0 : i32
        %dma_start3A_278 = tpu.memref_slice %arg7[%mul3A_276, %dma_start3A_277] : memref<150000x128xf32, #tpu.memory_space<hbm>> -> memref<48x128xf32, #tpu.memory_space<hbm>>
        %dma_start3A_279 = arith.constant 0 : i32
        %dma_start3A_280 = tpu.memref_slice %arg7[%mul3A_276, %dma_start3A_279] : memref<150000x128xf32, #tpu.memory_space<hbm>> -> memref<48x128xf32, #tpu.memory_space<hbm>>
        tpu.enqueue_dma source(%arg16 : memref<48x128xf32, #tpu.memory_space<vmem>>) target(%dma_start3A_280 : memref<48x128xf32, #tpu.memory_space<hbm>>) target_semaphore(%arg22 : memref<!tpu.dma_semaphore, #tpu.memory_space<semaphore_mem>>)
      } else {
      }
      %add3A_248 = arith.constant 2 : i32
      %add3A_249 = arith.addi %add3A_235, %add3A_248 : i32
      %lt3A_250 = arith.cmpi slt, %add3A_249, %add3A_8 : i32
      %convert_element_type3A_251 = arith.extui %lt3A_250 : i1 to i32
      %cond3A_252 = arith.constant 0 : i32
      %cond3A_253 = arith.cmpi ne, %convert_element_type3A_251, %cond3A_252 : i32
      scf.if %cond3A_253 {
        %dma_wait3A_254 = arith.constant 0 : i32
        %dma_wait3A_255 = arith.constant 0 : i32
        %dma_wait3A_256 = tpu.memref_slice %arg2[%dma_wait3A_254, %dma_wait3A_255] : memref<50000x128xf32, #tpu.memory_space<hbm>> -> memref<192x128xf32, #tpu.memory_space<hbm>>
        %dma_wait3A_257 = arith.constant 0 : i32
        %dma_wait3A_258 = arith.constant 0 : i32
        %dma_wait3A_259 = tpu.memref_slice %arg2[%dma_wait3A_257, %dma_wait3A_258] : memref<50000x128xf32, #tpu.memory_space<hbm>> -> memref<192x128xf32, #tpu.memory_space<hbm>>
        tpu.wait_dma2 semaphore(%arg20 : memref<!tpu.dma_semaphore, #tpu.memory_space<semaphore_mem>>) src(%dma_wait3A_259 : memref<192x128xf32, #tpu.memory_space<hbm>>) dst(%arg14 : memref<192x128xf32, #tpu.memory_space<vmem>>)
        %ge3A = arith.constant 3 : i32
        %ge3A_260 = arith.cmpi sge, %add3A_249, %ge3A : i32
        %convert_element_type3A_261 = arith.extui %ge3A_260 : i1 to i32
        %cond3A_262 = arith.constant 0 : i32
        %cond3A_263 = arith.cmpi ne, %convert_element_type3A_261, %cond3A_262 : i32
        scf.if %cond3A_263 {
          %dma_wait3A_281 = arith.constant 0 : i32
          %dma_wait3A_282 = arith.constant 0 : i32
          %dma_wait3A_283 = tpu.memref_slice %arg7[%dma_wait3A_281, %dma_wait3A_282] : memref<150000x128xf32, #tpu.memory_space<hbm>> -> memref<48x128xf32, #tpu.memory_space<hbm>>
          %dma_wait3A_284 = arith.constant 0 : i32
          %dma_wait3A_285 = arith.constant 0 : i32
          %dma_wait3A_286 = tpu.memref_slice %arg7[%dma_wait3A_284, %dma_wait3A_285] : memref<150000x128xf32, #tpu.memory_space<hbm>> -> memref<48x128xf32, #tpu.memory_space<hbm>>
          tpu.wait_dma2 semaphore(%arg23 : memref<!tpu.dma_semaphore, #tpu.memory_space<semaphore_mem>>) src(%arg17 : memref<48x128xf32, #tpu.memory_space<vmem>>) dst(%dma_wait3A_286 : memref<48x128xf32, #tpu.memory_space<hbm>>)
        } else {
        }
        %scan3A = arith.constant 0 : i32
        %scan3A_264 = arith.constant 48 : i32
        %scan3A_265 = arith.addi %scan3A, %scan3A_264 : i32
        %scan3A_266 = arith.constant 1 : i32
        scf.for %scan3A_281 = %scan3A to %scan3A_265 step %scan3A_266  : i32 {
          %mul3A_282 = arith.constant 1 : i32
          %mul3A_283 = arith.muli %scan3A_281, %mul3A_282 : i32
          %add3A_284 = arith.constant 0 : i32
          %add3A_285 = arith.addi %add3A_284, %mul3A_283 : i32
          %get3A = arith.index_cast %add3A_285 : i32 to index
          %get3A_286 = arith.constant 0 : index
          %get3A_287 = tpu.vector_load %arg14[%get3A, %get3A_286] {strides = array<i32>} : memref<192x128xf32, #tpu.memory_space<vmem>>, vector<16xf32>,
          %add3A_288 = arith.constant 48 : i32
          %add3A_289 = arith.addi %add3A_288, %add3A_285 : i32
          %get3A_290 = arith.index_cast %add3A_289 : i32 to index
          %get3A_291 = arith.constant 0 : index
          %get3A_292 = tpu.vector_load %arg14[%get3A_290, %get3A_291] {strides = array<i32>} : memref<192x128xf32, #tpu.memory_space<vmem>>, vector<16xf32>,
          %mul3A_293 = arith.mulf %get3A_287, %get3A_292 : vector<16xf32>
          %add3A_294 = arith.constant 96 : i32
          %add3A_295 = arith.addi %add3A_294, %add3A_285 : i32
          %get3A_296 = arith.index_cast %add3A_295 : i32 to index
          %get3A_297 = arith.constant 0 : index
          %get3A_298 = tpu.vector_load %arg14[%get3A_296, %get3A_297] {strides = array<i32>} : memref<192x128xf32, #tpu.memory_space<vmem>>, vector<16xf32>,
          %add3A_299 = arith.constant 144 : i32
          %add3A_300 = arith.addi %add3A_299, %add3A_285 : i32
          %get3A_301 = arith.index_cast %add3A_300 : i32 to index
          %get3A_302 = arith.constant 0 : index
          %get3A_303 = tpu.vector_load %arg14[%get3A_301, %get3A_302] {strides = array<i32>} : memref<192x128xf32, #tpu.memory_space<vmem>>, vector<16xf32>,
          %mul3A_304 = arith.mulf %get3A_298, %get3A_303 : vector<16xf32>
          %mul3A_305 = arith.mulf %mul3A_293, %mul3A_304 : vector<16xf32>
          %swap3A = arith.index_cast %add3A_285 : i32 to index
          %swap3A_306 = arith.constant 0 : index
          %swap3A_307 = tpu.vector_load %arg17[%swap3A, %swap3A_306] {strides = array<i32>} : memref<48x128xf32, #tpu.memory_space<vmem>>, vector<16xf32>,
          tpu.vector_store %arg17[%swap3A, %swap3A_306], %mul3A_305 {strides = array<i32>} : memref<48x128xf32, #tpu.memory_space<vmem>>, vector<16xf32>,
          %get3A_308 = arith.index_cast %add3A_285 : i32 to index
          %get3A_309 = arith.constant 16 : index
          %get3A_310 = tpu.vector_load %arg14[%get3A_308, %get3A_309] {strides = array<i32>} : memref<192x128xf32, #tpu.memory_space<vmem>>, vector<16xf32>,
          %add3A_311 = arith.constant 48 : i32
          %add3A_312 = arith.addi %add3A_311, %add3A_285 : i32
          %get3A_313 = arith.index_cast %add3A_312 : i32 to index
          %get3A_314 = arith.constant 16 : index
          %get3A_315 = tpu.vector_load %arg14[%get3A_313, %get3A_314] {strides = array<i32>} : memref<192x128xf32, #tpu.memory_space<vmem>>, vector<16xf32>,
          %mul3A_316 = arith.mulf %get3A_310, %get3A_315 : vector<16xf32>
          %add3A_317 = arith.constant 96 : i32
          %add3A_318 = arith.addi %add3A_317, %add3A_285 : i32
          %get3A_319 = arith.index_cast %add3A_318 : i32 to index
          %get3A_320 = arith.constant 16 : index
          %get3A_321 = tpu.vector_load %arg14[%get3A_319, %get3A_320] {strides = array<i32>} : memref<192x128xf32, #tpu.memory_space<vmem>>, vector<16xf32>,
          %add3A_322 = arith.constant 144 : i32
          %add3A_323 = arith.addi %add3A_322, %add3A_285 : i32
          %get3A_324 = arith.index_cast %add3A_323 : i32 to index
          %get3A_325 = arith.constant 16 : index
          %get3A_326 = tpu.vector_load %arg14[%get3A_324, %get3A_325] {strides = array<i32>} : memref<192x128xf32, #tpu.memory_space<vmem>>, vector<16xf32>,
          %mul3A_327 = arith.mulf %get3A_321, %get3A_326 : vector<16xf32>
          %mul3A_328 = arith.mulf %mul3A_316, %mul3A_327 : vector<16xf32>
          %swap3A_329 = arith.index_cast %add3A_285 : i32 to index
          %swap3A_330 = arith.constant 16 : index
          %swap3A_331 = tpu.vector_load %arg17[%swap3A_329, %swap3A_330] {strides = array<i32>} : memref<48x128xf32, #tpu.memory_space<vmem>>, vector<16xf32>,
          tpu.vector_store %arg17[%swap3A_329, %swap3A_330], %mul3A_328 {strides = array<i32>} : memref<48x128xf32, #tpu.memory_space<vmem>>, vector<16xf32>,
          %get3A_332 = arith.index_cast %add3A_285 : i32 to index
          %get3A_333 = arith.constant 32 : index
          %get3A_334 = tpu.vector_load %arg14[%get3A_332, %get3A_333] {strides = array<i32>} : memref<192x128xf32, #tpu.memory_space<vmem>>, vector<16xf32>,
          %add3A_335 = arith.constant 48 : i32
          %add3A_336 = arith.addi %add3A_335, %add3A_285 : i32
          %get3A_337 = arith.index_cast %add3A_336 : i32 to index
          %get3A_338 = arith.constant 32 : index
          %get3A_339 = tpu.vector_load %arg14[%get3A_337, %get3A_338] {strides = array<i32>} : memref<192x128xf32, #tpu.memory_space<vmem>>, vector<16xf32>,
          %mul3A_340 = arith.mulf %get3A_334, %get3A_339 : vector<16xf32>
          %add3A_341 = arith.constant 96 : i32
          %add3A_342 = arith.addi %add3A_341, %add3A_285 : i32
          %get3A_343 = arith.index_cast %add3A_342 : i32 to index
          %get3A_344 = arith.constant 32 : index
          %get3A_345 = tpu.vector_load %arg14[%get3A_343, %get3A_344] {strides = array<i32>} : memref<192x128xf32, #tpu.memory_space<vmem>>, vector<16xf32>,
          %add3A_346 = arith.constant 144 : i32
          %add3A_347 = arith.addi %add3A_346, %add3A_285 : i32
          %get3A_348 = arith.index_cast %add3A_347 : i32 to index
          %get3A_349 = arith.constant 32 : index
          %get3A_350 = tpu.vector_load %arg14[%get3A_348, %get3A_349] {strides = array<i32>} : memref<192x128xf32, #tpu.memory_space<vmem>>, vector<16xf32>,
          %mul3A_351 = arith.mulf %get3A_345, %get3A_350 : vector<16xf32>
          %mul3A_352 = arith.mulf %mul3A_340, %mul3A_351 : vector<16xf32>
          %swap3A_353 = arith.index_cast %add3A_285 : i32 to index
          %swap3A_354 = arith.constant 32 : index
          %swap3A_355 = tpu.vector_load %arg17[%swap3A_353, %swap3A_354] {strides = array<i32>} : memref<48x128xf32, #tpu.memory_space<vmem>>, vector<16xf32>,
          tpu.vector_store %arg17[%swap3A_353, %swap3A_354], %mul3A_352 {strides = array<i32>} : memref<48x128xf32, #tpu.memory_space<vmem>>, vector<16xf32>,
          %get3A_356 = arith.index_cast %add3A_285 : i32 to index
          %get3A_357 = arith.constant 48 : index
          %get3A_358 = tpu.vector_load %arg14[%get3A_356, %get3A_357] {strides = array<i32>} : memref<192x128xf32, #tpu.memory_space<vmem>>, vector<16xf32>,
          %add3A_359 = arith.constant 48 : i32
          %add3A_360 = arith.addi %add3A_359, %add3A_285 : i32
          %get3A_361 = arith.index_cast %add3A_360 : i32 to index
          %get3A_362 = arith.constant 48 : index
          %get3A_363 = tpu.vector_load %arg14[%get3A_361, %get3A_362] {strides = array<i32>} : memref<192x128xf32, #tpu.memory_space<vmem>>, vector<16xf32>,
          %mul3A_364 = arith.mulf %get3A_358, %get3A_363 : vector<16xf32>
          %add3A_365 = arith.constant 96 : i32
          %add3A_366 = arith.addi %add3A_365, %add3A_285 : i32
          %get3A_367 = arith.index_cast %add3A_366 : i32 to index
          %get3A_368 = arith.constant 48 : index
          %get3A_369 = tpu.vector_load %arg14[%get3A_367, %get3A_368] {strides = array<i32>} : memref<192x128xf32, #tpu.memory_space<vmem>>, vector<16xf32>,
          %add3A_370 = arith.constant 144 : i32
          %add3A_371 = arith.addi %add3A_370, %add3A_285 : i32
          %get3A_372 = arith.index_cast %add3A_371 : i32 to index
          %get3A_373 = arith.constant 48 : index
          %get3A_374 = tpu.vector_load %arg14[%get3A_372, %get3A_373] {strides = array<i32>} : memref<192x128xf32, #tpu.memory_space<vmem>>, vector<16xf32>,
          %mul3A_375 = arith.mulf %get3A_369, %get3A_374 : vector<16xf32>
          %mul3A_376 = arith.mulf %mul3A_364, %mul3A_375 : vector<16xf32>
          %swap3A_377 = arith.index_cast %add3A_285 : i32 to index
          %swap3A_378 = arith.constant 48 : index
          %swap3A_379 = tpu.vector_load %arg17[%swap3A_377, %swap3A_378] {strides = array<i32>} : memref<48x128xf32, #tpu.memory_space<vmem>>, vector<16xf32>,
          tpu.vector_store %arg17[%swap3A_377, %swap3A_378], %mul3A_376 {strides = array<i32>} : memref<48x128xf32, #tpu.memory_space<vmem>>, vector<16xf32>,
          %get3A_380 = arith.index_cast %add3A_285 : i32 to index
          %get3A_381 = arith.constant 64 : index
          %get3A_382 = tpu.vector_load %arg14[%get3A_380, %get3A_381] {strides = array<i32>} : memref<192x128xf32, #tpu.memory_space<vmem>>, vector<16xf32>,
          %add3A_383 = arith.constant 48 : i32
          %add3A_384 = arith.addi %add3A_383, %add3A_285 : i32
          %get3A_385 = arith.index_cast %add3A_384 : i32 to index
          %get3A_386 = arith.constant 64 : index
          %get3A_387 = tpu.vector_load %arg14[%get3A_385, %get3A_386] {strides = array<i32>} : memref<192x128xf32, #tpu.memory_space<vmem>>, vector<16xf32>,
          %mul3A_388 = arith.mulf %get3A_382, %get3A_387 : vector<16xf32>
          %add3A_389 = arith.constant 96 : i32
          %add3A_390 = arith.addi %add3A_389, %add3A_285 : i32
          %get3A_391 = arith.index_cast %add3A_390 : i32 to index
          %get3A_392 = arith.constant 64 : index
          %get3A_393 = tpu.vector_load %arg14[%get3A_391, %get3A_392] {strides = array<i32>} : memref<192x128xf32, #tpu.memory_space<vmem>>, vector<16xf32>,
          %add3A_394 = arith.constant 144 : i32
          %add3A_395 = arith.addi %add3A_394, %add3A_285 : i32
          %get3A_396 = arith.index_cast %add3A_395 : i32 to index
          %get3A_397 = arith.constant 64 : index
          %get3A_398 = tpu.vector_load %arg14[%get3A_396, %get3A_397] {strides = array<i32>} : memref<192x128xf32, #tpu.memory_space<vmem>>, vector<16xf32>,
          %mul3A_399 = arith.mulf %get3A_393, %get3A_398 : vector<16xf32>
          %mul3A_400 = arith.mulf %mul3A_388, %mul3A_399 : vector<16xf32>
          %swap3A_401 = arith.index_cast %add3A_285 : i32 to index
          %swap3A_402 = arith.constant 64 : index
          %swap3A_403 = tpu.vector_load %arg17[%swap3A_401, %swap3A_402] {strides = array<i32>} : memref<48x128xf32, #tpu.memory_space<vmem>>, vector<16xf32>,
          tpu.vector_store %arg17[%swap3A_401, %swap3A_402], %mul3A_400 {strides = array<i32>} : memref<48x128xf32, #tpu.memory_space<vmem>>, vector<16xf32>,
          %get3A_404 = arith.index_cast %add3A_285 : i32 to index
          %get3A_405 = arith.constant 80 : index
          %get3A_406 = tpu.vector_load %arg14[%get3A_404, %get3A_405] {strides = array<i32>} : memref<192x128xf32, #tpu.memory_space<vmem>>, vector<16xf32>,
          %add3A_407 = arith.constant 48 : i32
          %add3A_408 = arith.addi %add3A_407, %add3A_285 : i32
          %get3A_409 = arith.index_cast %add3A_408 : i32 to index
          %get3A_410 = arith.constant 80 : index
          %get3A_411 = tpu.vector_load %arg14[%get3A_409, %get3A_410] {strides = array<i32>} : memref<192x128xf32, #tpu.memory_space<vmem>>, vector<16xf32>,
          %mul3A_412 = arith.mulf %get3A_406, %get3A_411 : vector<16xf32>
          %add3A_413 = arith.constant 96 : i32
          %add3A_414 = arith.addi %add3A_413, %add3A_285 : i32
          %get3A_415 = arith.index_cast %add3A_414 : i32 to index
          %get3A_416 = arith.constant 80 : index
          %get3A_417 = tpu.vector_load %arg14[%get3A_415, %get3A_416] {strides = array<i32>} : memref<192x128xf32, #tpu.memory_space<vmem>>, vector<16xf32>,
          %add3A_418 = arith.constant 144 : i32
          %add3A_419 = arith.addi %add3A_418, %add3A_285 : i32
          %get3A_420 = arith.index_cast %add3A_419 : i32 to index
          %get3A_421 = arith.constant 80 : index
          %get3A_422 = tpu.vector_load %arg14[%get3A_420, %get3A_421] {strides = array<i32>} : memref<192x128xf32, #tpu.memory_space<vmem>>, vector<16xf32>,
          %mul3A_423 = arith.mulf %get3A_417, %get3A_422 : vector<16xf32>
          %mul3A_424 = arith.mulf %mul3A_412, %mul3A_423 : vector<16xf32>
          %swap3A_425 = arith.index_cast %add3A_285 : i32 to index
          %swap3A_426 = arith.constant 80 : index
          %swap3A_427 = tpu.vector_load %arg17[%swap3A_425, %swap3A_426] {strides = array<i32>} : memref<48x128xf32, #tpu.memory_space<vmem>>, vector<16xf32>,
          tpu.vector_store %arg17[%swap3A_425, %swap3A_426], %mul3A_424 {strides = array<i32>} : memref<48x128xf32, #tpu.memory_space<vmem>>, vector<16xf32>,
          %get3A_428 = arith.index_cast %add3A_285 : i32 to index
          %get3A_429 = arith.constant 96 : index
          %get3A_430 = tpu.vector_load %arg14[%get3A_428, %get3A_429] {strides = array<i32>} : memref<192x128xf32, #tpu.memory_space<vmem>>, vector<16xf32>,
          %add3A_431 = arith.constant 48 : i32
          %add3A_432 = arith.addi %add3A_431, %add3A_285 : i32
          %get3A_433 = arith.index_cast %add3A_432 : i32 to index
          %get3A_434 = arith.constant 96 : index
          %get3A_435 = tpu.vector_load %arg14[%get3A_433, %get3A_434] {strides = array<i32>} : memref<192x128xf32, #tpu.memory_space<vmem>>, vector<16xf32>,
          %mul3A_436 = arith.mulf %get3A_430, %get3A_435 : vector<16xf32>
          %add3A_437 = arith.constant 96 : i32
          %add3A_438 = arith.addi %add3A_437, %add3A_285 : i32
          %get3A_439 = arith.index_cast %add3A_438 : i32 to index
          %get3A_440 = arith.constant 96 : index
          %get3A_441 = tpu.vector_load %arg14[%get3A_439, %get3A_440] {strides = array<i32>} : memref<192x128xf32, #tpu.memory_space<vmem>>, vector<16xf32>,
          %add3A_442 = arith.constant 144 : i32
          %add3A_443 = arith.addi %add3A_442, %add3A_285 : i32
          %get3A_444 = arith.index_cast %add3A_443 : i32 to index
          %get3A_445 = arith.constant 96 : index
          %get3A_446 = tpu.vector_load %arg14[%get3A_444, %get3A_445] {strides = array<i32>} : memref<192x128xf32, #tpu.memory_space<vmem>>, vector<16xf32>,
          %mul3A_447 = arith.mulf %get3A_441, %get3A_446 : vector<16xf32>
          %mul3A_448 = arith.mulf %mul3A_436, %mul3A_447 : vector<16xf32>
          %swap3A_449 = arith.index_cast %add3A_285 : i32 to index
          %swap3A_450 = arith.constant 96 : index
          %swap3A_451 = tpu.vector_load %arg17[%swap3A_449, %swap3A_450] {strides = array<i32>} : memref<48x128xf32, #tpu.memory_space<vmem>>, vector<16xf32>,
          tpu.vector_store %arg17[%swap3A_449, %swap3A_450], %mul3A_448 {strides = array<i32>} : memref<48x128xf32, #tpu.memory_space<vmem>>, vector<16xf32>,
          %get3A_452 = arith.index_cast %add3A_285 : i32 to index
          %get3A_453 = arith.constant 112 : index
          %get3A_454 = tpu.vector_load %arg14[%get3A_452, %get3A_453] {strides = array<i32>} : memref<192x128xf32, #tpu.memory_space<vmem>>, vector<16xf32>,
          %add3A_455 = arith.constant 48 : i32
          %add3A_456 = arith.addi %add3A_455, %add3A_285 : i32
          %get3A_457 = arith.index_cast %add3A_456 : i32 to index
          %get3A_458 = arith.constant 112 : index
          %get3A_459 = tpu.vector_load %arg14[%get3A_457, %get3A_458] {strides = array<i32>} : memref<192x128xf32, #tpu.memory_space<vmem>>, vector<16xf32>,
          %mul3A_460 = arith.mulf %get3A_454, %get3A_459 : vector<16xf32>
          %add3A_461 = arith.constant 96 : i32
          %add3A_462 = arith.addi %add3A_461, %add3A_285 : i32
          %get3A_463 = arith.index_cast %add3A_462 : i32 to index
          %get3A_464 = arith.constant 112 : index
          %get3A_465 = tpu.vector_load %arg14[%get3A_463, %get3A_464] {strides = array<i32>} : memref<192x128xf32, #tpu.memory_space<vmem>>, vector<16xf32>,
          %add3A_466 = arith.constant 144 : i32
          %add3A_467 = arith.addi %add3A_466, %add3A_285 : i32
          %get3A_468 = arith.index_cast %add3A_467 : i32 to index
          %get3A_469 = arith.constant 112 : index
          %get3A_470 = tpu.vector_load %arg14[%get3A_468, %get3A_469] {strides = array<i32>} : memref<192x128xf32, #tpu.memory_space<vmem>>, vector<16xf32>,
          %mul3A_471 = arith.mulf %get3A_465, %get3A_470 : vector<16xf32>
          %mul3A_472 = arith.mulf %mul3A_460, %mul3A_471 : vector<16xf32>
          %swap3A_473 = arith.index_cast %add3A_285 : i32 to index
          %swap3A_474 = arith.constant 112 : index
          %swap3A_475 = tpu.vector_load %arg17[%swap3A_473, %swap3A_474] {strides = array<i32>} : memref<48x128xf32, #tpu.memory_space<vmem>>, vector<16xf32>,
          tpu.vector_store %arg17[%swap3A_473, %swap3A_474], %mul3A_472 {strides = array<i32>} : memref<48x128xf32, #tpu.memory_space<vmem>>, vector<16xf32>,
        }
        %scan3A_267 = arith.constant 48 : i32
        %add3A_268 = arith.constant 3 : i32
        %add3A_269 = arith.addi %add3A_249, %add3A_268 : i32
        %lt3A_270 = arith.cmpi slt, %add3A_269, %add3A_8 : i32
        %convert_element_type3A_271 = arith.extui %lt3A_270 : i1 to i32
        %cond3A_272 = arith.constant 0 : i32
        %cond3A_273 = arith.cmpi ne, %convert_element_type3A_271, %cond3A_272 : i32
        scf.if %cond3A_273 {
          %add3A_281 = arith.constant 3 : i32
          %add3A_282 = arith.addi %add3A_249, %add3A_281 : i32
          %mul3A_283 = arith.constant 48 : i32
          %mul3A_284 = arith.muli %add3A_282, %mul3A_283 : i32
          %dma_start3A_285 = arith.constant 0 : i32
          %dma_start3A_286 = arith.constant 0 : i32
          %dma_start3A_287 = tpu.memref_slice %arg14[%dma_start3A_285, %dma_start3A_286] : memref<192x128xf32, #tpu.memory_space<vmem>> -> memref<48x128xf32, #tpu.memory_space<vmem>>
          %dma_start3A_288 = tpu.memref_slice %arg8[%mul3A_284] : memref<4704xi32, #tpu.memory_space<vmem>> -> memref<48xi32, #tpu.memory_space<vmem>>
          %dma_start3A_289 = arith.constant 0 : i32
          %dma_start3A_290 = arith.constant 0 : i32
          %dma_start3A_291 = tpu.memref_slice %arg2[%dma_start3A_289, %dma_start3A_290] : memref<50000x128xf32, #tpu.memory_space<hbm>> -> memref<50000x128xf32, #tpu.memory_space<hbm>>
          tpu.enqueue_indirect_dma source(%dma_start3A_291 : memref<50000x128xf32, #tpu.memory_space<hbm>>) target(%dma_start3A_287 : memref<48x128xf32, #tpu.memory_space<vmem>>) offsets(%dma_start3A_288 : memref<48xi32, #tpu.memory_space<vmem>>) semaphore(%arg20 : memref<!tpu.dma_semaphore, #tpu.memory_space<semaphore_mem>>)
          %mul3A_292 = arith.constant 48 : i32
          %mul3A_293 = arith.muli %add3A_282, %mul3A_292 : i32
          %dma_start3A_294 = arith.constant 48 : i32
          %dma_start3A_295 = arith.constant 0 : i32
          %dma_start3A_296 = tpu.memref_slice %arg14[%dma_start3A_294, %dma_start3A_295] : memref<192x128xf32, #tpu.memory_space<vmem>> -> memref<48x128xf32, #tpu.memory_space<vmem>>
          %dma_start3A_297 = tpu.memref_slice %arg9[%mul3A_293] : memref<4704xi32, #tpu.memory_space<vmem>> -> memref<48xi32, #tpu.memory_space<vmem>>
          %dma_start3A_298 = arith.constant 0 : i32
          %dma_start3A_299 = arith.constant 0 : i32
          %dma_start3A_300 = tpu.memref_slice %arg2[%dma_start3A_298, %dma_start3A_299] : memref<50000x128xf32, #tpu.memory_space<hbm>> -> memref<50000x128xf32, #tpu.memory_space<hbm>>
          tpu.enqueue_indirect_dma source(%dma_start3A_300 : memref<50000x128xf32, #tpu.memory_space<hbm>>) target(%dma_start3A_296 : memref<48x128xf32, #tpu.memory_space<vmem>>) offsets(%dma_start3A_297 : memref<48xi32, #tpu.memory_space<vmem>>) semaphore(%arg20 : memref<!tpu.dma_semaphore, #tpu.memory_space<semaphore_mem>>)
          %mul3A_301 = arith.constant 48 : i32
          %mul3A_302 = arith.muli %add3A_282, %mul3A_301 : i32
          %dma_start3A_303 = arith.constant 96 : i32
          %dma_start3A_304 = arith.constant 0 : i32
          %dma_start3A_305 = tpu.memref_slice %arg14[%dma_start3A_303, %dma_start3A_304] : memref<192x128xf32, #tpu.memory_space<vmem>> -> memref<48x128xf32, #tpu.memory_space<vmem>>
          %dma_start3A_306 = tpu.memref_slice %arg10[%mul3A_302] : memref<4704xi32, #tpu.memory_space<vmem>> -> memref<48xi32, #tpu.memory_space<vmem>>
          %dma_start3A_307 = arith.constant 0 : i32
          %dma_start3A_308 = arith.constant 0 : i32
          %dma_start3A_309 = tpu.memref_slice %arg2[%dma_start3A_307, %dma_start3A_308] : memref<50000x128xf32, #tpu.memory_space<hbm>> -> memref<50000x128xf32, #tpu.memory_space<hbm>>
          tpu.enqueue_indirect_dma source(%dma_start3A_309 : memref<50000x128xf32, #tpu.memory_space<hbm>>) target(%dma_start3A_305 : memref<48x128xf32, #tpu.memory_space<vmem>>) offsets(%dma_start3A_306 : memref<48xi32, #tpu.memory_space<vmem>>) semaphore(%arg20 : memref<!tpu.dma_semaphore, #tpu.memory_space<semaphore_mem>>)
          %mul3A_310 = arith.constant 48 : i32
          %mul3A_311 = arith.muli %add3A_282, %mul3A_310 : i32
          %dma_start3A_312 = arith.constant 144 : i32
          %dma_start3A_313 = arith.constant 0 : i32
          %dma_start3A_314 = tpu.memref_slice %arg14[%dma_start3A_312, %dma_start3A_313] : memref<192x128xf32, #tpu.memory_space<vmem>> -> memref<48x128xf32, #tpu.memory_space<vmem>>
          %dma_start3A_315 = tpu.memref_slice %arg11[%mul3A_311] : memref<4704xi32, #tpu.memory_space<vmem>> -> memref<48xi32, #tpu.memory_space<vmem>>
          %dma_start3A_316 = arith.constant 0 : i32
          %dma_start3A_317 = arith.constant 0 : i32
          %dma_start3A_318 = tpu.memref_slice %arg2[%dma_start3A_316, %dma_start3A_317] : memref<50000x128xf32, #tpu.memory_space<hbm>> -> memref<50000x128xf32, #tpu.memory_space<hbm>>
          tpu.enqueue_indirect_dma source(%dma_start3A_318 : memref<50000x128xf32, #tpu.memory_space<hbm>>) target(%dma_start3A_314 : memref<48x128xf32, #tpu.memory_space<vmem>>) offsets(%dma_start3A_315 : memref<48xi32, #tpu.memory_space<vmem>>) semaphore(%arg20 : memref<!tpu.dma_semaphore, #tpu.memory_space<semaphore_mem>>)
        } else {
        }
        %add3A_274 = arith.addi %add3A_4, %add3A_249 : i32
        %mul3A_275 = arith.constant 48 : i32
        %mul3A_276 = arith.muli %add3A_274, %mul3A_275 : i32
        %dma_start3A_277 = arith.constant 0 : i32
        %dma_start3A_278 = tpu.memref_slice %arg7[%mul3A_276, %dma_start3A_277] : memref<150000x128xf32, #tpu.memory_space<hbm>> -> memref<48x128xf32, #tpu.memory_space<hbm>>
        %dma_start3A_279 = arith.constant 0 : i32
        %dma_start3A_280 = tpu.memref_slice %arg7[%mul3A_276, %dma_start3A_279] : memref<150000x128xf32, #tpu.memory_space<hbm>> -> memref<48x128xf32, #tpu.memory_space<hbm>>
        tpu.enqueue_dma source(%arg17 : memref<48x128xf32, #tpu.memory_space<vmem>>) target(%dma_start3A_280 : memref<48x128xf32, #tpu.memory_space<hbm>>) target_semaphore(%arg23 : memref<!tpu.dma_semaphore, #tpu.memory_space<semaphore_mem>>)
      } else {
      }
    }
    %while3A_214 = arith.constant 1 : i32
    scf.for %while3A_233 = %while3A_212 to %while3A_208 step %while3A_214  : i32 {
      %mul3A_234 = arith.muli %while3A_233, %while3A : i32
      %add3A_235 = arith.addi %while3A_205, %mul3A_234 : i32
      %add3A_236 = arith.constant 0 : i32
      %add3A_237 = arith.addi %add3A_235, %add3A_236 : i32
      %lt3A_238 = arith.cmpi slt, %add3A_237, %add3A_8 : i32
      %convert_element_type3A_239 = arith.extui %lt3A_238 : i1 to i32
      %cond3A_240 = arith.constant 0 : i32
      %cond3A_241 = arith.cmpi ne, %convert_element_type3A_239, %cond3A_240 : i32
      scf.if %cond3A_241 {
        %dma_wait3A_254 = arith.constant 0 : i32
        %dma_wait3A_255 = arith.constant 0 : i32
        %dma_wait3A_256 = tpu.memref_slice %arg2[%dma_wait3A_254, %dma_wait3A_255] : memref<50000x128xf32, #tpu.memory_space<hbm>> -> memref<192x128xf32, #tpu.memory_space<hbm>>
        %dma_wait3A_257 = arith.constant 0 : i32
        %dma_wait3A_258 = arith.constant 0 : i32
        %dma_wait3A_259 = tpu.memref_slice %arg2[%dma_wait3A_257, %dma_wait3A_258] : memref<50000x128xf32, #tpu.memory_space<hbm>> -> memref<192x128xf32, #tpu.memory_space<hbm>>
        tpu.wait_dma2 semaphore(%arg18 : memref<!tpu.dma_semaphore, #tpu.memory_space<semaphore_mem>>) src(%dma_wait3A_259 : memref<192x128xf32, #tpu.memory_space<hbm>>) dst(%arg12 : memref<192x128xf32, #tpu.memory_space<vmem>>)
        %ge3A = arith.constant 3 : i32
        %ge3A_260 = arith.cmpi sge, %add3A_237, %ge3A : i32
        %convert_element_type3A_261 = arith.extui %ge3A_260 : i1 to i32
        %cond3A_262 = arith.constant 0 : i32
        %cond3A_263 = arith.cmpi ne, %convert_element_type3A_261, %cond3A_262 : i32
        scf.if %cond3A_263 {
          %dma_wait3A_281 = arith.constant 0 : i32
          %dma_wait3A_282 = arith.constant 0 : i32
          %dma_wait3A_283 = tpu.memref_slice %arg7[%dma_wait3A_281, %dma_wait3A_282] : memref<150000x128xf32, #tpu.memory_space<hbm>> -> memref<48x128xf32, #tpu.memory_space<hbm>>
          %dma_wait3A_284 = arith.constant 0 : i32
          %dma_wait3A_285 = arith.constant 0 : i32
          %dma_wait3A_286 = tpu.memref_slice %arg7[%dma_wait3A_284, %dma_wait3A_285] : memref<150000x128xf32, #tpu.memory_space<hbm>> -> memref<48x128xf32, #tpu.memory_space<hbm>>
          tpu.wait_dma2 semaphore(%arg21 : memref<!tpu.dma_semaphore, #tpu.memory_space<semaphore_mem>>) src(%arg15 : memref<48x128xf32, #tpu.memory_space<vmem>>) dst(%dma_wait3A_286 : memref<48x128xf32, #tpu.memory_space<hbm>>)
        } else {
        }
        %scan3A = arith.constant 0 : i32
        %scan3A_264 = arith.constant 48 : i32
        %scan3A_265 = arith.addi %scan3A, %scan3A_264 : i32
        %scan3A_266 = arith.constant 1 : i32
        scf.for %scan3A_281 = %scan3A to %scan3A_265 step %scan3A_266  : i32 {
          %mul3A_282 = arith.constant 1 : i32
          %mul3A_283 = arith.muli %scan3A_281, %mul3A_282 : i32
          %add3A_284 = arith.constant 0 : i32
          %add3A_285 = arith.addi %add3A_284, %mul3A_283 : i32
          %get3A = arith.index_cast %add3A_285 : i32 to index
          %get3A_286 = arith.constant 0 : index
          %get3A_287 = tpu.vector_load %arg12[%get3A, %get3A_286] {strides = array<i32>} : memref<192x128xf32, #tpu.memory_space<vmem>>, vector<16xf32>,
          %add3A_288 = arith.constant 48 : i32
          %add3A_289 = arith.addi %add3A_288, %add3A_285 : i32
          %get3A_290 = arith.index_cast %add3A_289 : i32 to index
          %get3A_291 = arith.constant 0 : index
          %get3A_292 = tpu.vector_load %arg12[%get3A_290, %get3A_291] {strides = array<i32>} : memref<192x128xf32, #tpu.memory_space<vmem>>, vector<16xf32>,
          %mul3A_293 = arith.mulf %get3A_287, %get3A_292 : vector<16xf32>
          %add3A_294 = arith.constant 96 : i32
          %add3A_295 = arith.addi %add3A_294, %add3A_285 : i32
          %get3A_296 = arith.index_cast %add3A_295 : i32 to index
          %get3A_297 = arith.constant 0 : index
          %get3A_298 = tpu.vector_load %arg12[%get3A_296, %get3A_297] {strides = array<i32>} : memref<192x128xf32, #tpu.memory_space<vmem>>, vector<16xf32>,
          %add3A_299 = arith.constant 144 : i32
          %add3A_300 = arith.addi %add3A_299, %add3A_285 : i32
          %get3A_301 = arith.index_cast %add3A_300 : i32 to index
          %get3A_302 = arith.constant 0 : index
          %get3A_303 = tpu.vector_load %arg12[%get3A_301, %get3A_302] {strides = array<i32>} : memref<192x128xf32, #tpu.memory_space<vmem>>, vector<16xf32>,
          %mul3A_304 = arith.mulf %get3A_298, %get3A_303 : vector<16xf32>
          %mul3A_305 = arith.mulf %mul3A_293, %mul3A_304 : vector<16xf32>
          %swap3A = arith.index_cast %add3A_285 : i32 to index
          %swap3A_306 = arith.constant 0 : index
          %swap3A_307 = tpu.vector_load %arg15[%swap3A, %swap3A_306] {strides = array<i32>} : memref<48x128xf32, #tpu.memory_space<vmem>>, vector<16xf32>,
          tpu.vector_store %arg15[%swap3A, %swap3A_306], %mul3A_305 {strides = array<i32>} : memref<48x128xf32, #tpu.memory_space<vmem>>, vector<16xf32>,
          %get3A_308 = arith.index_cast %add3A_285 : i32 to index
          %get3A_309 = arith.constant 16 : index
          %get3A_310 = tpu.vector_load %arg12[%get3A_308, %get3A_309] {strides = array<i32>} : memref<192x128xf32, #tpu.memory_space<vmem>>, vector<16xf32>,
          %add3A_311 = arith.constant 48 : i32
          %add3A_312 = arith.addi %add3A_311, %add3A_285 : i32
          %get3A_313 = arith.index_cast %add3A_312 : i32 to index
          %get3A_314 = arith.constant 16 : index
          %get3A_315 = tpu.vector_load %arg12[%get3A_313, %get3A_314] {strides = array<i32>} : memref<192x128xf32, #tpu.memory_space<vmem>>, vector<16xf32>,
          %mul3A_316 = arith.mulf %get3A_310, %get3A_315 : vector<16xf32>
          %add3A_317 = arith.constant 96 : i32
          %add3A_318 = arith.addi %add3A_317, %add3A_285 : i32
          %get3A_319 = arith.index_cast %add3A_318 : i32 to index
          %get3A_320 = arith.constant 16 : index
          %get3A_321 = tpu.vector_load %arg12[%get3A_319, %get3A_320] {strides = array<i32>} : memref<192x128xf32, #tpu.memory_space<vmem>>, vector<16xf32>,
          %add3A_322 = arith.constant 144 : i32
          %add3A_323 = arith.addi %add3A_322, %add3A_285 : i32
          %get3A_324 = arith.index_cast %add3A_323 : i32 to index
          %get3A_325 = arith.constant 16 : index
          %get3A_326 = tpu.vector_load %arg12[%get3A_324, %get3A_325] {strides = array<i32>} : memref<192x128xf32, #tpu.memory_space<vmem>>, vector<16xf32>,
          %mul3A_327 = arith.mulf %get3A_321, %get3A_326 : vector<16xf32>
          %mul3A_328 = arith.mulf %mul3A_316, %mul3A_327 : vector<16xf32>
          %swap3A_329 = arith.index_cast %add3A_285 : i32 to index
          %swap3A_330 = arith.constant 16 : index
          %swap3A_331 = tpu.vector_load %arg15[%swap3A_329, %swap3A_330] {strides = array<i32>} : memref<48x128xf32, #tpu.memory_space<vmem>>, vector<16xf32>,
          tpu.vector_store %arg15[%swap3A_329, %swap3A_330], %mul3A_328 {strides = array<i32>} : memref<48x128xf32, #tpu.memory_space<vmem>>, vector<16xf32>,
          %get3A_332 = arith.index_cast %add3A_285 : i32 to index
          %get3A_333 = arith.constant 32 : index
          %get3A_334 = tpu.vector_load %arg12[%get3A_332, %get3A_333] {strides = array<i32>} : memref<192x128xf32, #tpu.memory_space<vmem>>, vector<16xf32>,
          %add3A_335 = arith.constant 48 : i32
          %add3A_336 = arith.addi %add3A_335, %add3A_285 : i32
          %get3A_337 = arith.index_cast %add3A_336 : i32 to index
          %get3A_338 = arith.constant 32 : index
          %get3A_339 = tpu.vector_load %arg12[%get3A_337, %get3A_338] {strides = array<i32>} : memref<192x128xf32, #tpu.memory_space<vmem>>, vector<16xf32>,
          %mul3A_340 = arith.mulf %get3A_334, %get3A_339 : vector<16xf32>
          %add3A_341 = arith.constant 96 : i32
          %add3A_342 = arith.addi %add3A_341, %add3A_285 : i32
          %get3A_343 = arith.index_cast %add3A_342 : i32 to index
          %get3A_344 = arith.constant 32 : index
          %get3A_345 = tpu.vector_load %arg12[%get3A_343, %get3A_344] {strides = array<i32>} : memref<192x128xf32, #tpu.memory_space<vmem>>, vector<16xf32>,
          %add3A_346 = arith.constant 144 : i32
          %add3A_347 = arith.addi %add3A_346, %add3A_285 : i32
          %get3A_348 = arith.index_cast %add3A_347 : i32 to index
          %get3A_349 = arith.constant 32 : index
          %get3A_350 = tpu.vector_load %arg12[%get3A_348, %get3A_349] {strides = array<i32>} : memref<192x128xf32, #tpu.memory_space<vmem>>, vector<16xf32>,
          %mul3A_351 = arith.mulf %get3A_345, %get3A_350 : vector<16xf32>
          %mul3A_352 = arith.mulf %mul3A_340, %mul3A_351 : vector<16xf32>
          %swap3A_353 = arith.index_cast %add3A_285 : i32 to index
          %swap3A_354 = arith.constant 32 : index
          %swap3A_355 = tpu.vector_load %arg15[%swap3A_353, %swap3A_354] {strides = array<i32>} : memref<48x128xf32, #tpu.memory_space<vmem>>, vector<16xf32>,
          tpu.vector_store %arg15[%swap3A_353, %swap3A_354], %mul3A_352 {strides = array<i32>} : memref<48x128xf32, #tpu.memory_space<vmem>>, vector<16xf32>,
          %get3A_356 = arith.index_cast %add3A_285 : i32 to index
          %get3A_357 = arith.constant 48 : index
          %get3A_358 = tpu.vector_load %arg12[%get3A_356, %get3A_357] {strides = array<i32>} : memref<192x128xf32, #tpu.memory_space<vmem>>, vector<16xf32>,
          %add3A_359 = arith.constant 48 : i32
          %add3A_360 = arith.addi %add3A_359, %add3A_285 : i32
          %get3A_361 = arith.index_cast %add3A_360 : i32 to index
          %get3A_362 = arith.constant 48 : index
          %get3A_363 = tpu.vector_load %arg12[%get3A_361, %get3A_362] {strides = array<i32>} : memref<192x128xf32, #tpu.memory_space<vmem>>, vector<16xf32>,
          %mul3A_364 = arith.mulf %get3A_358, %get3A_363 : vector<16xf32>
          %add3A_365 = arith.constant 96 : i32
          %add3A_366 = arith.addi %add3A_365, %add3A_285 : i32
          %get3A_367 = arith.index_cast %add3A_366 : i32 to index
          %get3A_368 = arith.constant 48 : index
          %get3A_369 = tpu.vector_load %arg12[%get3A_367, %get3A_368] {strides = array<i32>} : memref<192x128xf32, #tpu.memory_space<vmem>>, vector<16xf32>,
          %add3A_370 = arith.constant 144 : i32
          %add3A_371 = arith.addi %add3A_370, %add3A_285 : i32
          %get3A_372 = arith.index_cast %add3A_371 : i32 to index
          %get3A_373 = arith.constant 48 : index
          %get3A_374 = tpu.vector_load %arg12[%get3A_372, %get3A_373] {strides = array<i32>} : memref<192x128xf32, #tpu.memory_space<vmem>>, vector<16xf32>,
          %mul3A_375 = arith.mulf %get3A_369, %get3A_374 : vector<16xf32>
          %mul3A_376 = arith.mulf %mul3A_364, %mul3A_375 : vector<16xf32>
          %swap3A_377 = arith.index_cast %add3A_285 : i32 to index
          %swap3A_378 = arith.constant 48 : index
          %swap3A_379 = tpu.vector_load %arg15[%swap3A_377, %swap3A_378] {strides = array<i32>} : memref<48x128xf32, #tpu.memory_space<vmem>>, vector<16xf32>,
          tpu.vector_store %arg15[%swap3A_377, %swap3A_378], %mul3A_376 {strides = array<i32>} : memref<48x128xf32, #tpu.memory_space<vmem>>, vector<16xf32>,
          %get3A_380 = arith.index_cast %add3A_285 : i32 to index
          %get3A_381 = arith.constant 64 : index
          %get3A_382 = tpu.vector_load %arg12[%get3A_380, %get3A_381] {strides = array<i32>} : memref<192x128xf32, #tpu.memory_space<vmem>>, vector<16xf32>,
          %add3A_383 = arith.constant 48 : i32
          %add3A_384 = arith.addi %add3A_383, %add3A_285 : i32
          %get3A_385 = arith.index_cast %add3A_384 : i32 to index
          %get3A_386 = arith.constant 64 : index
          %get3A_387 = tpu.vector_load %arg12[%get3A_385, %get3A_386] {strides = array<i32>} : memref<192x128xf32, #tpu.memory_space<vmem>>, vector<16xf32>,
          %mul3A_388 = arith.mulf %get3A_382, %get3A_387 : vector<16xf32>
          %add3A_389 = arith.constant 96 : i32
          %add3A_390 = arith.addi %add3A_389, %add3A_285 : i32
          %get3A_391 = arith.index_cast %add3A_390 : i32 to index
          %get3A_392 = arith.constant 64 : index
          %get3A_393 = tpu.vector_load %arg12[%get3A_391, %get3A_392] {strides = array<i32>} : memref<192x128xf32, #tpu.memory_space<vmem>>, vector<16xf32>,
          %add3A_394 = arith.constant 144 : i32
          %add3A_395 = arith.addi %add3A_394, %add3A_285 : i32
          %get3A_396 = arith.index_cast %add3A_395 : i32 to index
          %get3A_397 = arith.constant 64 : index
          %get3A_398 = tpu.vector_load %arg12[%get3A_396, %get3A_397] {strides = array<i32>} : memref<192x128xf32, #tpu.memory_space<vmem>>, vector<16xf32>,
          %mul3A_399 = arith.mulf %get3A_393, %get3A_398 : vector<16xf32>
          %mul3A_400 = arith.mulf %mul3A_388, %mul3A_399 : vector<16xf32>
          %swap3A_401 = arith.index_cast %add3A_285 : i32 to index
          %swap3A_402 = arith.constant 64 : index
          %swap3A_403 = tpu.vector_load %arg15[%swap3A_401, %swap3A_402] {strides = array<i32>} : memref<48x128xf32, #tpu.memory_space<vmem>>, vector<16xf32>,
          tpu.vector_store %arg15[%swap3A_401, %swap3A_402], %mul3A_400 {strides = array<i32>} : memref<48x128xf32, #tpu.memory_space<vmem>>, vector<16xf32>,
          %get3A_404 = arith.index_cast %add3A_285 : i32 to index
          %get3A_405 = arith.constant 80 : index
          %get3A_406 = tpu.vector_load %arg12[%get3A_404, %get3A_405] {strides = array<i32>} : memref<192x128xf32, #tpu.memory_space<vmem>>, vector<16xf32>,
          %add3A_407 = arith.constant 48 : i32
          %add3A_408 = arith.addi %add3A_407, %add3A_285 : i32
          %get3A_409 = arith.index_cast %add3A_408 : i32 to index
          %get3A_410 = arith.constant 80 : index
          %get3A_411 = tpu.vector_load %arg12[%get3A_409, %get3A_410] {strides = array<i32>} : memref<192x128xf32, #tpu.memory_space<vmem>>, vector<16xf32>,
          %mul3A_412 = arith.mulf %get3A_406, %get3A_411 : vector<16xf32>
          %add3A_413 = arith.constant 96 : i32
          %add3A_414 = arith.addi %add3A_413, %add3A_285 : i32
          %get3A_415 = arith.index_cast %add3A_414 : i32 to index
          %get3A_416 = arith.constant 80 : index
          %get3A_417 = tpu.vector_load %arg12[%get3A_415, %get3A_416] {strides = array<i32>} : memref<192x128xf32, #tpu.memory_space<vmem>>, vector<16xf32>,
          %add3A_418 = arith.constant 144 : i32
          %add3A_419 = arith.addi %add3A_418, %add3A_285 : i32
          %get3A_420 = arith.index_cast %add3A_419 : i32 to index
          %get3A_421 = arith.constant 80 : index
          %get3A_422 = tpu.vector_load %arg12[%get3A_420, %get3A_421] {strides = array<i32>} : memref<192x128xf32, #tpu.memory_space<vmem>>, vector<16xf32>,
          %mul3A_423 = arith.mulf %get3A_417, %get3A_422 : vector<16xf32>
          %mul3A_424 = arith.mulf %mul3A_412, %mul3A_423 : vector<16xf32>
          %swap3A_425 = arith.index_cast %add3A_285 : i32 to index
          %swap3A_426 = arith.constant 80 : index
          %swap3A_427 = tpu.vector_load %arg15[%swap3A_425, %swap3A_426] {strides = array<i32>} : memref<48x128xf32, #tpu.memory_space<vmem>>, vector<16xf32>,
          tpu.vector_store %arg15[%swap3A_425, %swap3A_426], %mul3A_424 {strides = array<i32>} : memref<48x128xf32, #tpu.memory_space<vmem>>, vector<16xf32>,
          %get3A_428 = arith.index_cast %add3A_285 : i32 to index
          %get3A_429 = arith.constant 96 : index
          %get3A_430 = tpu.vector_load %arg12[%get3A_428, %get3A_429] {strides = array<i32>} : memref<192x128xf32, #tpu.memory_space<vmem>>, vector<16xf32>,
          %add3A_431 = arith.constant 48 : i32
          %add3A_432 = arith.addi %add3A_431, %add3A_285 : i32
          %get3A_433 = arith.index_cast %add3A_432 : i32 to index
          %get3A_434 = arith.constant 96 : index
          %get3A_435 = tpu.vector_load %arg12[%get3A_433, %get3A_434] {strides = array<i32>} : memref<192x128xf32, #tpu.memory_space<vmem>>, vector<16xf32>,
          %mul3A_436 = arith.mulf %get3A_430, %get3A_435 : vector<16xf32>
          %add3A_437 = arith.constant 96 : i32
          %add3A_438 = arith.addi %add3A_437, %add3A_285 : i32
          %get3A_439 = arith.index_cast %add3A_438 : i32 to index
          %get3A_440 = arith.constant 96 : index
          %get3A_441 = tpu.vector_load %arg12[%get3A_439, %get3A_440] {strides = array<i32>} : memref<192x128xf32, #tpu.memory_space<vmem>>, vector<16xf32>,
          %add3A_442 = arith.constant 144 : i32
          %add3A_443 = arith.addi %add3A_442, %add3A_285 : i32
          %get3A_444 = arith.index_cast %add3A_443 : i32 to index
          %get3A_445 = arith.constant 96 : index
          %get3A_446 = tpu.vector_load %arg12[%get3A_444, %get3A_445] {strides = array<i32>} : memref<192x128xf32, #tpu.memory_space<vmem>>, vector<16xf32>,
          %mul3A_447 = arith.mulf %get3A_441, %get3A_446 : vector<16xf32>
          %mul3A_448 = arith.mulf %mul3A_436, %mul3A_447 : vector<16xf32>
          %swap3A_449 = arith.index_cast %add3A_285 : i32 to index
          %swap3A_450 = arith.constant 96 : index
          %swap3A_451 = tpu.vector_load %arg15[%swap3A_449, %swap3A_450] {strides = array<i32>} : memref<48x128xf32, #tpu.memory_space<vmem>>, vector<16xf32>,
          tpu.vector_store %arg15[%swap3A_449, %swap3A_450], %mul3A_448 {strides = array<i32>} : memref<48x128xf32, #tpu.memory_space<vmem>>, vector<16xf32>,
          %get3A_452 = arith.index_cast %add3A_285 : i32 to index
          %get3A_453 = arith.constant 112 : index
          %get3A_454 = tpu.vector_load %arg12[%get3A_452, %get3A_453] {strides = array<i32>} : memref<192x128xf32, #tpu.memory_space<vmem>>, vector<16xf32>,
          %add3A_455 = arith.constant 48 : i32
          %add3A_456 = arith.addi %add3A_455, %add3A_285 : i32
          %get3A_457 = arith.index_cast %add3A_456 : i32 to index
          %get3A_458 = arith.constant 112 : index
          %get3A_459 = tpu.vector_load %arg12[%get3A_457, %get3A_458] {strides = array<i32>} : memref<192x128xf32, #tpu.memory_space<vmem>>, vector<16xf32>,
          %mul3A_460 = arith.mulf %get3A_454, %get3A_459 : vector<16xf32>
          %add3A_461 = arith.constant 96 : i32
          %add3A_462 = arith.addi %add3A_461, %add3A_285 : i32
          %get3A_463 = arith.index_cast %add3A_462 : i32 to index
          %get3A_464 = arith.constant 112 : index
          %get3A_465 = tpu.vector_load %arg12[%get3A_463, %get3A_464] {strides = array<i32>} : memref<192x128xf32, #tpu.memory_space<vmem>>, vector<16xf32>,
          %add3A_466 = arith.constant 144 : i32
          %add3A_467 = arith.addi %add3A_466, %add3A_285 : i32
          %get3A_468 = arith.index_cast %add3A_467 : i32 to index
          %get3A_469 = arith.constant 112 : index
          %get3A_470 = tpu.vector_load %arg12[%get3A_468, %get3A_469] {strides = array<i32>} : memref<192x128xf32, #tpu.memory_space<vmem>>, vector<16xf32>,
          %mul3A_471 = arith.mulf %get3A_465, %get3A_470 : vector<16xf32>
          %mul3A_472 = arith.mulf %mul3A_460, %mul3A_471 : vector<16xf32>
          %swap3A_473 = arith.index_cast %add3A_285 : i32 to index
          %swap3A_474 = arith.constant 112 : index
          %swap3A_475 = tpu.vector_load %arg15[%swap3A_473, %swap3A_474] {strides = array<i32>} : memref<48x128xf32, #tpu.memory_space<vmem>>, vector<16xf32>,
          tpu.vector_store %arg15[%swap3A_473, %swap3A_474], %mul3A_472 {strides = array<i32>} : memref<48x128xf32, #tpu.memory_space<vmem>>, vector<16xf32>,
        }
        %scan3A_267 = arith.constant 48 : i32
        %add3A_268 = arith.constant 3 : i32
        %add3A_269 = arith.addi %add3A_237, %add3A_268 : i32
        %lt3A_270 = arith.cmpi slt, %add3A_269, %add3A_8 : i32
        %convert_element_type3A_271 = arith.extui %lt3A_270 : i1 to i32
        %cond3A_272 = arith.constant 0 : i32
        %cond3A_273 = arith.cmpi ne, %convert_element_type3A_271, %cond3A_272 : i32
        scf.if %cond3A_273 {
          %add3A_281 = arith.constant 3 : i32
          %add3A_282 = arith.addi %add3A_237, %add3A_281 : i32
          %mul3A_283 = arith.constant 48 : i32
          %mul3A_284 = arith.muli %add3A_282, %mul3A_283 : i32
          %dma_start3A_285 = arith.constant 0 : i32
          %dma_start3A_286 = arith.constant 0 : i32
          %dma_start3A_287 = tpu.memref_slice %arg12[%dma_start3A_285, %dma_start3A_286] : memref<192x128xf32, #tpu.memory_space<vmem>> -> memref<48x128xf32, #tpu.memory_space<vmem>>
          %dma_start3A_288 = tpu.memref_slice %arg8[%mul3A_284] : memref<4704xi32, #tpu.memory_space<vmem>> -> memref<48xi32, #tpu.memory_space<vmem>>
          %dma_start3A_289 = arith.constant 0 : i32
          %dma_start3A_290 = arith.constant 0 : i32
          %dma_start3A_291 = tpu.memref_slice %arg2[%dma_start3A_289, %dma_start3A_290] : memref<50000x128xf32, #tpu.memory_space<hbm>> -> memref<50000x128xf32, #tpu.memory_space<hbm>>
          tpu.enqueue_indirect_dma source(%dma_start3A_291 : memref<50000x128xf32, #tpu.memory_space<hbm>>) target(%dma_start3A_287 : memref<48x128xf32, #tpu.memory_space<vmem>>) offsets(%dma_start3A_288 : memref<48xi32, #tpu.memory_space<vmem>>) semaphore(%arg18 : memref<!tpu.dma_semaphore, #tpu.memory_space<semaphore_mem>>)
          %mul3A_292 = arith.constant 48 : i32
          %mul3A_293 = arith.muli %add3A_282, %mul3A_292 : i32
          %dma_start3A_294 = arith.constant 48 : i32
          %dma_start3A_295 = arith.constant 0 : i32
          %dma_start3A_296 = tpu.memref_slice %arg12[%dma_start3A_294, %dma_start3A_295] : memref<192x128xf32, #tpu.memory_space<vmem>> -> memref<48x128xf32, #tpu.memory_space<vmem>>
          %dma_start3A_297 = tpu.memref_slice %arg9[%mul3A_293] : memref<4704xi32, #tpu.memory_space<vmem>> -> memref<48xi32, #tpu.memory_space<vmem>>
          %dma_start3A_298 = arith.constant 0 : i32
          %dma_start3A_299 = arith.constant 0 : i32
          %dma_start3A_300 = tpu.memref_slice %arg2[%dma_start3A_298, %dma_start3A_299] : memref<50000x128xf32, #tpu.memory_space<hbm>> -> memref<50000x128xf32, #tpu.memory_space<hbm>>
          tpu.enqueue_indirect_dma source(%dma_start3A_300 : memref<50000x128xf32, #tpu.memory_space<hbm>>) target(%dma_start3A_296 : memref<48x128xf32, #tpu.memory_space<vmem>>) offsets(%dma_start3A_297 : memref<48xi32, #tpu.memory_space<vmem>>) semaphore(%arg18 : memref<!tpu.dma_semaphore, #tpu.memory_space<semaphore_mem>>)
          %mul3A_301 = arith.constant 48 : i32
          %mul3A_302 = arith.muli %add3A_282, %mul3A_301 : i32
          %dma_start3A_303 = arith.constant 96 : i32
          %dma_start3A_304 = arith.constant 0 : i32
          %dma_start3A_305 = tpu.memref_slice %arg12[%dma_start3A_303, %dma_start3A_304] : memref<192x128xf32, #tpu.memory_space<vmem>> -> memref<48x128xf32, #tpu.memory_space<vmem>>
          %dma_start3A_306 = tpu.memref_slice %arg10[%mul3A_302] : memref<4704xi32, #tpu.memory_space<vmem>> -> memref<48xi32, #tpu.memory_space<vmem>>
          %dma_start3A_307 = arith.constant 0 : i32
          %dma_start3A_308 = arith.constant 0 : i32
          %dma_start3A_309 = tpu.memref_slice %arg2[%dma_start3A_307, %dma_start3A_308] : memref<50000x128xf32, #tpu.memory_space<hbm>> -> memref<50000x128xf32, #tpu.memory_space<hbm>>
          tpu.enqueue_indirect_dma source(%dma_start3A_309 : memref<50000x128xf32, #tpu.memory_space<hbm>>) target(%dma_start3A_305 : memref<48x128xf32, #tpu.memory_space<vmem>>) offsets(%dma_start3A_306 : memref<48xi32, #tpu.memory_space<vmem>>) semaphore(%arg18 : memref<!tpu.dma_semaphore, #tpu.memory_space<semaphore_mem>>)
          %mul3A_310 = arith.constant 48 : i32
          %mul3A_311 = arith.muli %add3A_282, %mul3A_310 : i32
          %dma_start3A_312 = arith.constant 144 : i32
          %dma_start3A_313 = arith.constant 0 : i32
          %dma_start3A_314 = tpu.memref_slice %arg12[%dma_start3A_312, %dma_start3A_313] : memref<192x128xf32, #tpu.memory_space<vmem>> -> memref<48x128xf32, #tpu.memory_space<vmem>>
          %dma_start3A_315 = tpu.memref_slice %arg11[%mul3A_311] : memref<4704xi32, #tpu.memory_space<vmem>> -> memref<48xi32, #tpu.memory_space<vmem>>
          %dma_start3A_316 = arith.constant 0 : i32
          %dma_start3A_317 = arith.constant 0 : i32
          %dma_start3A_318 = tpu.memref_slice %arg2[%dma_start3A_316, %dma_start3A_317] : memref<50000x128xf32, #tpu.memory_space<hbm>> -> memref<50000x128xf32, #tpu.memory_space<hbm>>
          tpu.enqueue_indirect_dma source(%dma_start3A_318 : memref<50000x128xf32, #tpu.memory_space<hbm>>) target(%dma_start3A_314 : memref<48x128xf32, #tpu.memory_space<vmem>>) offsets(%dma_start3A_315 : memref<48xi32, #tpu.memory_space<vmem>>) semaphore(%arg18 : memref<!tpu.dma_semaphore, #tpu.memory_space<semaphore_mem>>)
        } else {
        }
        %add3A_274 = arith.addi %add3A_4, %add3A_237 : i32
        %mul3A_275 = arith.constant 48 : i32
        %mul3A_276 = arith.muli %add3A_274, %mul3A_275 : i32
        %dma_start3A_277 = arith.constant 0 : i32
        %dma_start3A_278 = tpu.memref_slice %arg7[%mul3A_276, %dma_start3A_277] : memref<150000x128xf32, #tpu.memory_space<hbm>> -> memref<48x128xf32, #tpu.memory_space<hbm>>
        %dma_start3A_279 = arith.constant 0 : i32
        %dma_start3A_280 = tpu.memref_slice %arg7[%mul3A_276, %dma_start3A_279] : memref<150000x128xf32, #tpu.memory_space<hbm>> -> memref<48x128xf32, #tpu.memory_space<hbm>>
        tpu.enqueue_dma source(%arg15 : memref<48x128xf32, #tpu.memory_space<vmem>>) target(%dma_start3A_280 : memref<48x128xf32, #tpu.memory_space<hbm>>) target_semaphore(%arg21 : memref<!tpu.dma_semaphore, #tpu.memory_space<semaphore_mem>>)
      } else {
      }
      %add3A_242 = arith.constant 1 : i32
      %add3A_243 = arith.addi %add3A_235, %add3A_242 : i32
      %lt3A_244 = arith.cmpi slt, %add3A_243, %add3A_8 : i32
      %convert_element_type3A_245 = arith.extui %lt3A_244 : i1 to i32
      %cond3A_246 = arith.constant 0 : i32
      %cond3A_247 = arith.cmpi ne, %convert_element_type3A_245, %cond3A_246 : i32
      scf.if %cond3A_247 {
        %dma_wait3A_254 = arith.constant 0 : i32
        %dma_wait3A_255 = arith.constant 0 : i32
        %dma_wait3A_256 = tpu.memref_slice %arg2[%dma_wait3A_254, %dma_wait3A_255] : memref<50000x128xf32, #tpu.memory_space<hbm>> -> memref<192x128xf32, #tpu.memory_space<hbm>>
        %dma_wait3A_257 = arith.constant 0 : i32
        %dma_wait3A_258 = arith.constant 0 : i32
        %dma_wait3A_259 = tpu.memref_slice %arg2[%dma_wait3A_257, %dma_wait3A_258] : memref<50000x128xf32, #tpu.memory_space<hbm>> -> memref<192x128xf32, #tpu.memory_space<hbm>>
        tpu.wait_dma2 semaphore(%arg19 : memref<!tpu.dma_semaphore, #tpu.memory_space<semaphore_mem>>) src(%dma_wait3A_259 : memref<192x128xf32, #tpu.memory_space<hbm>>) dst(%arg13 : memref<192x128xf32, #tpu.memory_space<vmem>>)
        %ge3A = arith.constant 3 : i32
        %ge3A_260 = arith.cmpi sge, %add3A_243, %ge3A : i32
        %convert_element_type3A_261 = arith.extui %ge3A_260 : i1 to i32
        %cond3A_262 = arith.constant 0 : i32
        %cond3A_263 = arith.cmpi ne, %convert_element_type3A_261, %cond3A_262 : i32
        scf.if %cond3A_263 {
          %dma_wait3A_281 = arith.constant 0 : i32
          %dma_wait3A_282 = arith.constant 0 : i32
          %dma_wait3A_283 = tpu.memref_slice %arg7[%dma_wait3A_281, %dma_wait3A_282] : memref<150000x128xf32, #tpu.memory_space<hbm>> -> memref<48x128xf32, #tpu.memory_space<hbm>>
          %dma_wait3A_284 = arith.constant 0 : i32
          %dma_wait3A_285 = arith.constant 0 : i32
          %dma_wait3A_286 = tpu.memref_slice %arg7[%dma_wait3A_284, %dma_wait3A_285] : memref<150000x128xf32, #tpu.memory_space<hbm>> -> memref<48x128xf32, #tpu.memory_space<hbm>>
          tpu.wait_dma2 semaphore(%arg22 : memref<!tpu.dma_semaphore, #tpu.memory_space<semaphore_mem>>) src(%arg16 : memref<48x128xf32, #tpu.memory_space<vmem>>) dst(%dma_wait3A_286 : memref<48x128xf32, #tpu.memory_space<hbm>>)
        } else {
        }
        %scan3A = arith.constant 0 : i32
        %scan3A_264 = arith.constant 48 : i32
        %scan3A_265 = arith.addi %scan3A, %scan3A_264 : i32
        %scan3A_266 = arith.constant 1 : i32
        scf.for %scan3A_281 = %scan3A to %scan3A_265 step %scan3A_266  : i32 {
          %mul3A_282 = arith.constant 1 : i32
          %mul3A_283 = arith.muli %scan3A_281, %mul3A_282 : i32
          %add3A_284 = arith.constant 0 : i32
          %add3A_285 = arith.addi %add3A_284, %mul3A_283 : i32
          %get3A = arith.index_cast %add3A_285 : i32 to index
          %get3A_286 = arith.constant 0 : index
          %get3A_287 = tpu.vector_load %arg13[%get3A, %get3A_286] {strides = array<i32>} : memref<192x128xf32, #tpu.memory_space<vmem>>, vector<16xf32>,
          %add3A_288 = arith.constant 48 : i32
          %add3A_289 = arith.addi %add3A_288, %add3A_285 : i32
          %get3A_290 = arith.index_cast %add3A_289 : i32 to index
          %get3A_291 = arith.constant 0 : index
          %get3A_292 = tpu.vector_load %arg13[%get3A_290, %get3A_291] {strides = array<i32>} : memref<192x128xf32, #tpu.memory_space<vmem>>, vector<16xf32>,
          %mul3A_293 = arith.mulf %get3A_287, %get3A_292 : vector<16xf32>
          %add3A_294 = arith.constant 96 : i32
          %add3A_295 = arith.addi %add3A_294, %add3A_285 : i32
          %get3A_296 = arith.index_cast %add3A_295 : i32 to index
          %get3A_297 = arith.constant 0 : index
          %get3A_298 = tpu.vector_load %arg13[%get3A_296, %get3A_297] {strides = array<i32>} : memref<192x128xf32, #tpu.memory_space<vmem>>, vector<16xf32>,
          %add3A_299 = arith.constant 144 : i32
          %add3A_300 = arith.addi %add3A_299, %add3A_285 : i32
          %get3A_301 = arith.index_cast %add3A_300 : i32 to index
          %get3A_302 = arith.constant 0 : index
          %get3A_303 = tpu.vector_load %arg13[%get3A_301, %get3A_302] {strides = array<i32>} : memref<192x128xf32, #tpu.memory_space<vmem>>, vector<16xf32>,
          %mul3A_304 = arith.mulf %get3A_298, %get3A_303 : vector<16xf32>
          %mul3A_305 = arith.mulf %mul3A_293, %mul3A_304 : vector<16xf32>
          %swap3A = arith.index_cast %add3A_285 : i32 to index
          %swap3A_306 = arith.constant 0 : index
          %swap3A_307 = tpu.vector_load %arg16[%swap3A, %swap3A_306] {strides = array<i32>} : memref<48x128xf32, #tpu.memory_space<vmem>>, vector<16xf32>,
          tpu.vector_store %arg16[%swap3A, %swap3A_306], %mul3A_305 {strides = array<i32>} : memref<48x128xf32, #tpu.memory_space<vmem>>, vector<16xf32>,
          %get3A_308 = arith.index_cast %add3A_285 : i32 to index
          %get3A_309 = arith.constant 16 : index
          %get3A_310 = tpu.vector_load %arg13[%get3A_308, %get3A_309] {strides = array<i32>} : memref<192x128xf32, #tpu.memory_space<vmem>>, vector<16xf32>,
          %add3A_311 = arith.constant 48 : i32
          %add3A_312 = arith.addi %add3A_311, %add3A_285 : i32
          %get3A_313 = arith.index_cast %add3A_312 : i32 to index
          %get3A_314 = arith.constant 16 : index
          %get3A_315 = tpu.vector_load %arg13[%get3A_313, %get3A_314] {strides = array<i32>} : memref<192x128xf32, #tpu.memory_space<vmem>>, vector<16xf32>,
          %mul3A_316 = arith.mulf %get3A_310, %get3A_315 : vector<16xf32>
          %add3A_317 = arith.constant 96 : i32
          %add3A_318 = arith.addi %add3A_317, %add3A_285 : i32
          %get3A_319 = arith.index_cast %add3A_318 : i32 to index
          %get3A_320 = arith.constant 16 : index
          %get3A_321 = tpu.vector_load %arg13[%get3A_319, %get3A_320] {strides = array<i32>} : memref<192x128xf32, #tpu.memory_space<vmem>>, vector<16xf32>,
          %add3A_322 = arith.constant 144 : i32
          %add3A_323 = arith.addi %add3A_322, %add3A_285 : i32
          %get3A_324 = arith.index_cast %add3A_323 : i32 to index
          %get3A_325 = arith.constant 16 : index
          %get3A_326 = tpu.vector_load %arg13[%get3A_324, %get3A_325] {strides = array<i32>} : memref<192x128xf32, #tpu.memory_space<vmem>>, vector<16xf32>,
          %mul3A_327 = arith.mulf %get3A_321, %get3A_326 : vector<16xf32>
          %mul3A_328 = arith.mulf %mul3A_316, %mul3A_327 : vector<16xf32>
          %swap3A_329 = arith.index_cast %add3A_285 : i32 to index
          %swap3A_330 = arith.constant 16 : index
          %swap3A_331 = tpu.vector_load %arg16[%swap3A_329, %swap3A_330] {strides = array<i32>} : memref<48x128xf32, #tpu.memory_space<vmem>>, vector<16xf32>,
          tpu.vector_store %arg16[%swap3A_329, %swap3A_330], %mul3A_328 {strides = array<i32>} : memref<48x128xf32, #tpu.memory_space<vmem>>, vector<16xf32>,
          %get3A_332 = arith.index_cast %add3A_285 : i32 to index
          %get3A_333 = arith.constant 32 : index
          %get3A_334 = tpu.vector_load %arg13[%get3A_332, %get3A_333] {strides = array<i32>} : memref<192x128xf32, #tpu.memory_space<vmem>>, vector<16xf32>,
          %add3A_335 = arith.constant 48 : i32
          %add3A_336 = arith.addi %add3A_335, %add3A_285 : i32
          %get3A_337 = arith.index_cast %add3A_336 : i32 to index
          %get3A_338 = arith.constant 32 : index
          %get3A_339 = tpu.vector_load %arg13[%get3A_337, %get3A_338] {strides = array<i32>} : memref<192x128xf32, #tpu.memory_space<vmem>>, vector<16xf32>,
          %mul3A_340 = arith.mulf %get3A_334, %get3A_339 : vector<16xf32>
          %add3A_341 = arith.constant 96 : i32
          %add3A_342 = arith.addi %add3A_341, %add3A_285 : i32
          %get3A_343 = arith.index_cast %add3A_342 : i32 to index
          %get3A_344 = arith.constant 32 : index
          %get3A_345 = tpu.vector_load %arg13[%get3A_343, %get3A_344] {strides = array<i32>} : memref<192x128xf32, #tpu.memory_space<vmem>>, vector<16xf32>,
          %add3A_346 = arith.constant 144 : i32
          %add3A_347 = arith.addi %add3A_346, %add3A_285 : i32
          %get3A_348 = arith.index_cast %add3A_347 : i32 to index
          %get3A_349 = arith.constant 32 : index
          %get3A_350 = tpu.vector_load %arg13[%get3A_348, %get3A_349] {strides = array<i32>} : memref<192x128xf32, #tpu.memory_space<vmem>>, vector<16xf32>,
          %mul3A_351 = arith.mulf %get3A_345, %get3A_350 : vector<16xf32>
          %mul3A_352 = arith.mulf %mul3A_340, %mul3A_351 : vector<16xf32>
          %swap3A_353 = arith.index_cast %add3A_285 : i32 to index
          %swap3A_354 = arith.constant 32 : index
          %swap3A_355 = tpu.vector_load %arg16[%swap3A_353, %swap3A_354] {strides = array<i32>} : memref<48x128xf32, #tpu.memory_space<vmem>>, vector<16xf32>,
          tpu.vector_store %arg16[%swap3A_353, %swap3A_354], %mul3A_352 {strides = array<i32>} : memref<48x128xf32, #tpu.memory_space<vmem>>, vector<16xf32>,
          %get3A_356 = arith.index_cast %add3A_285 : i32 to index
          %get3A_357 = arith.constant 48 : index
          %get3A_358 = tpu.vector_load %arg13[%get3A_356, %get3A_357] {strides = array<i32>} : memref<192x128xf32, #tpu.memory_space<vmem>>, vector<16xf32>,
          %add3A_359 = arith.constant 48 : i32
          %add3A_360 = arith.addi %add3A_359, %add3A_285 : i32
          %get3A_361 = arith.index_cast %add3A_360 : i32 to index
          %get3A_362 = arith.constant 48 : index
          %get3A_363 = tpu.vector_load %arg13[%get3A_361, %get3A_362] {strides = array<i32>} : memref<192x128xf32, #tpu.memory_space<vmem>>, vector<16xf32>,
          %mul3A_364 = arith.mulf %get3A_358, %get3A_363 : vector<16xf32>
          %add3A_365 = arith.constant 96 : i32
          %add3A_366 = arith.addi %add3A_365, %add3A_285 : i32
          %get3A_367 = arith.index_cast %add3A_366 : i32 to index
          %get3A_368 = arith.constant 48 : index
          %get3A_369 = tpu.vector_load %arg13[%get3A_367, %get3A_368] {strides = array<i32>} : memref<192x128xf32, #tpu.memory_space<vmem>>, vector<16xf32>,
          %add3A_370 = arith.constant 144 : i32
          %add3A_371 = arith.addi %add3A_370, %add3A_285 : i32
          %get3A_372 = arith.index_cast %add3A_371 : i32 to index
          %get3A_373 = arith.constant 48 : index
          %get3A_374 = tpu.vector_load %arg13[%get3A_372, %get3A_373] {strides = array<i32>} : memref<192x128xf32, #tpu.memory_space<vmem>>, vector<16xf32>,
          %mul3A_375 = arith.mulf %get3A_369, %get3A_374 : vector<16xf32>
          %mul3A_376 = arith.mulf %mul3A_364, %mul3A_375 : vector<16xf32>
          %swap3A_377 = arith.index_cast %add3A_285 : i32 to index
          %swap3A_378 = arith.constant 48 : index
          %swap3A_379 = tpu.vector_load %arg16[%swap3A_377, %swap3A_378] {strides = array<i32>} : memref<48x128xf32, #tpu.memory_space<vmem>>, vector<16xf32>,
          tpu.vector_store %arg16[%swap3A_377, %swap3A_378], %mul3A_376 {strides = array<i32>} : memref<48x128xf32, #tpu.memory_space<vmem>>, vector<16xf32>,
          %get3A_380 = arith.index_cast %add3A_285 : i32 to index
          %get3A_381 = arith.constant 64 : index
          %get3A_382 = tpu.vector_load %arg13[%get3A_380, %get3A_381] {strides = array<i32>} : memref<192x128xf32, #tpu.memory_space<vmem>>, vector<16xf32>,
          %add3A_383 = arith.constant 48 : i32
          %add3A_384 = arith.addi %add3A_383, %add3A_285 : i32
          %get3A_385 = arith.index_cast %add3A_384 : i32 to index
          %get3A_386 = arith.constant 64 : index
          %get3A_387 = tpu.vector_load %arg13[%get3A_385, %get3A_386] {strides = array<i32>} : memref<192x128xf32, #tpu.memory_space<vmem>>, vector<16xf32>,
          %mul3A_388 = arith.mulf %get3A_382, %get3A_387 : vector<16xf32>
          %add3A_389 = arith.constant 96 : i32
          %add3A_390 = arith.addi %add3A_389, %add3A_285 : i32
          %get3A_391 = arith.index_cast %add3A_390 : i32 to index
          %get3A_392 = arith.constant 64 : index
          %get3A_393 = tpu.vector_load %arg13[%get3A_391, %get3A_392] {strides = array<i32>} : memref<192x128xf32, #tpu.memory_space<vmem>>, vector<16xf32>,
          %add3A_394 = arith.constant 144 : i32
          %add3A_395 = arith.addi %add3A_394, %add3A_285 : i32
          %get3A_396 = arith.index_cast %add3A_395 : i32 to index
          %get3A_397 = arith.constant 64 : index
          %get3A_398 = tpu.vector_load %arg13[%get3A_396, %get3A_397] {strides = array<i32>} : memref<192x128xf32, #tpu.memory_space<vmem>>, vector<16xf32>,
          %mul3A_399 = arith.mulf %get3A_393, %get3A_398 : vector<16xf32>
          %mul3A_400 = arith.mulf %mul3A_388, %mul3A_399 : vector<16xf32>
          %swap3A_401 = arith.index_cast %add3A_285 : i32 to index
          %swap3A_402 = arith.constant 64 : index
          %swap3A_403 = tpu.vector_load %arg16[%swap3A_401, %swap3A_402] {strides = array<i32>} : memref<48x128xf32, #tpu.memory_space<vmem>>, vector<16xf32>,
          tpu.vector_store %arg16[%swap3A_401, %swap3A_402], %mul3A_400 {strides = array<i32>} : memref<48x128xf32, #tpu.memory_space<vmem>>, vector<16xf32>,
          %get3A_404 = arith.index_cast %add3A_285 : i32 to index
          %get3A_405 = arith.constant 80 : index
          %get3A_406 = tpu.vector_load %arg13[%get3A_404, %get3A_405] {strides = array<i32>} : memref<192x128xf32, #tpu.memory_space<vmem>>, vector<16xf32>,
          %add3A_407 = arith.constant 48 : i32
          %add3A_408 = arith.addi %add3A_407, %add3A_285 : i32
          %get3A_409 = arith.index_cast %add3A_408 : i32 to index
          %get3A_410 = arith.constant 80 : index
          %get3A_411 = tpu.vector_load %arg13[%get3A_409, %get3A_410] {strides = array<i32>} : memref<192x128xf32, #tpu.memory_space<vmem>>, vector<16xf32>,
          %mul3A_412 = arith.mulf %get3A_406, %get3A_411 : vector<16xf32>
          %add3A_413 = arith.constant 96 : i32
          %add3A_414 = arith.addi %add3A_413, %add3A_285 : i32
          %get3A_415 = arith.index_cast %add3A_414 : i32 to index
          %get3A_416 = arith.constant 80 : index
          %get3A_417 = tpu.vector_load %arg13[%get3A_415, %get3A_416] {strides = array<i32>} : memref<192x128xf32, #tpu.memory_space<vmem>>, vector<16xf32>,
          %add3A_418 = arith.constant 144 : i32
          %add3A_419 = arith.addi %add3A_418, %add3A_285 : i32
          %get3A_420 = arith.index_cast %add3A_419 : i32 to index
          %get3A_421 = arith.constant 80 : index
          %get3A_422 = tpu.vector_load %arg13[%get3A_420, %get3A_421] {strides = array<i32>} : memref<192x128xf32, #tpu.memory_space<vmem>>, vector<16xf32>,
          %mul3A_423 = arith.mulf %get3A_417, %get3A_422 : vector<16xf32>
          %mul3A_424 = arith.mulf %mul3A_412, %mul3A_423 : vector<16xf32>
          %swap3A_425 = arith.index_cast %add3A_285 : i32 to index
          %swap3A_426 = arith.constant 80 : index
          %swap3A_427 = tpu.vector_load %arg16[%swap3A_425, %swap3A_426] {strides = array<i32>} : memref<48x128xf32, #tpu.memory_space<vmem>>, vector<16xf32>,
          tpu.vector_store %arg16[%swap3A_425, %swap3A_426], %mul3A_424 {strides = array<i32>} : memref<48x128xf32, #tpu.memory_space<vmem>>, vector<16xf32>,
          %get3A_428 = arith.index_cast %add3A_285 : i32 to index
          %get3A_429 = arith.constant 96 : index
          %get3A_430 = tpu.vector_load %arg13[%get3A_428, %get3A_429] {strides = array<i32>} : memref<192x128xf32, #tpu.memory_space<vmem>>, vector<16xf32>,
          %add3A_431 = arith.constant 48 : i32
          %add3A_432 = arith.addi %add3A_431, %add3A_285 : i32
          %get3A_433 = arith.index_cast %add3A_432 : i32 to index
          %get3A_434 = arith.constant 96 : index
          %get3A_435 = tpu.vector_load %arg13[%get3A_433, %get3A_434] {strides = array<i32>} : memref<192x128xf32, #tpu.memory_space<vmem>>, vector<16xf32>,
          %mul3A_436 = arith.mulf %get3A_430, %get3A_435 : vector<16xf32>
          %add3A_437 = arith.constant 96 : i32
          %add3A_438 = arith.addi %add3A_437, %add3A_285 : i32
          %get3A_439 = arith.index_cast %add3A_438 : i32 to index
          %get3A_440 = arith.constant 96 : index
          %get3A_441 = tpu.vector_load %arg13[%get3A_439, %get3A_440] {strides = array<i32>} : memref<192x128xf32, #tpu.memory_space<vmem>>, vector<16xf32>,
          %add3A_442 = arith.constant 144 : i32
          %add3A_443 = arith.addi %add3A_442, %add3A_285 : i32
          %get3A_444 = arith.index_cast %add3A_443 : i32 to index
          %get3A_445 = arith.constant 96 : index
          %get3A_446 = tpu.vector_load %arg13[%get3A_444, %get3A_445] {strides = array<i32>} : memref<192x128xf32, #tpu.memory_space<vmem>>, vector<16xf32>,
          %mul3A_447 = arith.mulf %get3A_441, %get3A_446 : vector<16xf32>
          %mul3A_448 = arith.mulf %mul3A_436, %mul3A_447 : vector<16xf32>
          %swap3A_449 = arith.index_cast %add3A_285 : i32 to index
          %swap3A_450 = arith.constant 96 : index
          %swap3A_451 = tpu.vector_load %arg16[%swap3A_449, %swap3A_450] {strides = array<i32>} : memref<48x128xf32, #tpu.memory_space<vmem>>, vector<16xf32>,
          tpu.vector_store %arg16[%swap3A_449, %swap3A_450], %mul3A_448 {strides = array<i32>} : memref<48x128xf32, #tpu.memory_space<vmem>>, vector<16xf32>,
          %get3A_452 = arith.index_cast %add3A_285 : i32 to index
          %get3A_453 = arith.constant 112 : index
          %get3A_454 = tpu.vector_load %arg13[%get3A_452, %get3A_453] {strides = array<i32>} : memref<192x128xf32, #tpu.memory_space<vmem>>, vector<16xf32>,
          %add3A_455 = arith.constant 48 : i32
          %add3A_456 = arith.addi %add3A_455, %add3A_285 : i32
          %get3A_457 = arith.index_cast %add3A_456 : i32 to index
          %get3A_458 = arith.constant 112 : index
          %get3A_459 = tpu.vector_load %arg13[%get3A_457, %get3A_458] {strides = array<i32>} : memref<192x128xf32, #tpu.memory_space<vmem>>, vector<16xf32>,
          %mul3A_460 = arith.mulf %get3A_454, %get3A_459 : vector<16xf32>
          %add3A_461 = arith.constant 96 : i32
          %add3A_462 = arith.addi %add3A_461, %add3A_285 : i32
          %get3A_463 = arith.index_cast %add3A_462 : i32 to index
          %get3A_464 = arith.constant 112 : index
          %get3A_465 = tpu.vector_load %arg13[%get3A_463, %get3A_464] {strides = array<i32>} : memref<192x128xf32, #tpu.memory_space<vmem>>, vector<16xf32>,
          %add3A_466 = arith.constant 144 : i32
          %add3A_467 = arith.addi %add3A_466, %add3A_285 : i32
          %get3A_468 = arith.index_cast %add3A_467 : i32 to index
          %get3A_469 = arith.constant 112 : index
          %get3A_470 = tpu.vector_load %arg13[%get3A_468, %get3A_469] {strides = array<i32>} : memref<192x128xf32, #tpu.memory_space<vmem>>, vector<16xf32>,
          %mul3A_471 = arith.mulf %get3A_465, %get3A_470 : vector<16xf32>
          %mul3A_472 = arith.mulf %mul3A_460, %mul3A_471 : vector<16xf32>
          %swap3A_473 = arith.index_cast %add3A_285 : i32 to index
          %swap3A_474 = arith.constant 112 : index
          %swap3A_475 = tpu.vector_load %arg16[%swap3A_473, %swap3A_474] {strides = array<i32>} : memref<48x128xf32, #tpu.memory_space<vmem>>, vector<16xf32>,
          tpu.vector_store %arg16[%swap3A_473, %swap3A_474], %mul3A_472 {strides = array<i32>} : memref<48x128xf32, #tpu.memory_space<vmem>>, vector<16xf32>,
        }
        %scan3A_267 = arith.constant 48 : i32
        %add3A_268 = arith.constant 3 : i32
        %add3A_269 = arith.addi %add3A_243, %add3A_268 : i32
        %lt3A_270 = arith.cmpi slt, %add3A_269, %add3A_8 : i32
        %convert_element_type3A_271 = arith.extui %lt3A_270 : i1 to i32
        %cond3A_272 = arith.constant 0 : i32
        %cond3A_273 = arith.cmpi ne, %convert_element_type3A_271, %cond3A_272 : i32
        scf.if %cond3A_273 {
          %add3A_281 = arith.constant 3 : i32
          %add3A_282 = arith.addi %add3A_243, %add3A_281 : i32
          %mul3A_283 = arith.constant 48 : i32
          %mul3A_284 = arith.muli %add3A_282, %mul3A_283 : i32
          %dma_start3A_285 = arith.constant 0 : i32
          %dma_start3A_286 = arith.constant 0 : i32
          %dma_start3A_287 = tpu.memref_slice %arg13[%dma_start3A_285, %dma_start3A_286] : memref<192x128xf32, #tpu.memory_space<vmem>> -> memref<48x128xf32, #tpu.memory_space<vmem>>
          %dma_start3A_288 = tpu.memref_slice %arg8[%mul3A_284] : memref<4704xi32, #tpu.memory_space<vmem>> -> memref<48xi32, #tpu.memory_space<vmem>>
          %dma_start3A_289 = arith.constant 0 : i32
          %dma_start3A_290 = arith.constant 0 : i32
          %dma_start3A_291 = tpu.memref_slice %arg2[%dma_start3A_289, %dma_start3A_290] : memref<50000x128xf32, #tpu.memory_space<hbm>> -> memref<50000x128xf32, #tpu.memory_space<hbm>>
          tpu.enqueue_indirect_dma source(%dma_start3A_291 : memref<50000x128xf32, #tpu.memory_space<hbm>>) target(%dma_start3A_287 : memref<48x128xf32, #tpu.memory_space<vmem>>) offsets(%dma_start3A_288 : memref<48xi32, #tpu.memory_space<vmem>>) semaphore(%arg19 : memref<!tpu.dma_semaphore, #tpu.memory_space<semaphore_mem>>)
          %mul3A_292 = arith.constant 48 : i32
          %mul3A_293 = arith.muli %add3A_282, %mul3A_292 : i32
          %dma_start3A_294 = arith.constant 48 : i32
          %dma_start3A_295 = arith.constant 0 : i32
          %dma_start3A_296 = tpu.memref_slice %arg13[%dma_start3A_294, %dma_start3A_295] : memref<192x128xf32, #tpu.memory_space<vmem>> -> memref<48x128xf32, #tpu.memory_space<vmem>>
          %dma_start3A_297 = tpu.memref_slice %arg9[%mul3A_293] : memref<4704xi32, #tpu.memory_space<vmem>> -> memref<48xi32, #tpu.memory_space<vmem>>
          %dma_start3A_298 = arith.constant 0 : i32
          %dma_start3A_299 = arith.constant 0 : i32
          %dma_start3A_300 = tpu.memref_slice %arg2[%dma_start3A_298, %dma_start3A_299] : memref<50000x128xf32, #tpu.memory_space<hbm>> -> memref<50000x128xf32, #tpu.memory_space<hbm>>
          tpu.enqueue_indirect_dma source(%dma_start3A_300 : memref<50000x128xf32, #tpu.memory_space<hbm>>) target(%dma_start3A_296 : memref<48x128xf32, #tpu.memory_space<vmem>>) offsets(%dma_start3A_297 : memref<48xi32, #tpu.memory_space<vmem>>) semaphore(%arg19 : memref<!tpu.dma_semaphore, #tpu.memory_space<semaphore_mem>>)
          %mul3A_301 = arith.constant 48 : i32
          %mul3A_302 = arith.muli %add3A_282, %mul3A_301 : i32
          %dma_start3A_303 = arith.constant 96 : i32
          %dma_start3A_304 = arith.constant 0 : i32
          %dma_start3A_305 = tpu.memref_slice %arg13[%dma_start3A_303, %dma_start3A_304] : memref<192x128xf32, #tpu.memory_space<vmem>> -> memref<48x128xf32, #tpu.memory_space<vmem>>
          %dma_start3A_306 = tpu.memref_slice %arg10[%mul3A_302] : memref<4704xi32, #tpu.memory_space<vmem>> -> memref<48xi32, #tpu.memory_space<vmem>>
          %dma_start3A_307 = arith.constant 0 : i32
          %dma_start3A_308 = arith.constant 0 : i32
          %dma_start3A_309 = tpu.memref_slice %arg2[%dma_start3A_307, %dma_start3A_308] : memref<50000x128xf32, #tpu.memory_space<hbm>> -> memref<50000x128xf32, #tpu.memory_space<hbm>>
          tpu.enqueue_indirect_dma source(%dma_start3A_309 : memref<50000x128xf32, #tpu.memory_space<hbm>>) target(%dma_start3A_305 : memref<48x128xf32, #tpu.memory_space<vmem>>) offsets(%dma_start3A_306 : memref<48xi32, #tpu.memory_space<vmem>>) semaphore(%arg19 : memref<!tpu.dma_semaphore, #tpu.memory_space<semaphore_mem>>)
          %mul3A_310 = arith.constant 48 : i32
          %mul3A_311 = arith.muli %add3A_282, %mul3A_310 : i32
          %dma_start3A_312 = arith.constant 144 : i32
          %dma_start3A_313 = arith.constant 0 : i32
          %dma_start3A_314 = tpu.memref_slice %arg13[%dma_start3A_312, %dma_start3A_313] : memref<192x128xf32, #tpu.memory_space<vmem>> -> memref<48x128xf32, #tpu.memory_space<vmem>>
          %dma_start3A_315 = tpu.memref_slice %arg11[%mul3A_311] : memref<4704xi32, #tpu.memory_space<vmem>> -> memref<48xi32, #tpu.memory_space<vmem>>
          %dma_start3A_316 = arith.constant 0 : i32
          %dma_start3A_317 = arith.constant 0 : i32
          %dma_start3A_318 = tpu.memref_slice %arg2[%dma_start3A_316, %dma_start3A_317] : memref<50000x128xf32, #tpu.memory_space<hbm>> -> memref<50000x128xf32, #tpu.memory_space<hbm>>
          tpu.enqueue_indirect_dma source(%dma_start3A_318 : memref<50000x128xf32, #tpu.memory_space<hbm>>) target(%dma_start3A_314 : memref<48x128xf32, #tpu.memory_space<vmem>>) offsets(%dma_start3A_315 : memref<48xi32, #tpu.memory_space<vmem>>) semaphore(%arg19 : memref<!tpu.dma_semaphore, #tpu.memory_space<semaphore_mem>>)
        } else {
        }
        %add3A_274 = arith.addi %add3A_4, %add3A_243 : i32
        %mul3A_275 = arith.constant 48 : i32
        %mul3A_276 = arith.muli %add3A_274, %mul3A_275 : i32
        %dma_start3A_277 = arith.constant 0 : i32
        %dma_start3A_278 = tpu.memref_slice %arg7[%mul3A_276, %dma_start3A_277] : memref<150000x128xf32, #tpu.memory_space<hbm>> -> memref<48x128xf32, #tpu.memory_space<hbm>>
        %dma_start3A_279 = arith.constant 0 : i32
        %dma_start3A_280 = tpu.memref_slice %arg7[%mul3A_276, %dma_start3A_279] : memref<150000x128xf32, #tpu.memory_space<hbm>> -> memref<48x128xf32, #tpu.memory_space<hbm>>
        tpu.enqueue_dma source(%arg16 : memref<48x128xf32, #tpu.memory_space<vmem>>) target(%dma_start3A_280 : memref<48x128xf32, #tpu.memory_space<hbm>>) target_semaphore(%arg22 : memref<!tpu.dma_semaphore, #tpu.memory_space<semaphore_mem>>)
      } else {
      }
      %add3A_248 = arith.constant 2 : i32
      %add3A_249 = arith.addi %add3A_235, %add3A_248 : i32
      %lt3A_250 = arith.cmpi slt, %add3A_249, %add3A_8 : i32
      %convert_element_type3A_251 = arith.extui %lt3A_250 : i1 to i32
      %cond3A_252 = arith.constant 0 : i32
      %cond3A_253 = arith.cmpi ne, %convert_element_type3A_251, %cond3A_252 : i32
      scf.if %cond3A_253 {
        %dma_wait3A_254 = arith.constant 0 : i32
        %dma_wait3A_255 = arith.constant 0 : i32
        %dma_wait3A_256 = tpu.memref_slice %arg2[%dma_wait3A_254, %dma_wait3A_255] : memref<50000x128xf32, #tpu.memory_space<hbm>> -> memref<192x128xf32, #tpu.memory_space<hbm>>
        %dma_wait3A_257 = arith.constant 0 : i32
        %dma_wait3A_258 = arith.constant 0 : i32
        %dma_wait3A_259 = tpu.memref_slice %arg2[%dma_wait3A_257, %dma_wait3A_258] : memref<50000x128xf32, #tpu.memory_space<hbm>> -> memref<192x128xf32, #tpu.memory_space<hbm>>
        tpu.wait_dma2 semaphore(%arg20 : memref<!tpu.dma_semaphore, #tpu.memory_space<semaphore_mem>>) src(%dma_wait3A_259 : memref<192x128xf32, #tpu.memory_space<hbm>>) dst(%arg14 : memref<192x128xf32, #tpu.memory_space<vmem>>)
        %ge3A = arith.constant 3 : i32
        %ge3A_260 = arith.cmpi sge, %add3A_249, %ge3A : i32
        %convert_element_type3A_261 = arith.extui %ge3A_260 : i1 to i32
        %cond3A_262 = arith.constant 0 : i32
        %cond3A_263 = arith.cmpi ne, %convert_element_type3A_261, %cond3A_262 : i32
        scf.if %cond3A_263 {
          %dma_wait3A_281 = arith.constant 0 : i32
          %dma_wait3A_282 = arith.constant 0 : i32
          %dma_wait3A_283 = tpu.memref_slice %arg7[%dma_wait3A_281, %dma_wait3A_282] : memref<150000x128xf32, #tpu.memory_space<hbm>> -> memref<48x128xf32, #tpu.memory_space<hbm>>
          %dma_wait3A_284 = arith.constant 0 : i32
          %dma_wait3A_285 = arith.constant 0 : i32
          %dma_wait3A_286 = tpu.memref_slice %arg7[%dma_wait3A_284, %dma_wait3A_285] : memref<150000x128xf32, #tpu.memory_space<hbm>> -> memref<48x128xf32, #tpu.memory_space<hbm>>
          tpu.wait_dma2 semaphore(%arg23 : memref<!tpu.dma_semaphore, #tpu.memory_space<semaphore_mem>>) src(%arg17 : memref<48x128xf32, #tpu.memory_space<vmem>>) dst(%dma_wait3A_286 : memref<48x128xf32, #tpu.memory_space<hbm>>)
        } else {
        }
        %scan3A = arith.constant 0 : i32
        %scan3A_264 = arith.constant 48 : i32
        %scan3A_265 = arith.addi %scan3A, %scan3A_264 : i32
        %scan3A_266 = arith.constant 1 : i32
        scf.for %scan3A_281 = %scan3A to %scan3A_265 step %scan3A_266  : i32 {
          %mul3A_282 = arith.constant 1 : i32
          %mul3A_283 = arith.muli %scan3A_281, %mul3A_282 : i32
          %add3A_284 = arith.constant 0 : i32
          %add3A_285 = arith.addi %add3A_284, %mul3A_283 : i32
          %get3A = arith.index_cast %add3A_285 : i32 to index
          %get3A_286 = arith.constant 0 : index
          %get3A_287 = tpu.vector_load %arg14[%get3A, %get3A_286] {strides = array<i32>} : memref<192x128xf32, #tpu.memory_space<vmem>>, vector<16xf32>,
          %add3A_288 = arith.constant 48 : i32
          %add3A_289 = arith.addi %add3A_288, %add3A_285 : i32
          %get3A_290 = arith.index_cast %add3A_289 : i32 to index
          %get3A_291 = arith.constant 0 : index
          %get3A_292 = tpu.vector_load %arg14[%get3A_290, %get3A_291] {strides = array<i32>} : memref<192x128xf32, #tpu.memory_space<vmem>>, vector<16xf32>,
          %mul3A_293 = arith.mulf %get3A_287, %get3A_292 : vector<16xf32>
          %add3A_294 = arith.constant 96 : i32
          %add3A_295 = arith.addi %add3A_294, %add3A_285 : i32
          %get3A_296 = arith.index_cast %add3A_295 : i32 to index
          %get3A_297 = arith.constant 0 : index
          %get3A_298 = tpu.vector_load %arg14[%get3A_296, %get3A_297] {strides = array<i32>} : memref<192x128xf32, #tpu.memory_space<vmem>>, vector<16xf32>,
          %add3A_299 = arith.constant 144 : i32
          %add3A_300 = arith.addi %add3A_299, %add3A_285 : i32
          %get3A_301 = arith.index_cast %add3A_300 : i32 to index
          %get3A_302 = arith.constant 0 : index
          %get3A_303 = tpu.vector_load %arg14[%get3A_301, %get3A_302] {strides = array<i32>} : memref<192x128xf32, #tpu.memory_space<vmem>>, vector<16xf32>,
          %mul3A_304 = arith.mulf %get3A_298, %get3A_303 : vector<16xf32>
          %mul3A_305 = arith.mulf %mul3A_293, %mul3A_304 : vector<16xf32>
          %swap3A = arith.index_cast %add3A_285 : i32 to index
          %swap3A_306 = arith.constant 0 : index
          %swap3A_307 = tpu.vector_load %arg17[%swap3A, %swap3A_306] {strides = array<i32>} : memref<48x128xf32, #tpu.memory_space<vmem>>, vector<16xf32>,
          tpu.vector_store %arg17[%swap3A, %swap3A_306], %mul3A_305 {strides = array<i32>} : memref<48x128xf32, #tpu.memory_space<vmem>>, vector<16xf32>,
          %get3A_308 = arith.index_cast %add3A_285 : i32 to index
          %get3A_309 = arith.constant 16 : index
          %get3A_310 = tpu.vector_load %arg14[%get3A_308, %get3A_309] {strides = array<i32>} : memref<192x128xf32, #tpu.memory_space<vmem>>, vector<16xf32>,
          %add3A_311 = arith.constant 48 : i32
          %add3A_312 = arith.addi %add3A_311, %add3A_285 : i32
          %get3A_313 = arith.index_cast %add3A_312 : i32 to index
          %get3A_314 = arith.constant 16 : index
          %get3A_315 = tpu.vector_load %arg14[%get3A_313, %get3A_314] {strides = array<i32>} : memref<192x128xf32, #tpu.memory_space<vmem>>, vector<16xf32>,
          %mul3A_316 = arith.mulf %get3A_310, %get3A_315 : vector<16xf32>
          %add3A_317 = arith.constant 96 : i32
          %add3A_318 = arith.addi %add3A_317, %add3A_285 : i32
          %get3A_319 = arith.index_cast %add3A_318 : i32 to index
          %get3A_320 = arith.constant 16 : index
          %get3A_321 = tpu.vector_load %arg14[%get3A_319, %get3A_320] {strides = array<i32>} : memref<192x128xf32, #tpu.memory_space<vmem>>, vector<16xf32>,
          %add3A_322 = arith.constant 144 : i32
          %add3A_323 = arith.addi %add3A_322, %add3A_285 : i32
          %get3A_324 = arith.index_cast %add3A_323 : i32 to index
          %get3A_325 = arith.constant 16 : index
          %get3A_326 = tpu.vector_load %arg14[%get3A_324, %get3A_325] {strides = array<i32>} : memref<192x128xf32, #tpu.memory_space<vmem>>, vector<16xf32>,
          %mul3A_327 = arith.mulf %get3A_321, %get3A_326 : vector<16xf32>
          %mul3A_328 = arith.mulf %mul3A_316, %mul3A_327 : vector<16xf32>
          %swap3A_329 = arith.index_cast %add3A_285 : i32 to index
          %swap3A_330 = arith.constant 16 : index
          %swap3A_331 = tpu.vector_load %arg17[%swap3A_329, %swap3A_330] {strides = array<i32>} : memref<48x128xf32, #tpu.memory_space<vmem>>, vector<16xf32>,
          tpu.vector_store %arg17[%swap3A_329, %swap3A_330], %mul3A_328 {strides = array<i32>} : memref<48x128xf32, #tpu.memory_space<vmem>>, vector<16xf32>,
          %get3A_332 = arith.index_cast %add3A_285 : i32 to index
          %get3A_333 = arith.constant 32 : index
          %get3A_334 = tpu.vector_load %arg14[%get3A_332, %get3A_333] {strides = array<i32>} : memref<192x128xf32, #tpu.memory_space<vmem>>, vector<16xf32>,
          %add3A_335 = arith.constant 48 : i32
          %add3A_336 = arith.addi %add3A_335, %add3A_285 : i32
          %get3A_337 = arith.index_cast %add3A_336 : i32 to index
          %get3A_338 = arith.constant 32 : index
          %get3A_339 = tpu.vector_load %arg14[%get3A_337, %get3A_338] {strides = array<i32>} : memref<192x128xf32, #tpu.memory_space<vmem>>, vector<16xf32>,
          %mul3A_340 = arith.mulf %get3A_334, %get3A_339 : vector<16xf32>
          %add3A_341 = arith.constant 96 : i32
          %add3A_342 = arith.addi %add3A_341, %add3A_285 : i32
          %get3A_343 = arith.index_cast %add3A_342 : i32 to index
          %get3A_344 = arith.constant 32 : index
          %get3A_345 = tpu.vector_load %arg14[%get3A_343, %get3A_344] {strides = array<i32>} : memref<192x128xf32, #tpu.memory_space<vmem>>, vector<16xf32>,
          %add3A_346 = arith.constant 144 : i32
          %add3A_347 = arith.addi %add3A_346, %add3A_285 : i32
          %get3A_348 = arith.index_cast %add3A_347 : i32 to index
          %get3A_349 = arith.constant 32 : index
          %get3A_350 = tpu.vector_load %arg14[%get3A_348, %get3A_349] {strides = array<i32>} : memref<192x128xf32, #tpu.memory_space<vmem>>, vector<16xf32>,
          %mul3A_351 = arith.mulf %get3A_345, %get3A_350 : vector<16xf32>
          %mul3A_352 = arith.mulf %mul3A_340, %mul3A_351 : vector<16xf32>
          %swap3A_353 = arith.index_cast %add3A_285 : i32 to index
          %swap3A_354 = arith.constant 32 : index
          %swap3A_355 = tpu.vector_load %arg17[%swap3A_353, %swap3A_354] {strides = array<i32>} : memref<48x128xf32, #tpu.memory_space<vmem>>, vector<16xf32>,
          tpu.vector_store %arg17[%swap3A_353, %swap3A_354], %mul3A_352 {strides = array<i32>} : memref<48x128xf32, #tpu.memory_space<vmem>>, vector<16xf32>,
          %get3A_356 = arith.index_cast %add3A_285 : i32 to index
          %get3A_357 = arith.constant 48 : index
          %get3A_358 = tpu.vector_load %arg14[%get3A_356, %get3A_357] {strides = array<i32>} : memref<192x128xf32, #tpu.memory_space<vmem>>, vector<16xf32>,
          %add3A_359 = arith.constant 48 : i32
          %add3A_360 = arith.addi %add3A_359, %add3A_285 : i32
          %get3A_361 = arith.index_cast %add3A_360 : i32 to index
          %get3A_362 = arith.constant 48 : index
          %get3A_363 = tpu.vector_load %arg14[%get3A_361, %get3A_362] {strides = array<i32>} : memref<192x128xf32, #tpu.memory_space<vmem>>, vector<16xf32>,
          %mul3A_364 = arith.mulf %get3A_358, %get3A_363 : vector<16xf32>
          %add3A_365 = arith.constant 96 : i32
          %add3A_366 = arith.addi %add3A_365, %add3A_285 : i32
          %get3A_367 = arith.index_cast %add3A_366 : i32 to index
          %get3A_368 = arith.constant 48 : index
          %get3A_369 = tpu.vector_load %arg14[%get3A_367, %get3A_368] {strides = array<i32>} : memref<192x128xf32, #tpu.memory_space<vmem>>, vector<16xf32>,
          %add3A_370 = arith.constant 144 : i32
          %add3A_371 = arith.addi %add3A_370, %add3A_285 : i32
          %get3A_372 = arith.index_cast %add3A_371 : i32 to index
          %get3A_373 = arith.constant 48 : index
          %get3A_374 = tpu.vector_load %arg14[%get3A_372, %get3A_373] {strides = array<i32>} : memref<192x128xf32, #tpu.memory_space<vmem>>, vector<16xf32>,
          %mul3A_375 = arith.mulf %get3A_369, %get3A_374 : vector<16xf32>
          %mul3A_376 = arith.mulf %mul3A_364, %mul3A_375 : vector<16xf32>
          %swap3A_377 = arith.index_cast %add3A_285 : i32 to index
          %swap3A_378 = arith.constant 48 : index
          %swap3A_379 = tpu.vector_load %arg17[%swap3A_377, %swap3A_378] {strides = array<i32>} : memref<48x128xf32, #tpu.memory_space<vmem>>, vector<16xf32>,
          tpu.vector_store %arg17[%swap3A_377, %swap3A_378], %mul3A_376 {strides = array<i32>} : memref<48x128xf32, #tpu.memory_space<vmem>>, vector<16xf32>,
          %get3A_380 = arith.index_cast %add3A_285 : i32 to index
          %get3A_381 = arith.constant 64 : index
          %get3A_382 = tpu.vector_load %arg14[%get3A_380, %get3A_381] {strides = array<i32>} : memref<192x128xf32, #tpu.memory_space<vmem>>, vector<16xf32>,
          %add3A_383 = arith.constant 48 : i32
          %add3A_384 = arith.addi %add3A_383, %add3A_285 : i32
          %get3A_385 = arith.index_cast %add3A_384 : i32 to index
          %get3A_386 = arith.constant 64 : index
          %get3A_387 = tpu.vector_load %arg14[%get3A_385, %get3A_386] {strides = array<i32>} : memref<192x128xf32, #tpu.memory_space<vmem>>, vector<16xf32>,
          %mul3A_388 = arith.mulf %get3A_382, %get3A_387 : vector<16xf32>
          %add3A_389 = arith.constant 96 : i32
          %add3A_390 = arith.addi %add3A_389, %add3A_285 : i32
          %get3A_391 = arith.index_cast %add3A_390 : i32 to index
          %get3A_392 = arith.constant 64 : index
          %get3A_393 = tpu.vector_load %arg14[%get3A_391, %get3A_392] {strides = array<i32>} : memref<192x128xf32, #tpu.memory_space<vmem>>, vector<16xf32>,
          %add3A_394 = arith.constant 144 : i32
          %add3A_395 = arith.addi %add3A_394, %add3A_285 : i32
          %get3A_396 = arith.index_cast %add3A_395 : i32 to index
          %get3A_397 = arith.constant 64 : index
          %get3A_398 = tpu.vector_load %arg14[%get3A_396, %get3A_397] {strides = array<i32>} : memref<192x128xf32, #tpu.memory_space<vmem>>, vector<16xf32>,
          %mul3A_399 = arith.mulf %get3A_393, %get3A_398 : vector<16xf32>
          %mul3A_400 = arith.mulf %mul3A_388, %mul3A_399 : vector<16xf32>
          %swap3A_401 = arith.index_cast %add3A_285 : i32 to index
          %swap3A_402 = arith.constant 64 : index
          %swap3A_403 = tpu.vector_load %arg17[%swap3A_401, %swap3A_402] {strides = array<i32>} : memref<48x128xf32, #tpu.memory_space<vmem>>, vector<16xf32>,
          tpu.vector_store %arg17[%swap3A_401, %swap3A_402], %mul3A_400 {strides = array<i32>} : memref<48x128xf32, #tpu.memory_space<vmem>>, vector<16xf32>,
          %get3A_404 = arith.index_cast %add3A_285 : i32 to index
          %get3A_405 = arith.constant 80 : index
          %get3A_406 = tpu.vector_load %arg14[%get3A_404, %get3A_405] {strides = array<i32>} : memref<192x128xf32, #tpu.memory_space<vmem>>, vector<16xf32>,
          %add3A_407 = arith.constant 48 : i32
          %add3A_408 = arith.addi %add3A_407, %add3A_285 : i32
          %get3A_409 = arith.index_cast %add3A_408 : i32 to index
          %get3A_410 = arith.constant 80 : index
          %get3A_411 = tpu.vector_load %arg14[%get3A_409, %get3A_410] {strides = array<i32>} : memref<192x128xf32, #tpu.memory_space<vmem>>, vector<16xf32>,
          %mul3A_412 = arith.mulf %get3A_406, %get3A_411 : vector<16xf32>
          %add3A_413 = arith.constant 96 : i32
          %add3A_414 = arith.addi %add3A_413, %add3A_285 : i32
          %get3A_415 = arith.index_cast %add3A_414 : i32 to index
          %get3A_416 = arith.constant 80 : index
          %get3A_417 = tpu.vector_load %arg14[%get3A_415, %get3A_416] {strides = array<i32>} : memref<192x128xf32, #tpu.memory_space<vmem>>, vector<16xf32>,
          %add3A_418 = arith.constant 144 : i32
          %add3A_419 = arith.addi %add3A_418, %add3A_285 : i32
          %get3A_420 = arith.index_cast %add3A_419 : i32 to index
          %get3A_421 = arith.constant 80 : index
          %get3A_422 = tpu.vector_load %arg14[%get3A_420, %get3A_421] {strides = array<i32>} : memref<192x128xf32, #tpu.memory_space<vmem>>, vector<16xf32>,
          %mul3A_423 = arith.mulf %get3A_417, %get3A_422 : vector<16xf32>
          %mul3A_424 = arith.mulf %mul3A_412, %mul3A_423 : vector<16xf32>
          %swap3A_425 = arith.index_cast %add3A_285 : i32 to index
          %swap3A_426 = arith.constant 80 : index
          %swap3A_427 = tpu.vector_load %arg17[%swap3A_425, %swap3A_426] {strides = array<i32>} : memref<48x128xf32, #tpu.memory_space<vmem>>, vector<16xf32>,
          tpu.vector_store %arg17[%swap3A_425, %swap3A_426], %mul3A_424 {strides = array<i32>} : memref<48x128xf32, #tpu.memory_space<vmem>>, vector<16xf32>,
          %get3A_428 = arith.index_cast %add3A_285 : i32 to index
          %get3A_429 = arith.constant 96 : index
          %get3A_430 = tpu.vector_load %arg14[%get3A_428, %get3A_429] {strides = array<i32>} : memref<192x128xf32, #tpu.memory_space<vmem>>, vector<16xf32>,
          %add3A_431 = arith.constant 48 : i32
          %add3A_432 = arith.addi %add3A_431, %add3A_285 : i32
          %get3A_433 = arith.index_cast %add3A_432 : i32 to index
          %get3A_434 = arith.constant 96 : index
          %get3A_435 = tpu.vector_load %arg14[%get3A_433, %get3A_434] {strides = array<i32>} : memref<192x128xf32, #tpu.memory_space<vmem>>, vector<16xf32>,
          %mul3A_436 = arith.mulf %get3A_430, %get3A_435 : vector<16xf32>
          %add3A_437 = arith.constant 96 : i32
          %add3A_438 = arith.addi %add3A_437, %add3A_285 : i32
          %get3A_439 = arith.index_cast %add3A_438 : i32 to index
          %get3A_440 = arith.constant 96 : index
          %get3A_441 = tpu.vector_load %arg14[%get3A_439, %get3A_440] {strides = array<i32>} : memref<192x128xf32, #tpu.memory_space<vmem>>, vector<16xf32>,
          %add3A_442 = arith.constant 144 : i32
          %add3A_443 = arith.addi %add3A_442, %add3A_285 : i32
          %get3A_444 = arith.index_cast %add3A_443 : i32 to index
          %get3A_445 = arith.constant 96 : index
          %get3A_446 = tpu.vector_load %arg14[%get3A_444, %get3A_445] {strides = array<i32>} : memref<192x128xf32, #tpu.memory_space<vmem>>, vector<16xf32>,
          %mul3A_447 = arith.mulf %get3A_441, %get3A_446 : vector<16xf32>
          %mul3A_448 = arith.mulf %mul3A_436, %mul3A_447 : vector<16xf32>
          %swap3A_449 = arith.index_cast %add3A_285 : i32 to index
          %swap3A_450 = arith.constant 96 : index
          %swap3A_451 = tpu.vector_load %arg17[%swap3A_449, %swap3A_450] {strides = array<i32>} : memref<48x128xf32, #tpu.memory_space<vmem>>, vector<16xf32>,
          tpu.vector_store %arg17[%swap3A_449, %swap3A_450], %mul3A_448 {strides = array<i32>} : memref<48x128xf32, #tpu.memory_space<vmem>>, vector<16xf32>,
          %get3A_452 = arith.index_cast %add3A_285 : i32 to index
          %get3A_453 = arith.constant 112 : index
          %get3A_454 = tpu.vector_load %arg14[%get3A_452, %get3A_453] {strides = array<i32>} : memref<192x128xf32, #tpu.memory_space<vmem>>, vector<16xf32>,
          %add3A_455 = arith.constant 48 : i32
          %add3A_456 = arith.addi %add3A_455, %add3A_285 : i32
          %get3A_457 = arith.index_cast %add3A_456 : i32 to index
          %get3A_458 = arith.constant 112 : index
          %get3A_459 = tpu.vector_load %arg14[%get3A_457, %get3A_458] {strides = array<i32>} : memref<192x128xf32, #tpu.memory_space<vmem>>, vector<16xf32>,
          %mul3A_460 = arith.mulf %get3A_454, %get3A_459 : vector<16xf32>
          %add3A_461 = arith.constant 96 : i32
          %add3A_462 = arith.addi %add3A_461, %add3A_285 : i32
          %get3A_463 = arith.index_cast %add3A_462 : i32 to index
          %get3A_464 = arith.constant 112 : index
          %get3A_465 = tpu.vector_load %arg14[%get3A_463, %get3A_464] {strides = array<i32>} : memref<192x128xf32, #tpu.memory_space<vmem>>, vector<16xf32>,
          %add3A_466 = arith.constant 144 : i32
          %add3A_467 = arith.addi %add3A_466, %add3A_285 : i32
          %get3A_468 = arith.index_cast %add3A_467 : i32 to index
          %get3A_469 = arith.constant 112 : index
          %get3A_470 = tpu.vector_load %arg14[%get3A_468, %get3A_469] {strides = array<i32>} : memref<192x128xf32, #tpu.memory_space<vmem>>, vector<16xf32>,
          %mul3A_471 = arith.mulf %get3A_465, %get3A_470 : vector<16xf32>
          %mul3A_472 = arith.mulf %mul3A_460, %mul3A_471 : vector<16xf32>
          %swap3A_473 = arith.index_cast %add3A_285 : i32 to index
          %swap3A_474 = arith.constant 112 : index
          %swap3A_475 = tpu.vector_load %arg17[%swap3A_473, %swap3A_474] {strides = array<i32>} : memref<48x128xf32, #tpu.memory_space<vmem>>, vector<16xf32>,
          tpu.vector_store %arg17[%swap3A_473, %swap3A_474], %mul3A_472 {strides = array<i32>} : memref<48x128xf32, #tpu.memory_space<vmem>>, vector<16xf32>,
        }
        %scan3A_267 = arith.constant 48 : i32
        %add3A_268 = arith.constant 3 : i32
        %add3A_269 = arith.addi %add3A_249, %add3A_268 : i32
        %lt3A_270 = arith.cmpi slt, %add3A_269, %add3A_8 : i32
        %convert_element_type3A_271 = arith.extui %lt3A_270 : i1 to i32
        %cond3A_272 = arith.constant 0 : i32
        %cond3A_273 = arith.cmpi ne, %convert_element_type3A_271, %cond3A_272 : i32
        scf.if %cond3A_273 {
          %add3A_281 = arith.constant 3 : i32
          %add3A_282 = arith.addi %add3A_249, %add3A_281 : i32
          %mul3A_283 = arith.constant 48 : i32
          %mul3A_284 = arith.muli %add3A_282, %mul3A_283 : i32
          %dma_start3A_285 = arith.constant 0 : i32
          %dma_start3A_286 = arith.constant 0 : i32
          %dma_start3A_287 = tpu.memref_slice %arg14[%dma_start3A_285, %dma_start3A_286] : memref<192x128xf32, #tpu.memory_space<vmem>> -> memref<48x128xf32, #tpu.memory_space<vmem>>
          %dma_start3A_288 = tpu.memref_slice %arg8[%mul3A_284] : memref<4704xi32, #tpu.memory_space<vmem>> -> memref<48xi32, #tpu.memory_space<vmem>>
          %dma_start3A_289 = arith.constant 0 : i32
          %dma_start3A_290 = arith.constant 0 : i32
          %dma_start3A_291 = tpu.memref_slice %arg2[%dma_start3A_289, %dma_start3A_290] : memref<50000x128xf32, #tpu.memory_space<hbm>> -> memref<50000x128xf32, #tpu.memory_space<hbm>>
          tpu.enqueue_indirect_dma source(%dma_start3A_291 : memref<50000x128xf32, #tpu.memory_space<hbm>>) target(%dma_start3A_287 : memref<48x128xf32, #tpu.memory_space<vmem>>) offsets(%dma_start3A_288 : memref<48xi32, #tpu.memory_space<vmem>>) semaphore(%arg20 : memref<!tpu.dma_semaphore, #tpu.memory_space<semaphore_mem>>)
          %mul3A_292 = arith.constant 48 : i32
          %mul3A_293 = arith.muli %add3A_282, %mul3A_292 : i32
          %dma_start3A_294 = arith.constant 48 : i32
          %dma_start3A_295 = arith.constant 0 : i32
          %dma_start3A_296 = tpu.memref_slice %arg14[%dma_start3A_294, %dma_start3A_295] : memref<192x128xf32, #tpu.memory_space<vmem>> -> memref<48x128xf32, #tpu.memory_space<vmem>>
          %dma_start3A_297 = tpu.memref_slice %arg9[%mul3A_293] : memref<4704xi32, #tpu.memory_space<vmem>> -> memref<48xi32, #tpu.memory_space<vmem>>
          %dma_start3A_298 = arith.constant 0 : i32
          %dma_start3A_299 = arith.constant 0 : i32
          %dma_start3A_300 = tpu.memref_slice %arg2[%dma_start3A_298, %dma_start3A_299] : memref<50000x128xf32, #tpu.memory_space<hbm>> -> memref<50000x128xf32, #tpu.memory_space<hbm>>
          tpu.enqueue_indirect_dma source(%dma_start3A_300 : memref<50000x128xf32, #tpu.memory_space<hbm>>) target(%dma_start3A_296 : memref<48x128xf32, #tpu.memory_space<vmem>>) offsets(%dma_start3A_297 : memref<48xi32, #tpu.memory_space<vmem>>) semaphore(%arg20 : memref<!tpu.dma_semaphore, #tpu.memory_space<semaphore_mem>>)
          %mul3A_301 = arith.constant 48 : i32
          %mul3A_302 = arith.muli %add3A_282, %mul3A_301 : i32
          %dma_start3A_303 = arith.constant 96 : i32
          %dma_start3A_304 = arith.constant 0 : i32
          %dma_start3A_305 = tpu.memref_slice %arg14[%dma_start3A_303, %dma_start3A_304] : memref<192x128xf32, #tpu.memory_space<vmem>> -> memref<48x128xf32, #tpu.memory_space<vmem>>
          %dma_start3A_306 = tpu.memref_slice %arg10[%mul3A_302] : memref<4704xi32, #tpu.memory_space<vmem>> -> memref<48xi32, #tpu.memory_space<vmem>>
          %dma_start3A_307 = arith.constant 0 : i32
          %dma_start3A_308 = arith.constant 0 : i32
          %dma_start3A_309 = tpu.memref_slice %arg2[%dma_start3A_307, %dma_start3A_308] : memref<50000x128xf32, #tpu.memory_space<hbm>> -> memref<50000x128xf32, #tpu.memory_space<hbm>>
          tpu.enqueue_indirect_dma source(%dma_start3A_309 : memref<50000x128xf32, #tpu.memory_space<hbm>>) target(%dma_start3A_305 : memref<48x128xf32, #tpu.memory_space<vmem>>) offsets(%dma_start3A_306 : memref<48xi32, #tpu.memory_space<vmem>>) semaphore(%arg20 : memref<!tpu.dma_semaphore, #tpu.memory_space<semaphore_mem>>)
          %mul3A_310 = arith.constant 48 : i32
          %mul3A_311 = arith.muli %add3A_282, %mul3A_310 : i32
          %dma_start3A_312 = arith.constant 144 : i32
          %dma_start3A_313 = arith.constant 0 : i32
          %dma_start3A_314 = tpu.memref_slice %arg14[%dma_start3A_312, %dma_start3A_313] : memref<192x128xf32, #tpu.memory_space<vmem>> -> memref<48x128xf32, #tpu.memory_space<vmem>>
          %dma_start3A_315 = tpu.memref_slice %arg11[%mul3A_311] : memref<4704xi32, #tpu.memory_space<vmem>> -> memref<48xi32, #tpu.memory_space<vmem>>
          %dma_start3A_316 = arith.constant 0 : i32
          %dma_start3A_317 = arith.constant 0 : i32
          %dma_start3A_318 = tpu.memref_slice %arg2[%dma_start3A_316, %dma_start3A_317] : memref<50000x128xf32, #tpu.memory_space<hbm>> -> memref<50000x128xf32, #tpu.memory_space<hbm>>
          tpu.enqueue_indirect_dma source(%dma_start3A_318 : memref<50000x128xf32, #tpu.memory_space<hbm>>) target(%dma_start3A_314 : memref<48x128xf32, #tpu.memory_space<vmem>>) offsets(%dma_start3A_315 : memref<48xi32, #tpu.memory_space<vmem>>) semaphore(%arg20 : memref<!tpu.dma_semaphore, #tpu.memory_space<semaphore_mem>>)
        } else {
        }
        %add3A_274 = arith.addi %add3A_4, %add3A_249 : i32
        %mul3A_275 = arith.constant 48 : i32
        %mul3A_276 = arith.muli %add3A_274, %mul3A_275 : i32
        %dma_start3A_277 = arith.constant 0 : i32
        %dma_start3A_278 = tpu.memref_slice %arg7[%mul3A_276, %dma_start3A_277] : memref<150000x128xf32, #tpu.memory_space<hbm>> -> memref<48x128xf32, #tpu.memory_space<hbm>>
        %dma_start3A_279 = arith.constant 0 : i32
        %dma_start3A_280 = tpu.memref_slice %arg7[%mul3A_276, %dma_start3A_279] : memref<150000x128xf32, #tpu.memory_space<hbm>> -> memref<48x128xf32, #tpu.memory_space<hbm>>
        tpu.enqueue_dma source(%arg17 : memref<48x128xf32, #tpu.memory_space<vmem>>) target(%dma_start3A_280 : memref<48x128xf32, #tpu.memory_space<hbm>>) target_semaphore(%arg23 : memref<!tpu.dma_semaphore, #tpu.memory_space<semaphore_mem>>)
      } else {
      }
    }
    %dma_wait3A_215 = arith.constant 0 : i32
    %dma_wait3A_216 = arith.constant 0 : i32
    %dma_wait3A_217 = tpu.memref_slice %arg7[%dma_wait3A_215, %dma_wait3A_216] : memref<150000x128xf32, #tpu.memory_space<hbm>> -> memref<48x128xf32, #tpu.memory_space<hbm>>
    %dma_wait3A_218 = arith.constant 0 : i32
    %dma_wait3A_219 = arith.constant 0 : i32
    %dma_wait3A_220 = tpu.memref_slice %arg7[%dma_wait3A_218, %dma_wait3A_219] : memref<150000x128xf32, #tpu.memory_space<hbm>> -> memref<48x128xf32, #tpu.memory_space<hbm>>
    tpu.wait_dma2 semaphore(%arg21 : memref<!tpu.dma_semaphore, #tpu.memory_space<semaphore_mem>>) src(%arg15 : memref<48x128xf32, #tpu.memory_space<vmem>>) dst(%dma_wait3A_220 : memref<48x128xf32, #tpu.memory_space<hbm>>)
    %dma_wait3A_221 = arith.constant 0 : i32
    %dma_wait3A_222 = arith.constant 0 : i32
    %dma_wait3A_223 = tpu.memref_slice %arg7[%dma_wait3A_221, %dma_wait3A_222] : memref<150000x128xf32, #tpu.memory_space<hbm>> -> memref<48x128xf32, #tpu.memory_space<hbm>>
    %dma_wait3A_224 = arith.constant 0 : i32
    %dma_wait3A_225 = arith.constant 0 : i32
    %dma_wait3A_226 = tpu.memref_slice %arg7[%dma_wait3A_224, %dma_wait3A_225] : memref<150000x128xf32, #tpu.memory_space<hbm>> -> memref<48x128xf32, #tpu.memory_space<hbm>>
    tpu.wait_dma2 semaphore(%arg22 : memref<!tpu.dma_semaphore, #tpu.memory_space<semaphore_mem>>) src(%arg16 : memref<48x128xf32, #tpu.memory_space<vmem>>) dst(%dma_wait3A_226 : memref<48x128xf32, #tpu.memory_space<hbm>>)
    %dma_wait3A_227 = arith.constant 0 : i32
    %dma_wait3A_228 = arith.constant 0 : i32
    %dma_wait3A_229 = tpu.memref_slice %arg7[%dma_wait3A_227, %dma_wait3A_228] : memref<150000x128xf32, #tpu.memory_space<hbm>> -> memref<48x128xf32, #tpu.memory_space<hbm>>
    %dma_wait3A_230 = arith.constant 0 : i32
    %dma_wait3A_231 = arith.constant 0 : i32
    %dma_wait3A_232 = tpu.memref_slice %arg7[%dma_wait3A_230, %dma_wait3A_231] : memref<150000x128xf32, #tpu.memory_space<hbm>> -> memref<48x128xf32, #tpu.memory_space<hbm>>
    tpu.wait_dma2 semaphore(%arg23 : memref<!tpu.dma_semaphore, #tpu.memory_space<semaphore_mem>>) src(%arg17 : memref<48x128xf32, #tpu.memory_space<vmem>>) dst(%dma_wait3A_232 : memref<48x128xf32, #tpu.memory_space<hbm>>)
    return
  }
}

</mosaic_0001>

<sc_bundles>
// kernel: kernel.3.cloned.1.call-start
scs
__scs_entry_jumppad:
0x0: {  	(pc) =	sbr.rel $0x88, $3  }
0x1: {  	(tag) =	ssettag $0x0;
	lr =	simm.s32 $0x1  }
0x2: {  	[smem:$0x3F9F] =	sst lr;
	_ =	strace $0xD0000000  }
0x3: {  	_ = 	snop  }
0x4: {  	_ = 	snop  }
0x5: {  	_ = 	snop  }
0x6: {  	_ = 	snop  }
0x7: {  	_ = 	snop  }
__scs_overlays_trampoline_lowered:
0x8: {  	[smem:$0x3FAE] =	sst s0  }
0x9: {  	[smem:$0x3FAF] =	sst s1  }
0xa: {  	[smem:$0x3FB0] =	sst s2  }
0xb: {  	[smem:$0x3FB1] =	sst s3  }
0xc: {  	[smem:$0x3FB2] =	sst s4  }
0xd: {  	[smem:$0x3FB3] =	sst s5  }
0xe: {  	[smem:$0x3FB4] =	sst s6  }
0xf: {  	[smem:$0x3FB5] =	sst s7  }
0x10: {  	[smem:$0x3FB6] =	sst s8  }
0x11: {  	[smem:$0x3FB7] =	sst s9;
	s0 =	simm.s32 @!p0 $0x0  }
0x12: {  	s1 =	sld [smem:$0x3F9D];
	s0 =	simm.s32 @p0 $0x1  }
0x13: {  	[smem:$0x3FB8] =	sst s0;
	s0 =	simm.s32 @!p1 $0x0  }
0x14: {  	s2 =	sld [smem:$0x3F9C];
	s0 =	simm.s32 @p1 $0x1  }
0x15: {  	[smem:$0x3FB9] =	sst s0;
	s0 =	simm.s32 @!p2 $0x0  }
0x16: {  	s3 =	sld [smem:$0x3FDB];
	s0 =	simm.s32 @p2 $0x1  }
0x17: {  	s4 =	simm.s32 $0x1BF5;
	[smem:$0x3FBB] =	sst s0  }
0x18: {  	s0 =	sld [smem:$0x3F9E];
	_ =	swait.ge [sflag:s4], $0x0  }
0x19: {  	s7 =	sld [smem:$0x3F9F]  }
0x1a: {  	s8 =	sadd.s32 $0xFFFFE003, lr  }
0x1b: {  	s9 =	sadd.s32 $0xFFFFFEF7, lr;
	s5 =	simm.s32 $0xFFFFFFFF;
	p2 =	slt.u32 s8, $0xFFFFF086  }
0x1c: {  	p1 =	slt.u32 s9, $0xF7A;
	s5 =	simm.s32 @!p2 $0x0  }
0x1d: {  	s5 =	simm.s32 @p1 $0x1;
	p0 =	seq.s32 s7, s2  }
0x1e: {  	s7 =	smul.u32 @!p0 $0xF7A, s2;
	p2 =	seq.s32 @!p0 s5, $0x0  }
0x1f: {  	s9 =	smul.u32 $0xF7A, s1;
	s8 =	simm.s32 @!p0 $0x1BF5;
	p2 =	por !p2, p0  }
0x20: {  	[sflag:s8] =	ssyncset.s32 @!p0 $0xFFFFF086;
	s6 =	sadd.s32 @!p0 s3, s7;
	s7 =	simm.s32 @!p0 $0x108  }
0x21: {  	s3 =	sadd.s32 s3, s9;
	s6 =	sadd.s32 @!p0 $0x88, s6;
	s7 =	simm.s32 @p2 $0x1082  }
0x22: {  	[simem:s7], [sflag:s8] =	dma.local @!p0 [hbm:s6], $0xF7A  }
0x23: {  	s9 =	sor.u32 $0xD0000000, s2;
	s6 =	simm.s32 $0x108;
	_ =	swait.ge @!p0 [sflag:s8], $0x0  }
0x24: {  	s3 =	sadd.s32 $0x88, s3;
	s6 =	simm.s32 @!p1 $0x1082;
	[sflag:s4] =	ssyncset.s32 $0xFFFFF086  }
0x25: {  	[simem:s6], [sflag:s4] =	dma.local [hbm:s3], $0xF7A  }
0x26: {  	[smem:$0x3F9F] =	sst s1;
	(tag) =	ssettag s2;
	_ =	strace s9  }
0x27: {  	s1 =	sld [smem:$0x3FAF]  }
0x28: {  	s2 =	sld [smem:$0x3FB0]  }
0x29: {  	s4 =	sld [smem:$0x3FB2]  }
0x2a: {  	p0 =	seq.s32 s5, $0x0;
	s5 =	sld [smem:$0x3FB3]  }
0x2b: {  	s6 =	sld [smem:$0x3FB4]  }
0x2c: {  	s7 =	sld [smem:$0x3FB5]  }
0x2d: {  	s3 =	simm.s32 $0x108;
	s8 =	sld [smem:$0x3FB6]  }
0x2e: {  	s3 =	simm.s32 @!p0 $0x1082;
	s9 =	sld [smem:$0x3FB7]  }
0x2f: {  	lr =	sadd.s32 s0, s3;
	s0 =	sld [smem:$0x3FAE]  }
0x30: {  	s3 =	sld [smem:$0x3FB1]  }
0x31: {  	[smem:$0x3FBA] =	sst s10  }
0x32: {  	s10 =	sld [smem:$0x3FB8];
	_ =	sdelay $0x3  }
0x33: {  	p0 =	seq.s32 s10, $0x1;
	s10 =	sld [smem:$0x3FBA];
	_ =	sdelay $0x3  }
0x34: {  	[smem:$0x3FBA] =	sst s10  }
0x35: {  	s10 =	sld [smem:$0x3FB9];
	_ =	sdelay $0x3  }
0x36: {  	p1 =	seq.s32 s10, $0x1;
	s10 =	sld [smem:$0x3FBA];
	_ =	sdelay $0x3  }
0x37: {  	[smem:$0x3FBA] =	sst s10  }
0x38: {  	s10 =	sld [smem:$0x3FBB]  }
0x39: {  	_ = 	snop;
	(pc) =	sbr.ind lr, $3  }
0x3a: {  	_ = 	snop  }
0x3b: {  	_ = 	snop  }
0x3c: {  	p2 =	seq.s32 s10, $0x1;
	s10 =	sld [smem:$0x3FBA]  }
0x3d: {  	_ =	shalt  }
0x3e: {  	_ =	shalt  }
0x3f: {  	_ =	shalt  }
0x40: {  	_ =	shalt  }
0x41: {  	_ =	shalt  }
0x42: {  	_ =	shalt  }
0x43: {  	_ =	shalt  }
0x44: {  	_ =	shalt  }
0x45: {  	_ =	shalt  }
0x46: {  	_ =	shalt  }
0x47: {  	_ =	shalt  }
0x48: {  	_ =	shalt  }
0x49: {  	_ =	shalt  }
0x4a: {  	_ =	shalt  }
0x4b: {  	_ =	shalt  }
0x4c: {  	_ =	shalt  }
0x4d: {  	_ =	shalt  }
0x4e: {  	_ =	shalt  }
0x4f: {  	_ =	shalt  }
0x50: {  	_ =	shalt  }
0x51: {  	_ =	shalt  }
0x52: {  	_ =	shalt  }
0x53: {  	_ =	shalt  }
0x54: {  	_ =	shalt  }
0x55: {  	_ =	shalt  }
0x56: {  	_ =	shalt  }
0x57: {  	_ =	shalt  }
0x58: {  	_ =	shalt  }
0x59: {  	_ =	shalt  }
0x5a: {  	_ =	shalt  }
0x5b: {  	_ =	shalt  }
0x5c: {  	_ =	shalt  }
0x5d: {  	_ =	shalt  }
0x5e: {  	_ =	shalt  }
0x5f: {  	_ =	shalt  }
0x60: {  	_ =	shalt  }
0x61: {  	_ =	shalt  }
0x62: {  	_ =	shalt  }
0x63: {  	_ =	shalt  }
0x64: {  	_ =	shalt  }
0x65: {  	_ =	shalt  }
0x66: {  	_ =	shalt  }
0x67: {  	_ =	shalt  }
0x68: {  	_ =	shalt  }
0x69: {  	_ =	shalt  }
0x6a: {  	_ =	shalt  }
0x6b: {  	_ =	shalt  }
0x6c: {  	_ =	shalt  }
0x6d: {  	_ =	shalt  }
0x6e: {  	_ =	shalt  }
0x6f: {  	_ =	shalt  }
0x70: {  	_ =	shalt  }
0x71: {  	_ =	shalt  }
0x72: {  	_ =	shalt  }
0x73: {  	_ =	shalt  }
0x74: {  	_ =	shalt  }
0x75: {  	_ =	shalt  }
0x76: {  	_ =	shalt  }
0x77: {  	_ =	shalt  }
0x78: {  	_ =	shalt  }
0x79: {  	_ =	shalt  }
0x7a: {  	_ =	shalt  }
0x7b: {  	_ =	shalt  }
0x7c: {  	_ =	shalt  }
0x7d: {  	_ =	shalt  }
0x7e: {  	_ =	shalt  }
0x7f: {  	_ =	shalt  }
0x80: {  	_ =	shalt  }
0x81: {  	_ =	shalt  }
0x82: {  	_ =	shalt  }
0x83: {  	_ =	shalt  }
0x84: {  	_ =	shalt  }
0x85: {  	_ =	shalt  }
0x86: {  	_ =	shalt  }
0x87: {  	_ =	shalt  }
.Lfunc_end0:
.L_simem_size_0:
called_computation_lowered:
.L_overlay_start_0:
0x88: {  	s2 =	sld [smem:$0x3FD9]  }
0x89: {  	s3 =	sld [smem:$0x3FFE];
	_ =	sdelay $0x1  }
0x8a: {  	s1 =	srdreg.scid  }
0x8b: {  	s0 =	sand.u32 $0x1, s1  }
0x8c: {  	s17 =	sshll.u32 s0, $0xA;
	s2 =	sadd.s32 s3, s2  }
0x8d: {  	s2 =	sadd.s32 s2, s17  }
0x8e: {  	[smem:$0x3FC6] =	sst s2  }
0x8f: {  	_ = 	snop  }
0x90: {  	s2 =	sld [smem:$0x3FC9]  }
0x91: {  	s18 =	sld [smem:$0x3FD0];
	(tm) =	ssettm $0x1  }
0x92: {  	s4 =	sld [smem:$0x3FFB];
	_ =	sdelay $0x3  }
0x93: {  	_ =	strace s4  }
0x94: {  	s4 =	sld [smem:$0x3FFC];
	_ =	sdelay $0x3  }
0x95: {  	_ =	strace s4  }
0x96: {  	s4 =	sld [smem:$0x3FFD];
	_ =	sdelay $0x3  }
0x97: {  	_ =	strace s4  }
0x98: {  	_ =	strace $0x8FFFFFFF  }
0x99: {  	s19 =	sld [smem:$0x3FDB];
	_ =	sdelay $0x1  }
0x9a: {  	s5 =	simm.s32 $_scs_section_size  }
0x9b: {  	s6 =	simm.s32 $_size__tile_overlayer_lowered;
	s7 =	simm.s32 $_tile_overlayer_lowered  }
0x9c: {  	s22 =	simm.s32 $0x1BFF;
	s21 =	sshll.u32 s7, $0x1;
	s4 =	sadd.s32 s5, s19  }
0x9d: {  	s8 =	simm.s32 $0x0;
	s20 =	sshll.u32 s6, $0x1;
	s6 =	sadd.s32 s21, s4  }
0x9e: {  	[timem:s8], [sflag:s22] =	dma.local [hbm:s6], s20  }
0x9f: {  	_ =	swait.ge [sflag:s22], s20  }
0xa0: {  	s5 =	ssub.s32 $0x0, s20;
	[sflag:s22] =	ssyncset.done $0x0  }
0xa1: {  	[sflag:s22] =	ssyncadd.s32 s5;
	_ =	sdelay $0x1  }
0xa2: {  	s23 =	simm.s32 $0x1B8B  }
0xa3: {  	_ =	swait.ge [sflag:s23], $0x1  }
0xa4: {  	[sflag:s23] =	ssyncset.done $0x0  }
0xa5: {  	s25 =	simm.s32 $0x1B8E;
	s24 =	sld [smem:$0x3FFE];
	[sflag:s23] =	ssyncadd.s32 $0xFFFFFFFF  }
0xa6: {  	s26 =	simm.s32 $execute0_lowered;
	[smem:$0x3FD2] =	sst s25  }
0xa7: {  	s6 =	sshll.u32 s26, $0x1;
	_ =	strace $0x80000046;
	[dreg:$0x1] =	wrdreg $0xFFFFFFFF  }
0xa8: {  	s28 =	simm.s32 $_size_execute0_lowered;
	s4 =	sadd.s32 s4, s6;
	[dreg:$0x0] =	wrdreg $0x0  }
0xa9: {  	s6 =	sshll.u32 s28, $0x1;
	[dreg:$0x2] =	wrdreg s4  }
0xaa: {  	[dreg:$0x3] =	wrdreg s6  }
0xab: {  	[dreg:$0x4] =	wrdreg $0xC0  }
0xac: {  	_ =	task [dreg:s8], $0x5FFFF  }
0xad: {  	[dreg:$0x1] =	wrdreg $0xFFFFFFFF  }
0xae: {  	[dreg:$0x0] =	wrdreg $0x60  }
0xaf: {  	[dreg:$0x2] =	wrdreg s2  }
0xb0: {  	[dreg:$0x3] =	wrdreg s24  }
0xb1: {  	[dreg:$0x4] =	wrdreg s18  }
0xb2: {  	[dreg:$0x5] =	wrdreg $0x9  }
0xb3: {  	_ =	task.clear_ibuf [dreg:s8], $0x6FFFF;
	_ =	strace $0x90000046  }
0xb4: {  	s29 =	simm.s32 $0x9;
	_ =	strace $0x80000048  }
0xb5: {  	_ =	swait.ge [sflag:s29], $0x1  }
0xb6: {  	[sflag:s29] =	ssyncadd.s32 $0xFFFFFFFF  }
0xb7: {  	_ =	strace $0x90000048  }
0xb8: {  	_ =	sfence  }
0xb9: {  	s30 =	sld [smem:$0x0];
	_ =	sdelay $0x2  }
0xba: {  	s31 =	sshll.u32 s1, $0xD;
	s1 =	sshrl.u32 s1, $0x2  }
0xbb: {  	s3 =	sand.u32 $0x4000, s31;
	s1 =	sadd.s32 s1, s30  }
0xbc: {  	s0 =	sor.u32 s3, s0;
	s1 =	sshll.u32 s1, $0x11  }
0xbd: {  	s0 =	sor.u32 s1, s0  }
0xbe: {  	s0 =	sadd.s32 $0x8F2B, s0  }
0xbf: {  	[sflag:s0] =	ssyncadd.remote.s32 $0x1  }
0xc0: {  	_ =	sfence.sel $0xFFFF  }
0xc1: {  	[dreg:$0x0] =	wrdreg $0xFFFFFFFF;
	(pc) =	sbr.abs _section_cstart, $3  }
0xc2: {  	[dreg:$0x1] =	wrdreg $0xFFFFFFFF  }
0xc3: {  	_ =	task.clear_ibuf [dreg:s8], $0x2FFFF;
	_ =	strace $0x9FFFFFFF  }
0xc4: {  	(tm) =	ssettm $0x7FFFFFFF  }
0xc5: {  	_ =	shalt  }
tec
execute0_lowered:
.L_overlay_start_1:
0x0: {  	(tag) =	ssettag $0x1  }
0x1: {  	s1 =	rddreg [dreg:$0x0]  }
0x2: {  	s0 =	rddreg [dreg:$0x1]  }
0x3: {  	s2 =	srdreg.scid;
	s4 =	stileid.u32  }
0x4: {  	s3 =	rddreg [dreg:$0x2];
	s19 =	simm.s32 $0x7;
	s20 =	simm.s32 $0x30  }
0x5: {  	s29 =	simm.s32 $0x1;
	s30 =	simm.s32 $0x16A00;
	s31 =	simm.s32 $0x2  }
0x6: {  	s21 =	simm.s32 $0x19A00;
	s22 =	simm.s32 $0x4;
	s23 =	simm.s32 $0x5  }
0x7: {  	s24 =	simm.s32 $0x6;
	s25 =	simm.s32 $0x0;
	s2 =	sand.u32 $0x1, s2  }
0x8: {  	s5 =	sshll.u32 s4, $0x1;
	s4 =	simm.s32 $0x0;
	s11 =	sadd.s32 $0xDE00, s0  }
0x9: {  	s12 =	sadd.s32 $0x9400, s0;
	s13 =	sadd.s32 $0x4A00, s0;
	s7 =	sor.u32 s2, s5  }
0xa: {  	[smem:$0x7FF] =	sst s4;
	s2 =	ssub.s32 $0x2, s2;
	s5 =	smul.u32 $0x61, s7  }
0xb: {  	_ =	strace $0x80000047;
	s6 =	smin.u32 s7, $0x15;
	s8 =	sshrl.u32 s2, $0x1  }
0xc: {  	p0 =	slt.u32 s7, $0x15;
	s2 =	ssub.s32 s2, s8;
	s5 =	sadd.s32 s6, s5  }
0xd: {  	s6 =	simm.s32 $0x62;
	s15 =	smax.u32 s2, $0x1;
	s10 =	smul.u32 $0x6, s5  }
0xe: {  	s2 =	simm.s32 $0x18200;
	s9 =	smul.u32 $0x30, s5;
	s6 =	simm.s32 @!p0 $0x61  }
.Ltmp0:
0xf: {  	p0 =	sgt.u32 s7, $0x14;
	s26 =	sadd.s32 s11, s10;
	(pc) =	sbr.rel .LBB2_1-.Ltmp0, $4  }
0x10: {  	s9 =	sshrl.u32 s9, $0x3;
	s28 =	sadd.s32 s12, s10;
	[dreg:$0x4] =	wrdreg s26  }
0x11: {  	[dreg:$0x5] =	wrdreg s28;
	s14 =	sadd.s32 $0x246, s9;
	s9 =	sadd.s32 s13, s10  }
0x12: {  	s10 =	sadd.s32 s0, s10;
	s11 =	sadd.s32 s11, s14;
	s12 =	sadd.s32 s12, s14  }
0x13: {  	s13 =	sadd.s32 s13, s14;
	s14 =	sadd.s32 s0, s14;
	s0 =	simm.s32 $0x3  }
.LBB2_15:
0x14: {  	_ =	swait.ge [sflag:s22], $0x1800  }
0x15: {  	[sflag:s22] =	ssyncset.done $0x0  }
0x16: {  	s25 =	sadd.s32 $0x1, s25;
	[sflag:s22] =	ssyncadd.s32 $0xFFFFE800  }
0x17: {  	p1 =	sne.s32 s25, s15;
	_ =	swait.ge [sflag:s23], $0x1800  }
.Ltmp1:
0x18: {  	[sflag:s23] =	ssyncset.done $0x0;
	(pc) =	sbr.rel @!p1 .LBB2_16-.Ltmp1, $4  }
0x19: {  	[sflag:s23] =	ssyncadd.s32 $0xFFFFE800  }
0x1a: {  	_ =	swait.ge [sflag:s24], $0x1800  }
0x1b: {  	[sflag:s24] =	ssyncset.done $0x0  }
0x1c: {  	[sflag:s24] =	ssyncadd.s32 $0xFFFFE800  }
.LBB2_1:
0x1d: {  	s7 =	rddreg [dreg:$0x4]  }
0x1e: {  	[tilespmem:s4], [sflag:$0x7] =	stream.linear.gather [hbm4b:s7+s4], $0x1230, $0x38;
	[tilespmem:$0x1B200] =	vst v63  }
0x1f: {  	s18 =	rddreg [dreg:$0x5];
	s8 =	simm.s32 $0x1280  }
0x20: {  	[tilespmem:s8], [sflag:$0x7] =	stream.linear.gather [hbm4b:s18+s4], $0x1230, $0x38;
	[tilespmem:$0x1B200] =	vst v63  }
0x21: {  	s17 =	simm.s32 $0x2500  }
0x22: {  	[tilespmem:s17], [sflag:$0x7] =	stream.linear.gather [hbm4b:s9+s4], $0x1230, $0x38;
	[tilespmem:$0x1B200] =	vst v63  }
0x23: {  	s18 =	simm.s32 $0x3780  }
0x24: {  	[tilespmem:s18], [sflag:$0x7] =	stream.linear.gather [hbm4b:s10+s4], $0x1230, $0x38;
	[tilespmem:$0x1B200] =	vst v63  }
0x25: {  	s16 =	simm.s32 @!p0 $0x1230;
	s7 =	simm.s32 @!p0 $0x0  }
0x26: {  	[tilespmem:s16], [sflag:$0x7] =	stream.linear.gather @!p0 [hbm4b:s11+s7], $0x30, $0x38;
	[tilespmem:$0x1B200] =	vst v63  }
0x27: {  	s16 =	simm.s32 @!p0 $0x24B0  }
0x28: {  	[tilespmem:s16], [sflag:$0x7] =	stream.linear.gather @!p0 [hbm4b:s12+s7], $0x30, $0x38;
	[tilespmem:$0x1B200] =	vst v63  }
0x29: {  	s16 =	simm.s32 @!p0 $0x3730  }
0x2a: {  	[tilespmem:s16], [sflag:$0x7] =	stream.linear.gather @!p0 [hbm4b:s13+s7], $0x30, $0x38;
	[tilespmem:$0x1B200] =	vst v63  }
0x2b: {  	s16 =	simm.s32 @!p0 $0x49B0  }
0x2c: {  	[tilespmem:s16], [sflag:$0x7] =	stream.linear.gather @!p0 [hbm4b:s14+s7], $0x30, $0x38;
	[tilespmem:$0x1B200] =	vst v63  }
0x2d: {  	_ =	swait.ge [sflag:s19], $0x1230  }
0x2e: {  	[sflag:s19] =	ssyncset.done $0x0  }
0x2f: {  	[sflag:s19] =	ssyncadd.s32 $0xFFFFEDD0  }
0x30: {  	_ =	swait.ge [sflag:s19], $0x1230  }
0x31: {  	[sflag:s19] =	ssyncset.done $0x0  }
0x32: {  	[sflag:s19] =	ssyncadd.s32 $0xFFFFEDD0  }
0x33: {  	_ =	swait.ge [sflag:s19], $0x1230  }
0x34: {  	[sflag:s19] =	ssyncset.done $0x0  }
0x35: {  	[sflag:s19] =	ssyncadd.s32 $0xFFFFEDD0  }
0x36: {  	_ =	swait.ge [sflag:s19], $0x1230  }
0x37: {  	[sflag:s19] =	ssyncset.done $0x0  }
0x38: {  	s7 =	simm.s32 @!p0 $0x7;
	[sflag:s19] =	ssyncadd.s32 $0xFFFFEDD0  }
0x39: {  	_ =	swait.ge @!p0 [sflag:s7], $0x30  }
0x3a: {  	[sflag:s7] =	ssyncset.done @!p0 $0x0  }
0x3b: {  	[sflag:s7] =	ssyncadd.s32 @!p0 $0xFFFFFFD0  }
0x3c: {  	_ =	swait.ge @!p0 [sflag:s7], $0x30  }
0x3d: {  	[sflag:s7] =	ssyncset.done @!p0 $0x0  }
0x3e: {  	[sflag:s7] =	ssyncadd.s32 @!p0 $0xFFFFFFD0  }
0x3f: {  	_ =	swait.ge @!p0 [sflag:s7], $0x30  }
0x40: {  	[sflag:s7] =	ssyncset.done @!p0 $0x0  }
0x41: {  	[sflag:s7] =	ssyncadd.s32 @!p0 $0xFFFFFFD0  }
0x42: {  	_ =	swait.ge @!p0 [sflag:s7], $0x30  }
0x43: {  	[sflag:s7] =	ssyncset.done @!p0 $0x0  }
0x44: {  	s26 =	simm.s32 $0x4A00;
	[sflag:s7] =	ssyncadd.s32 @!p0 $0xFFFFFFD0  }
0x45: {  	[tilespmem:s26], [sflag:$0x1] =	stream.indirect.gather [hbm4b:s1+s20], $0x80, s4, s20, $0xb8;
	[tilespmem:$0x1B200] =	vst v63  }
0x46: {  	s28 =	simm.s32 $0x6200  }
0x47: {  	[tilespmem:s28], [sflag:$0x1] =	stream.indirect.gather [hbm4b:s1+s20], $0x80, s8, s20, $0xb8;
	[tilespmem:$0x1B200] =	vst v63  }
0x48: {  	s16 =	simm.s32 $0x7A00  }
0x49: {  	[tilespmem:s16], [sflag:$0x1] =	stream.indirect.gather [hbm4b:s1+s20], $0x80, s17, s20, $0xb8;
	[tilespmem:$0x1B200] =	vst v63  }
0x4a: {  	s17 =	simm.s32 $0x9200  }
0x4b: {  	[tilespmem:s17], [sflag:$0x1] =	stream.indirect.gather [hbm4b:s1+s20], $0x80, s18, s20, $0xb8;
	[tilespmem:$0x1B200] =	vst v63  }
0x4c: {  	s18 =	simm.s32 $0xAA00  }
0x4d: {  	[tilespmem:s18], [sflag:$0x2] =	stream.indirect.gather [hbm4b:s1+s20], $0x80, s20, s20, $0xb8;
	[tilespmem:$0x1B200] =	vst v63  }
0x4e: {  	s26 =	simm.s32 $0x12B0;
	s28 =	simm.s32 $0xC200  }
0x4f: {  	[tilespmem:s28], [sflag:$0x2] =	stream.indirect.gather [hbm4b:s1+s20], $0x80, s26, s20, $0xb8;
	[tilespmem:$0x1B200] =	vst v63  }
0x50: {  	s8 =	simm.s32 $0x2530;
	s16 =	simm.s32 $0xDA00  }
0x51: {  	[tilespmem:s16], [sflag:$0x2] =	stream.indirect.gather [hbm4b:s1+s20], $0x80, s8, s20, $0xb8;
	[tilespmem:$0x1B200] =	vst v63  }
0x52: {  	s17 =	simm.s32 $0x37B0;
	s18 =	simm.s32 $0xF200  }
0x53: {  	[tilespmem:s18], [sflag:$0x2] =	stream.indirect.gather [hbm4b:s1+s20], $0x80, s17, s20, $0xb8;
	[tilespmem:$0x1B200] =	vst v63  }
0x54: {  	s26 =	simm.s32 $0x60;
	s28 =	simm.s32 $0x10A00  }
0x55: {  	[tilespmem:s28], [sflag:$0x3] =	stream.indirect.gather [hbm4b:s1+s20], $0x80, s26, s20, $0xb8;
	[tilespmem:$0x1B200] =	vst v63  }
0x56: {  	s8 =	simm.s32 $0x12E0;
	s16 =	simm.s32 $0x12200  }
0x57: {  	[tilespmem:s16], [sflag:$0x3] =	stream.indirect.gather [hbm4b:s1+s20], $0x80, s8, s20, $0xb8;
	[tilespmem:$0x1B200] =	vst v63  }
.Ltmp2:
0x58: {  	s17 =	simm.s32 $0x2560;
	s18 =	simm.s32 $0x13A00;
	(pc) =	sbr.rel .LBB2_2-.Ltmp2, $4  }
0x59: {  	[tilespmem:s18], [sflag:$0x3] =	stream.indirect.gather [hbm4b:s1+s20], $0x80, s17, s20, $0xb8;
	[tilespmem:$0x1B200] =	vst v63  }
0x5a: {  	s26 =	simm.s32 $0x37E0;
	s28 =	simm.s32 $0x15200  }
0x5b: {  	[tilespmem:s28], [sflag:$0x3] =	stream.indirect.gather [hbm4b:s1+s20], $0x80, s26, s20, $0xb8;
	[tilespmem:$0x1B200] =	vst v63  }
0x5c: {  	s26 =	simm.s32 $0x0  }
.LBB2_14:
0x5d: {  	s26 =	sadd.s32 $0x1, s26  }
0x5e: {  	p1 =	sne.s32 s26, $0x21  }
.Ltmp3:
0x5f: {  	_ = 	snop;
	(pc) =	sbr.rel @!p1 .LBB2_15-.Ltmp3, $1  }
0x60: {  	_ =	sdelay $0x3  }
.LBB2_2:
0x61: {  	s28 =	smul.u32 $0x3, s26;
	_ =	sdelay $0x1  }
0x62: {  	p2 =	sge.u32 s28, s6  }
.Ltmp4:
0x63: {  	_ = 	snop;
	(pc) =	sbr.rel @p2 .LBB2_6-.Ltmp4, $2  }
0x64: {  	_ =	sdelay $0x2  }
0x65: {  	p1 =	seq.s32 s26, $0x0  }
0x66: {  	_ =	swait.ge [sflag:s29], $0x6000  }
0x67: {  	[sflag:s29] =	ssyncset.done $0x0  }
0x68: {  	s7 =	simm.s32 @!p1 $0x4;
	[sflag:s29] =	ssyncadd.s32 $0xFFFFA000  }
0x69: {  	_ =	swait.ge @!p1 [sflag:s7], $0x1800  }
0x6a: {  	[sflag:s7] =	ssyncset.done @!p1 $0x0  }
0x6b: {  	s16 =	simm.s32 $0x0;
	[sflag:s7] =	ssyncadd.s32 @!p1 $0xFFFFE800  }
0x6c: {  	v0 =	vld [tilespmem:s16+$0x4A70]  }
0x6d: {  	v1 =	vld [tilespmem:s16+$0x6270]  }
0x6e: {  	v2 =	vld [tilespmem:s16+$0x7A70]  }
0x6f: {  	v3 =	vld [tilespmem:s16+$0x9270]  }
0x70: {  	v4 =	vld [tilespmem:s16+$0x4A00]  }
0x71: {  	v5 =	vld [tilespmem:s16+$0x6200]  }
0x72: {  	v6 =	vld [tilespmem:s16+$0x7A00]  }
0x73: {  	v7 =	vld [tilespmem:s16+$0x9200]  }
0x74: {  	v8 =	vld [tilespmem:s16+$0x4A10]  }
0x75: {  	v0 =	vmul.f32 v1, v0;
	v1 =	vmul.f32 v3, v2;
	v2 =	vld [tilespmem:s16+$0x6210]  }
0x76: {  	v3 =	vld [tilespmem:s16+$0x7A10]  }
0x77: {  	v0 =	vmul.f32 v1, v0;
	v1 =	vld [tilespmem:s16+$0x9210]  }
0x78: {  	v9 =	vld [tilespmem:s16+$0x4A20];
	v4 =	vmul.f32 v5, v4;
	v5 =	vmul.f32 v7, v6  }
0x79: {  	v6 =	vld [tilespmem:s16+$0x9220]  }
0x7a: {  	v4 =	vmul.f32 v5, v4;
	v5 =	vld [tilespmem:s16+$0x7A20]  }
0x7b: {  	[tilespmem:s16+$0x16A70] =	vst v0;
	v0 =	vld [tilespmem:s16+$0x6220]  }
0x7c: {  	v7 =	vld [tilespmem:s16+$0x9230];
	v2 =	vmul.f32 v2, v8;
	v1 =	vmul.f32 v1, v3  }
0x7d: {  	[tilespmem:s16+$0x16A00] =	vst v4;
	v4 =	vld [tilespmem:s16+$0x6230]  }
0x7e: {  	v3 =	vld [tilespmem:s16+$0x4A30];
	v1 =	vmul.f32 v1, v2  }
0x7f: {  	v2 =	vld [tilespmem:s16+$0x7A30]  }
0x80: {  	v8 =	vld [tilespmem:s16+$0x9240];
	v0 =	vmul.f32 v0, v9;
	[tilespmem:s16+$0x16A10] =	vst v1;
	v1 =	vmul.f32 v6, v5  }
0x81: {  	v5 =	vld [tilespmem:s16+$0x4A40]  }
0x82: {  	v6 =	vld [tilespmem:s16+$0x6240];
	v0 =	vmul.f32 v1, v0  }
0x83: {  	v1 =	vld [tilespmem:s16+$0x7A40]  }
0x84: {  	v63 =	vld [tilespmem:s16+$0x9250];
	v2 =	vmul.f32 v7, v2;
	[tilespmem:s16+$0x16A20] =	vst v0;
	v0 =	vmul.f32 v4, v3  }
0x85: {  	v7 =	vld [tilespmem:s16+$0x6250]  }
0x86: {  	v3 =	vld [tilespmem:s16+$0x4A50];
	v0 =	vmul.f32 v2, v0  }
0x87: {  	v2 =	vld [tilespmem:s16+$0x7A50]  }
0x88: {  	v10 =	vld [tilespmem:s16+$0x4A60];
	v4 =	vmul.f32 v8, v1;
	[tilespmem:s16+$0x16A30] =	vst v0;
	v0 =	vmul.f32 v6, v5  }
0x89: {  	v5 =	vld [tilespmem:s16+$0x6260]  }
0x8a: {  	v1 =	vld [tilespmem:s16+$0x7A60];
	v6 =	vmul.f32 v4, v0  }
0x8b: {  	s17 =	simm.s32 $0x80;
	v4 =	vld [tilespmem:s16+$0x9260]  }
0x8c: {  	v7 =	vmul.f32 v7, v3;
	v0 =	vld [tilespmem:s17+$0x4A70];
	[tilespmem:s16+$0x16A40] =	vst v6;
	v6 =	vmul.f32 v63, v2  }
0x8d: {  	v2 =	vld [tilespmem:s17+$0x6270]  }
0x8e: {  	s18 =	simm.s32 $0x400;
	v3 =	vld [tilespmem:s17+$0x7A70];
	v5 =	vmul.f32 v5, v10;
	v6 =	vmul.f32 v6, v7  }
.LBB2_4:
0x8f: {  	p2 =	sne.s32 s18, $0x5E00;
	v7 =	vld [tilespmem:s17+$0x9270]  }
0x90: {  	v8 =	vld [tilespmem:s17+$0x4A00];
	[tilespmem:s16+$0x16A50] =	vst v6;
	v1 =	vmul.f32 v4, v1  }
0x91: {  	v4 =	vld [tilespmem:s17+$0x6200]  }
0x92: {  	v6 =	vld [tilespmem:s17+$0x7A00];
	v1 =	vmul.f32 v1, v5  }
0x93: {  	v5 =	vld [tilespmem:s17+$0x9200]  }
0x94: {  	v0 =	vmul.f32 v2, v0;
	v9 =	vld [tilespmem:s17+$0x4A10];
	v2 =	vmul.f32 v7, v3;
	[tilespmem:s16+$0x16A60] =	vst v1;
	s16 =	smov.u32 s17  }
0x95: {  	v1 =	vld [tilespmem:s16+$0x6210]  }
0x96: {  	v3 =	vmul.f32 v4, v8;
	v4 =	vld [tilespmem:s16+$0x7A10];
	v0 =	vmul.f32 v2, v0  }
0x97: {  	v2 =	vld [tilespmem:s16+$0x9210]  }
0x98: {  	v5 =	vmul.f32 v5, v6;
	v6 =	vld [tilespmem:s16+$0x4A20];
	[tilespmem:s16+$0x16A70] =	vst v0  }
0x99: {  	v0 =	vld [tilespmem:s16+$0x6220]  }
0x9a: {  	v3 =	vmul.f32 v5, v3;
	v1 =	vmul.f32 v1, v9;
	v5 =	vld [tilespmem:s16+$0x7A20]  }
0x9b: {  	v7 =	vld [tilespmem:s16+$0x9220]  }
0x9c: {  	[tilespmem:s16+$0x16A00] =	vst v3;
	v2 =	vmul.f32 v2, v4;
	v3 =	vld [tilespmem:s16+$0x4A30]  }
0x9d: {  	v4 =	vld [tilespmem:s16+$0x6230]  }
0x9e: {  	v1 =	vmul.f32 v2, v1;
	v0 =	vmul.f32 v0, v6;
	v2 =	vld [tilespmem:s16+$0x7A30]  }
0x9f: {  	v6 =	vld [tilespmem:s16+$0x9230]  }
0xa0: {  	[tilespmem:s16+$0x16A10] =	vst v1;
	v1 =	vmul.f32 v7, v5;
	v5 =	vld [tilespmem:s16+$0x4A40]  }
0xa1: {  	v7 =	vld [tilespmem:s16+$0x6240]  }
0xa2: {  	v0 =	vmul.f32 v1, v0;
	v1 =	vmul.f32 v4, v3;
	v3 =	vld [tilespmem:s16+$0x7A40]  }
0xa3: {  	v4 =	vld [tilespmem:s16+$0x9240]  }
0xa4: {  	[tilespmem:s16+$0x16A20] =	vst v0;
	v0 =	vmul.f32 v6, v2;
	v2 =	vld [tilespmem:s16+$0x4A50]  }
0xa5: {  	v6 =	vld [tilespmem:s16+$0x6250]  }
0xa6: {  	v0 =	vmul.f32 v0, v1;
	v1 =	vmul.f32 v7, v5;
	v5 =	vld [tilespmem:s16+$0x7A50]  }
0xa7: {  	v7 =	vld [tilespmem:s16+$0x9250]  }
0xa8: {  	[tilespmem:s16+$0x16A30] =	vst v0;
	v0 =	vmul.f32 v4, v3;
	v8 =	vld [tilespmem:s16+$0x4A60]  }
0xa9: {  	v9 =	vld [tilespmem:s16+$0x6260]  }
.Ltmp5:
0xaa: {  	v3 =	vmul.f32 v0, v1;
	v6 =	vmul.f32 v6, v2;
	v1 =	vld [tilespmem:s16+$0x7A60];
	(pc) =	sbr.rel @p2 .LBB2_4-.Ltmp5, $4  }
0xab: {  	s17 =	sshra.s32 s18, $0x2;
	v4 =	vld [tilespmem:s16+$0x9260]  }
0xac: {  	v0 =	vld [tilespmem:s17+$0x4A70];
	[tilespmem:s16+$0x16A40] =	vst v3;
	v5 =	vmul.f32 v7, v5  }
0xad: {  	v2 =	vld [tilespmem:s17+$0x6270]  }
0xae: {  	s18 =	sadd.s32 $0x200, s18;
	v3 =	vld [tilespmem:s17+$0x7A70];
	v6 =	vmul.f32 v5, v6;
	v5 =	vmul.f32 v9, v8  }
0xaf: {  	v7 =	vld [tilespmem:s17+$0x9270]  }
0xb0: {  	v8 =	vld [tilespmem:s17+$0x4A00];
	[tilespmem:s16+$0x16A50] =	vst v6;
	v1 =	vmul.f32 v4, v1  }
0xb1: {  	v37 =	vld [tilespmem:s17+$0x6200]  }
0xb2: {  	v6 =	vld [tilespmem:s17+$0x7A00];
	v1 =	vmul.f32 v1, v5  }
0xb3: {  	v38 =	vld [tilespmem:s17+$0x9200]  }
0xb4: {  	v9 =	vld [tilespmem:s17+$0x4A10];
	[tilespmem:s16+$0x16A60] =	vst v1  }
0xb5: {  	v40 =	vld [tilespmem:s17+$0x6210]  }
0xb6: {  	v41 =	vld [tilespmem:s17+$0x7A10]  }
0xb7: {  	v42 =	vld [tilespmem:s17+$0x9210]  }
0xb8: {  	v43 =	vld [tilespmem:s17+$0x4A20]  }
0xb9: {  	v44 =	vld [tilespmem:s17+$0x6220]  }
0xba: {  	v45 =	vld [tilespmem:s17+$0x7A20]  }
0xbb: {  	v46 =	vld [tilespmem:s17+$0x9220]  }
0xbc: {  	v47 =	vld [tilespmem:s17+$0x4A30]  }
0xbd: {  	v48 =	vld [tilespmem:s17+$0x6230]  }
0xbe: {  	v49 =	vld [tilespmem:s17+$0x7A30]  }
0xbf: {  	v50 =	vld [tilespmem:s17+$0x9230]  }
0xc0: {  	v52 =	vld [tilespmem:s17+$0x4A40]  }
0xc1: {  	v53 =	vld [tilespmem:s17+$0x6240]  }
0xc2: {  	v54 =	vld [tilespmem:s17+$0x7A40]  }
0xc3: {  	v55 =	vld [tilespmem:s17+$0x9240]  }
0xc4: {  	v57 =	vld [tilespmem:s17+$0x4A50]  }
0xc5: {  	v0 =	vmul.f32 v2, v0;
	v39 =	vmul.f32 v7, v3;
	v58 =	vld [tilespmem:s17+$0x6250]  }
0xc6: {  	v59 =	vld [tilespmem:s17+$0x7A50];
	v4 =	vmul.f32 v37, v8;
	v5 =	vmul.f32 v38, v6  }
0xc7: {  	v60 =	vld [tilespmem:s17+$0x9250]  }
0xc8: {  	v61 =	vld [tilespmem:s17+$0x4A60];
	v0 =	vmul.f32 v39, v0;
	v4 =	vmul.f32 v5, v4  }
0xc9: {  	v10 =	vld [tilespmem:s17+$0x7A60];
	v2 =	vmul.f32 v40, v9;
	v1 =	vmul.f32 v42, v41  }
0xca: {  	v11 =	vld [tilespmem:s17+$0x9260];
	[tilespmem:s17+$0x16A70] =	vst v0;
	v0 =	vmul.f32 v44, v43;
	v51 =	vmul.f32 v46, v45  }
0xcb: {  	v62 =	vld [tilespmem:s17+$0x6260];
	v56 =	vmul.f32 v48, v47;
	v1 =	vmul.f32 v1, v2  }
0xcc: {  	v0 =	vmul.f32 v51, v0;
	v2 =	vmul.f32 v50, v49  }
0xcd: {  	v5 =	vmul.f32 v53, v52;
	v3 =	vmul.f32 v58, v57;
	[tilespmem:s17+$0x16A10] =	vst v1  }
0xce: {  	[tilespmem:s17+$0x16A20] =	vst v0;
	v0 =	vmul.f32 v2, v56;
	v1 =	vmul.f32 v55, v54  }
0xcf: {  	v63 =	vmul.f32 v11, v10;
	v2 =	vmul.f32 v60, v59  }
0xd0: {  	[tilespmem:s17+$0x16A30] =	vst v0;
	v1 =	vmul.f32 v1, v5;
	v0 =	vmul.f32 v62, v61  }
0xd1: {  	s7 =	sadd.s32 $0x3, s28;
	[tilespmem:s17+$0x16A00] =	vst v4;
	v2 =	vmul.f32 v2, v3  }
0xd2: {  	p2 =	sge.u32 s7, s6;
	[tilespmem:s17+$0x16A40] =	vst v1;
	v0 =	vmul.f32 v63, v0  }
0xd3: {  	s7 =	smul.u32 @!p2 $0x30, s7;
	[tilespmem:s17+$0x16A50] =	vst v2  }
0xd4: {  	s16 =	simm.s32 @!p2 $0x30;
	[tilespmem:s17+$0x16A60] =	vst v0;
	s17 =	simm.s32 @!p2 $0x4A00  }
0xd5: {  	[tilespmem:s17], [sflag:$0x1] =	stream.indirect.gather @!p2 [hbm4b:s1+s16], $0x80, s7, s16, $0xb8;
	[tilespmem:$0x1B200] =	vst v63  }
0xd6: {  	s18 =	simm.s32 @!p2 $0x6200;
	s17 =	sadd.s32 @!p2 $0x1280, s7  }
0xd7: {  	[tilespmem:s18], [sflag:$0x1] =	stream.indirect.gather @!p2 [hbm4b:s1+s16], $0x80, s17, s16, $0xb8;
	[tilespmem:$0x1B200] =	vst v63  }
0xd8: {  	s8 =	sadd.s32 s5, s28;
	s17 =	sadd.s32 @!p2 $0x2500, s7;
	s18 =	simm.s32 @!p2 $0x7A00  }
0xd9: {  	[tilespmem:s18], [sflag:$0x1] =	stream.indirect.gather @!p2 [hbm4b:s1+s16], $0x80, s17, s16, $0xb8;
	[tilespmem:$0x1B200] =	vst v63  }
0xda: {  	s7 =	sadd.s32 @!p2 $0x3780, s7;
	s18 =	simm.s32 @!p2 $0x9200;
	s17 =	smul.u32 $0x300, s8  }
0xdb: {  	[tilespmem:s18], [sflag:$0x1] =	stream.indirect.gather @!p2 [hbm4b:s1+s16], $0x80, s7, s16, $0xb8;
	[tilespmem:$0x1B200] =	vst v63  }
0xdc: {  	s18 =	sadd.s32 s3, s17  }
0xdd: {  	[hbm4b:s18+s4] =	stream.linear.scatter [tilespmem:s30], [sflag:$0x4], $0x1800, $0x38;
	[tilespmem:$0x1B200] =	vst v63  }
.LBB2_6:
0xde: {  	s16 =	sadd.s32 $0x1, s28  }
0xdf: {  	p2 =	sge.u32 s16, s6  }
.Ltmp6:
0xe0: {  	_ = 	snop;
	(pc) =	sbr.rel @p2 .LBB2_10-.Ltmp6, $1  }
0xe1: {  	_ =	sdelay $0x3  }
0xe2: {  	_ =	swait.ge [sflag:s31], $0x6000  }
0xe3: {  	[sflag:s31] =	ssyncset.done $0x0  }
0xe4: {  	s7 =	simm.s32 @!p1 $0x5;
	[sflag:s31] =	ssyncadd.s32 $0xFFFFA000  }
0xe5: {  	_ =	swait.ge @!p1 [sflag:s7], $0x1800  }
0xe6: {  	[sflag:s7] =	ssyncset.done @!p1 $0x0  }
0xe7: {  	s17 =	simm.s32 $0x0;
	[sflag:s7] =	ssyncadd.s32 @!p1 $0xFFFFE800  }
0xe8: {  	v0 =	vld [tilespmem:s17+$0xAA70]  }
0xe9: {  	v1 =	vld [tilespmem:s17+$0xC270]  }
0xea: {  	v2 =	vld [tilespmem:s17+$0xDA70]  }
0xeb: {  	v3 =	vld [tilespmem:s17+$0xF270]  }
0xec: {  	v4 =	vld [tilespmem:s17+$0xAA00]  }
0xed: {  	v5 =	vld [tilespmem:s17+$0xC200]  }
0xee: {  	v6 =	vld [tilespmem:s17+$0xDA00]  }
0xef: {  	v7 =	vld [tilespmem:s17+$0xF200]  }
0xf0: {  	v8 =	vld [tilespmem:s17+$0xAA10]  }
0xf1: {  	v0 =	vmul.f32 v1, v0;
	v1 =	vmul.f32 v3, v2;
	v2 =	vld [tilespmem:s17+$0xC210]  }
0xf2: {  	v3 =	vld [tilespmem:s17+$0xDA10]  }
0xf3: {  	v0 =	vmul.f32 v1, v0;
	v1 =	vld [tilespmem:s17+$0xF210]  }
0xf4: {  	v9 =	vld [tilespmem:s17+$0xAA20];
	v4 =	vmul.f32 v5, v4;
	v5 =	vmul.f32 v7, v6  }
0xf5: {  	v6 =	vld [tilespmem:s17+$0xF220]  }
0xf6: {  	v4 =	vmul.f32 v5, v4;
	v5 =	vld [tilespmem:s17+$0xDA20]  }
0xf7: {  	[tilespmem:s17+$0x18270] =	vst v0;
	v0 =	vld [tilespmem:s17+$0xC220]  }
0xf8: {  	v7 =	vld [tilespmem:s17+$0xF230];
	v2 =	vmul.f32 v2, v8;
	v1 =	vmul.f32 v1, v3  }
0xf9: {  	[tilespmem:s17+$0x18200] =	vst v4;
	v4 =	vld [tilespmem:s17+$0xC230]  }
0xfa: {  	v3 =	vld [tilespmem:s17+$0xAA30];
	v1 =	vmul.f32 v1, v2  }
0xfb: {  	v2 =	vld [tilespmem:s17+$0xDA30]  }
0xfc: {  	v8 =	vld [tilespmem:s17+$0xF240];
	v0 =	vmul.f32 v0, v9;
	[tilespmem:s17+$0x18210] =	vst v1;
	v1 =	vmul.f32 v6, v5  }
0xfd: {  	v5 =	vld [tilespmem:s17+$0xAA40]  }
0xfe: {  	v6 =	vld [tilespmem:s17+$0xC240];
	v0 =	vmul.f32 v1, v0  }
0xff: {  	v1 =	vld [tilespmem:s17+$0xDA40]  }
0x100: {  	v63 =	vld [tilespmem:s17+$0xF250];
	v2 =	vmul.f32 v7, v2;
	[tilespmem:s17+$0x18220] =	vst v0;
	v0 =	vmul.f32 v4, v3  }
0x101: {  	v7 =	vld [tilespmem:s17+$0xC250]  }
0x102: {  	v3 =	vld [tilespmem:s17+$0xAA50];
	v0 =	vmul.f32 v2, v0  }
0x103: {  	v2 =	vld [tilespmem:s17+$0xDA50]  }
0x104: {  	v10 =	vld [tilespmem:s17+$0xAA60];
	v4 =	vmul.f32 v8, v1;
	[tilespmem:s17+$0x18230] =	vst v0;
	v0 =	vmul.f32 v6, v5  }
0x105: {  	v5 =	vld [tilespmem:s17+$0xC260]  }
0x106: {  	v1 =	vld [tilespmem:s17+$0xDA60];
	v6 =	vmul.f32 v4, v0  }
0x107: {  	s18 =	simm.s32 $0x80;
	v4 =	vld [tilespmem:s17+$0xF260]  }
0x108: {  	v7 =	vmul.f32 v7, v3;
	v0 =	vld [tilespmem:s18+$0xAA70];
	[tilespmem:s17+$0x18240] =	vst v6;
	v6 =	vmul.f32 v63, v2  }
0x109: {  	v2 =	vld [tilespmem:s18+$0xC270]  }
0x10a: {  	s7 =	simm.s32 $0x400;
	v3 =	vld [tilespmem:s18+$0xDA70];
	v5 =	vmul.f32 v5, v10;
	v6 =	vmul.f32 v6, v7  }
.LBB2_8:
0x10b: {  	p2 =	sne.s32 s7, $0x5E00;
	v7 =	vld [tilespmem:s18+$0xF270]  }
0x10c: {  	v8 =	vld [tilespmem:s18+$0xAA00];
	[tilespmem:s17+$0x18250] =	vst v6;
	v1 =	vmul.f32 v4, v1  }
0x10d: {  	v4 =	vld [tilespmem:s18+$0xC200]  }
0x10e: {  	v6 =	vld [tilespmem:s18+$0xDA00];
	v1 =	vmul.f32 v1, v5  }
0x10f: {  	v5 =	vld [tilespmem:s18+$0xF200]  }
0x110: {  	v0 =	vmul.f32 v2, v0;
	v9 =	vld [tilespmem:s18+$0xAA10];
	v2 =	vmul.f32 v7, v3;
	[tilespmem:s17+$0x18260] =	vst v1;
	s17 =	smov.u32 s18  }
0x111: {  	v1 =	vld [tilespmem:s17+$0xC210]  }
0x112: {  	v3 =	vmul.f32 v4, v8;
	v4 =	vld [tilespmem:s17+$0xDA10];
	v0 =	vmul.f32 v2, v0  }
0x113: {  	v2 =	vld [tilespmem:s17+$0xF210]  }
0x114: {  	v5 =	vmul.f32 v5, v6;
	v6 =	vld [tilespmem:s17+$0xAA20];
	[tilespmem:s17+$0x18270] =	vst v0  }
0x115: {  	v0 =	vld [tilespmem:s17+$0xC220]  }
0x116: {  	v3 =	vmul.f32 v5, v3;
	v1 =	vmul.f32 v1, v9;
	v5 =	vld [tilespmem:s17+$0xDA20]  }
0x117: {  	v7 =	vld [tilespmem:s17+$0xF220]  }
0x118: {  	[tilespmem:s17+$0x18200] =	vst v3;
	v2 =	vmul.f32 v2, v4;
	v3 =	vld [tilespmem:s17+$0xAA30]  }
0x119: {  	v4 =	vld [tilespmem:s17+$0xC230]  }
0x11a: {  	v1 =	vmul.f32 v2, v1;
	v0 =	vmul.f32 v0, v6;
	v2 =	vld [tilespmem:s17+$0xDA30]  }
0x11b: {  	v6 =	vld [tilespmem:s17+$0xF230]  }
0x11c: {  	[tilespmem:s17+$0x18210] =	vst v1;
	v1 =	vmul.f32 v7, v5;
	v5 =	vld [tilespmem:s17+$0xAA40]  }
0x11d: {  	v7 =	vld [tilespmem:s17+$0xC240]  }
0x11e: {  	v0 =	vmul.f32 v1, v0;
	v1 =	vmul.f32 v4, v3;
	v3 =	vld [tilespmem:s17+$0xDA40]  }
0x11f: {  	v4 =	vld [tilespmem:s17+$0xF240]  }
0x120: {  	[tilespmem:s17+$0x18220] =	vst v0;
	v0 =	vmul.f32 v6, v2;
	v2 =	vld [tilespmem:s17+$0xAA50]  }
0x121: {  	v6 =	vld [tilespmem:s17+$0xC250]  }
0x122: {  	v0 =	vmul.f32 v0, v1;
	v1 =	vmul.f32 v7, v5;
	v5 =	vld [tilespmem:s17+$0xDA50]  }
0x123: {  	v7 =	vld [tilespmem:s17+$0xF250]  }
0x124: {  	[tilespmem:s17+$0x18230] =	vst v0;
	v0 =	vmul.f32 v4, v3;
	v8 =	vld [tilespmem:s17+$0xAA60]  }
0x125: {  	v9 =	vld [tilespmem:s17+$0xC260]  }
.Ltmp7:
0x126: {  	v3 =	vmul.f32 v0, v1;
	v6 =	vmul.f32 v6, v2;
	v1 =	vld [tilespmem:s17+$0xDA60];
	(pc) =	sbr.rel @p2 .LBB2_8-.Ltmp7, $4  }
0x127: {  	s18 =	sshra.s32 s7, $0x2;
	v4 =	vld [tilespmem:s17+$0xF260]  }
0x128: {  	v0 =	vld [tilespmem:s18+$0xAA70];
	[tilespmem:s17+$0x18240] =	vst v3;
	v5 =	vmul.f32 v7, v5  }
0x129: {  	v2 =	vld [tilespmem:s18+$0xC270]  }
0x12a: {  	s7 =	sadd.s32 $0x200, s7;
	v3 =	vld [tilespmem:s18+$0xDA70];
	v6 =	vmul.f32 v5, v6;
	v5 =	vmul.f32 v9, v8  }
0x12b: {  	v7 =	vld [tilespmem:s18+$0xF270]  }
0x12c: {  	v8 =	vld [tilespmem:s18+$0xAA00];
	[tilespmem:s17+$0x18250] =	vst v6;
	v1 =	vmul.f32 v4, v1  }
0x12d: {  	v37 =	vld [tilespmem:s18+$0xC200]  }
0x12e: {  	v6 =	vld [tilespmem:s18+$0xDA00];
	v1 =	vmul.f32 v1, v5  }
0x12f: {  	v38 =	vld [tilespmem:s18+$0xF200]  }
0x130: {  	v9 =	vld [tilespmem:s18+$0xAA10];
	[tilespmem:s17+$0x18260] =	vst v1  }
0x131: {  	v40 =	vld [tilespmem:s18+$0xC210]  }
0x132: {  	v41 =	vld [tilespmem:s18+$0xDA10]  }
0x133: {  	v42 =	vld [tilespmem:s18+$0xF210]  }
0x134: {  	v43 =	vld [tilespmem:s18+$0xAA20]  }
0x135: {  	v44 =	vld [tilespmem:s18+$0xC220]  }
0x136: {  	v45 =	vld [tilespmem:s18+$0xDA20]  }
0x137: {  	v46 =	vld [tilespmem:s18+$0xF220]  }
0x138: {  	v47 =	vld [tilespmem:s18+$0xAA30]  }
0x139: {  	v48 =	vld [tilespmem:s18+$0xC230]  }
0x13a: {  	v49 =	vld [tilespmem:s18+$0xDA30]  }
0x13b: {  	v50 =	vld [tilespmem:s18+$0xF230]  }
0x13c: {  	v52 =	vld [tilespmem:s18+$0xAA40]  }
0x13d: {  	v53 =	vld [tilespmem:s18+$0xC240]  }
0x13e: {  	v54 =	vld [tilespmem:s18+$0xDA40]  }
0x13f: {  	v55 =	vld [tilespmem:s18+$0xF240]  }
0x140: {  	v57 =	vld [tilespmem:s18+$0xAA50]  }
0x141: {  	v0 =	vmul.f32 v2, v0;
	v39 =	vmul.f32 v7, v3;
	v58 =	vld [tilespmem:s18+$0xC250]  }
0x142: {  	v59 =	vld [tilespmem:s18+$0xDA50];
	v4 =	vmul.f32 v37, v8;
	v5 =	vmul.f32 v38, v6  }
0x143: {  	v60 =	vld [tilespmem:s18+$0xF250]  }
0x144: {  	v61 =	vld [tilespmem:s18+$0xAA60];
	v0 =	vmul.f32 v39, v0;
	v4 =	vmul.f32 v5, v4  }
0x145: {  	v10 =	vld [tilespmem:s18+$0xDA60];
	v2 =	vmul.f32 v40, v9;
	v1 =	vmul.f32 v42, v41  }
0x146: {  	v11 =	vld [tilespmem:s18+$0xF260];
	[tilespmem:s18+$0x18270] =	vst v0;
	v0 =	vmul.f32 v44, v43;
	v51 =	vmul.f32 v46, v45  }
0x147: {  	v62 =	vld [tilespmem:s18+$0xC260];
	v56 =	vmul.f32 v48, v47;
	v1 =	vmul.f32 v1, v2  }
0x148: {  	v0 =	vmul.f32 v51, v0;
	v2 =	vmul.f32 v50, v49  }
0x149: {  	v5 =	vmul.f32 v53, v52;
	v3 =	vmul.f32 v58, v57;
	[tilespmem:s18+$0x18210] =	vst v1  }
0x14a: {  	[tilespmem:s18+$0x18220] =	vst v0;
	v0 =	vmul.f32 v2, v56;
	v1 =	vmul.f32 v55, v54  }
0x14b: {  	v63 =	vmul.f32 v11, v10;
	v2 =	vmul.f32 v60, v59  }
0x14c: {  	[tilespmem:s18+$0x18230] =	vst v0;
	v1 =	vmul.f32 v1, v5;
	v0 =	vmul.f32 v62, v61  }
0x14d: {  	s7 =	sadd.s32 $0x4, s28;
	[tilespmem:s18+$0x18200] =	vst v4;
	v2 =	vmul.f32 v2, v3  }
0x14e: {  	p2 =	sge.u32 s7, s6;
	[tilespmem:s18+$0x18240] =	vst v1;
	v0 =	vmul.f32 v63, v0  }
0x14f: {  	s7 =	smul.u32 @!p2 $0x30, s7;
	[tilespmem:s18+$0x18250] =	vst v2  }
0x150: {  	s17 =	simm.s32 @!p2 $0x30;
	[tilespmem:s18+$0x18260] =	vst v0;
	s18 =	simm.s32 @!p2 $0xAA00  }
0x151: {  	[tilespmem:s18], [sflag:$0x2] =	stream.indirect.gather @!p2 [hbm4b:s1+s17], $0x80, s7, s17, $0xb8;
	[tilespmem:$0x1B200] =	vst v63  }
0x152: {  	s8 =	simm.s32 @!p2 $0xC200;
	s18 =	sadd.s32 @!p2 $0x1280, s7  }
0x153: {  	[tilespmem:s8], [sflag:$0x2] =	stream.indirect.gather @!p2 [hbm4b:s1+s17], $0x80, s18, s17, $0xb8;
	[tilespmem:$0x1B200] =	vst v63  }
0x154: {  	s8 =	sadd.s32 @!p2 $0x2500, s7;
	s18 =	simm.s32 @!p2 $0xDA00  }
0x155: {  	[tilespmem:s18], [sflag:$0x2] =	stream.indirect.gather @!p2 [hbm4b:s1+s17], $0x80, s8, s17, $0xb8;
	[tilespmem:$0x1B200] =	vst v63  }
0x156: {  	s18 =	sadd.s32 s5, s16  }
0x157: {  	s7 =	sadd.s32 @!p2 $0x3780, s7;
	s16 =	simm.s32 @!p2 $0xF200;
	s8 =	smul.u32 $0x300, s18  }
0x158: {  	[tilespmem:s16], [sflag:$0x2] =	stream.indirect.gather @!p2 [hbm4b:s1+s17], $0x80, s7, s17, $0xb8;
	[tilespmem:$0x1B200] =	vst v63  }
0x159: {  	s18 =	sadd.s32 s3, s8  }
0x15a: {  	[hbm4b:s18+s4] =	stream.linear.scatter [tilespmem:s2], [sflag:$0x5], $0x1800, $0x38;
	[tilespmem:$0x1B200] =	vst v63  }
.LBB2_10:
0x15b: {  	s16 =	sadd.s32 $0x2, s28  }
0x15c: {  	p2 =	sge.u32 s16, s6  }
.Ltmp8:
0x15d: {  	_ = 	snop;
	(pc) =	sbr.rel @p2 .LBB2_14-.Ltmp8, $1  }
0x15e: {  	_ =	sdelay $0x3  }
0x15f: {  	_ =	swait.ge [sflag:s0], $0x6000  }
0x160: {  	[sflag:s0] =	ssyncset.done $0x0  }
0x161: {  	s7 =	simm.s32 @!p1 $0x6;
	[sflag:s0] =	ssyncadd.s32 $0xFFFFA000  }
0x162: {  	_ =	swait.ge @!p1 [sflag:s7], $0x1800  }
0x163: {  	[sflag:s7] =	ssyncset.done @!p1 $0x0  }
0x164: {  	s17 =	simm.s32 $0x0;
	[sflag:s7] =	ssyncadd.s32 @!p1 $0xFFFFE800  }
0x165: {  	v0 =	vld [tilespmem:s17+$0x10A70]  }
0x166: {  	v1 =	vld [tilespmem:s17+$0x12270]  }
0x167: {  	v2 =	vld [tilespmem:s17+$0x13A70]  }
0x168: {  	v3 =	vld [tilespmem:s17+$0x15270]  }
0x169: {  	v4 =	vld [tilespmem:s17+$0x10A00]  }
0x16a: {  	v5 =	vld [tilespmem:s17+$0x12200]  }
0x16b: {  	v6 =	vld [tilespmem:s17+$0x13A00]  }
0x16c: {  	v7 =	vld [tilespmem:s17+$0x15200]  }
0x16d: {  	v8 =	vld [tilespmem:s17+$0x10A10]  }
0x16e: {  	v0 =	vmul.f32 v1, v0;
	v1 =	vmul.f32 v3, v2;
	v2 =	vld [tilespmem:s17+$0x12210]  }
0x16f: {  	v3 =	vld [tilespmem:s17+$0x13A10]  }
0x170: {  	v0 =	vmul.f32 v1, v0;
	v1 =	vld [tilespmem:s17+$0x15210]  }
0x171: {  	v9 =	vld [tilespmem:s17+$0x10A20];
	v4 =	vmul.f32 v5, v4;
	v5 =	vmul.f32 v7, v6  }
0x172: {  	v6 =	vld [tilespmem:s17+$0x15220]  }
0x173: {  	v4 =	vmul.f32 v5, v4;
	v5 =	vld [tilespmem:s17+$0x13A20]  }
0x174: {  	[tilespmem:s17+$0x19A70] =	vst v0;
	v0 =	vld [tilespmem:s17+$0x12220]  }
0x175: {  	v7 =	vld [tilespmem:s17+$0x15230];
	v2 =	vmul.f32 v2, v8;
	v1 =	vmul.f32 v1, v3  }
0x176: {  	[tilespmem:s17+$0x19A00] =	vst v4;
	v4 =	vld [tilespmem:s17+$0x12230]  }
0x177: {  	v3 =	vld [tilespmem:s17+$0x10A30];
	v1 =	vmul.f32 v1, v2  }
0x178: {  	v2 =	vld [tilespmem:s17+$0x13A30]  }
0x179: {  	v8 =	vld [tilespmem:s17+$0x15240];
	v0 =	vmul.f32 v0, v9;
	[tilespmem:s17+$0x19A10] =	vst v1;
	v1 =	vmul.f32 v6, v5  }
0x17a: {  	v5 =	vld [tilespmem:s17+$0x10A40]  }
0x17b: {  	v6 =	vld [tilespmem:s17+$0x12240];
	v0 =	vmul.f32 v1, v0  }
0x17c: {  	v1 =	vld [tilespmem:s17+$0x13A40]  }
0x17d: {  	v63 =	vld [tilespmem:s17+$0x15250];
	v2 =	vmul.f32 v7, v2;
	[tilespmem:s17+$0x19A20] =	vst v0;
	v0 =	vmul.f32 v4, v3  }
0x17e: {  	v7 =	vld [tilespmem:s17+$0x12250]  }
0x17f: {  	v3 =	vld [tilespmem:s17+$0x10A50];
	v0 =	vmul.f32 v2, v0  }
0x180: {  	v2 =	vld [tilespmem:s17+$0x13A50]  }
0x181: {  	v10 =	vld [tilespmem:s17+$0x10A60];
	v4 =	vmul.f32 v8, v1;
	[tilespmem:s17+$0x19A30] =	vst v0;
	v0 =	vmul.f32 v6, v5  }
0x182: {  	v5 =	vld [tilespmem:s17+$0x12260]  }
0x183: {  	v1 =	vld [tilespmem:s17+$0x13A60];
	v6 =	vmul.f32 v4, v0  }
0x184: {  	s18 =	simm.s32 $0x80;
	v4 =	vld [tilespmem:s17+$0x15260]  }
0x185: {  	v7 =	vmul.f32 v7, v3;
	v0 =	vld [tilespmem:s18+$0x10A70];
	[tilespmem:s17+$0x19A40] =	vst v6;
	v6 =	vmul.f32 v63, v2  }
0x186: {  	v2 =	vld [tilespmem:s18+$0x12270]  }
0x187: {  	s7 =	simm.s32 $0x400;
	v3 =	vld [tilespmem:s18+$0x13A70];
	v5 =	vmul.f32 v5, v10;
	v6 =	vmul.f32 v6, v7  }
.LBB2_12:
0x188: {  	p1 =	sne.s32 s7, $0x5E00;
	v7 =	vld [tilespmem:s18+$0x15270]  }
0x189: {  	v8 =	vld [tilespmem:s18+$0x10A00];
	[tilespmem:s17+$0x19A50] =	vst v6;
	v1 =	vmul.f32 v4, v1  }
0x18a: {  	v4 =	vld [tilespmem:s18+$0x12200]  }
0x18b: {  	v6 =	vld [tilespmem:s18+$0x13A00];
	v1 =	vmul.f32 v1, v5  }
0x18c: {  	v5 =	vld [tilespmem:s18+$0x15200]  }
0x18d: {  	v0 =	vmul.f32 v2, v0;
	v9 =	vld [tilespmem:s18+$0x10A10];
	v2 =	vmul.f32 v7, v3;
	[tilespmem:s17+$0x19A60] =	vst v1;
	s17 =	smov.u32 s18  }
0x18e: {  	v1 =	vld [tilespmem:s17+$0x12210]  }
0x18f: {  	v3 =	vmul.f32 v4, v8;
	v4 =	vld [tilespmem:s17+$0x13A10];
	v0 =	vmul.f32 v2, v0  }
0x190: {  	v2 =	vld [tilespmem:s17+$0x15210]  }
0x191: {  	v5 =	vmul.f32 v5, v6;
	v6 =	vld [tilespmem:s17+$0x10A20];
	[tilespmem:s17+$0x19A70] =	vst v0  }
0x192: {  	v0 =	vld [tilespmem:s17+$0x12220]  }
0x193: {  	v3 =	vmul.f32 v5, v3;
	v1 =	vmul.f32 v1, v9;
	v5 =	vld [tilespmem:s17+$0x13A20]  }
0x194: {  	v7 =	vld [tilespmem:s17+$0x15220]  }
0x195: {  	[tilespmem:s17+$0x19A00] =	vst v3;
	v2 =	vmul.f32 v2, v4;
	v3 =	vld [tilespmem:s17+$0x10A30]  }
0x196: {  	v4 =	vld [tilespmem:s17+$0x12230]  }
0x197: {  	v1 =	vmul.f32 v2, v1;
	v0 =	vmul.f32 v0, v6;
	v2 =	vld [tilespmem:s17+$0x13A30]  }
0x198: {  	v6 =	vld [tilespmem:s17+$0x15230]  }
0x199: {  	[tilespmem:s17+$0x19A10] =	vst v1;
	v1 =	vmul.f32 v7, v5;
	v5 =	vld [tilespmem:s17+$0x10A40]  }
0x19a: {  	v7 =	vld [tilespmem:s17+$0x12240]  }
0x19b: {  	v0 =	vmul.f32 v1, v0;
	v1 =	vmul.f32 v4, v3;
	v3 =	vld [tilespmem:s17+$0x13A40]  }
0x19c: {  	v4 =	vld [tilespmem:s17+$0x15240]  }
0x19d: {  	[tilespmem:s17+$0x19A20] =	vst v0;
	v0 =	vmul.f32 v6, v2;
	v2 =	vld [tilespmem:s17+$0x10A50]  }
0x19e: {  	v6 =	vld [tilespmem:s17+$0x12250]  }
0x19f: {  	v0 =	vmul.f32 v0, v1;
	v1 =	vmul.f32 v7, v5;
	v5 =	vld [tilespmem:s17+$0x13A50]  }
0x1a0: {  	v7 =	vld [tilespmem:s17+$0x15250]  }
0x1a1: {  	[tilespmem:s17+$0x19A30] =	vst v0;
	v0 =	vmul.f32 v4, v3;
	v8 =	vld [tilespmem:s17+$0x10A60]  }
0x1a2: {  	v9 =	vld [tilespmem:s17+$0x12260]  }
.Ltmp9:
0x1a3: {  	v3 =	vmul.f32 v0, v1;
	v6 =	vmul.f32 v6, v2;
	v1 =	vld [tilespmem:s17+$0x13A60];
	(pc) =	sbr.rel @p1 .LBB2_12-.Ltmp9, $4  }
0x1a4: {  	s18 =	sshra.s32 s7, $0x2;
	v4 =	vld [tilespmem:s17+$0x15260]  }
0x1a5: {  	v0 =	vld [tilespmem:s18+$0x10A70];
	[tilespmem:s17+$0x19A40] =	vst v3;
	v5 =	vmul.f32 v7, v5  }
0x1a6: {  	v2 =	vld [tilespmem:s18+$0x12270]  }
0x1a7: {  	s7 =	sadd.s32 $0x200, s7;
	v3 =	vld [tilespmem:s18+$0x13A70];
	v6 =	vmul.f32 v5, v6;
	v5 =	vmul.f32 v9, v8  }
0x1a8: {  	v7 =	vld [tilespmem:s18+$0x15270]  }
0x1a9: {  	v8 =	vld [tilespmem:s18+$0x10A00];
	[tilespmem:s17+$0x19A50] =	vst v6;
	v1 =	vmul.f32 v4, v1  }
0x1aa: {  	v37 =	vld [tilespmem:s18+$0x12200]  }
0x1ab: {  	v6 =	vld [tilespmem:s18+$0x13A00];
	v1 =	vmul.f32 v1, v5  }
0x1ac: {  	v38 =	vld [tilespmem:s18+$0x15200]  }
0x1ad: {  	v9 =	vld [tilespmem:s18+$0x10A10];
	[tilespmem:s17+$0x19A60] =	vst v1  }
0x1ae: {  	v40 =	vld [tilespmem:s18+$0x12210]  }
0x1af: {  	v41 =	vld [tilespmem:s18+$0x13A10]  }
0x1b0: {  	v42 =	vld [tilespmem:s18+$0x15210]  }
0x1b1: {  	v43 =	vld [tilespmem:s18+$0x10A20]  }
0x1b2: {  	v44 =	vld [tilespmem:s18+$0x12220]  }
0x1b3: {  	v45 =	vld [tilespmem:s18+$0x13A20]  }
0x1b4: {  	v46 =	vld [tilespmem:s18+$0x15220]  }
0x1b5: {  	v47 =	vld [tilespmem:s18+$0x10A30]  }
0x1b6: {  	v48 =	vld [tilespmem:s18+$0x12230]  }
0x1b7: {  	v49 =	vld [tilespmem:s18+$0x13A30]  }
0x1b8: {  	v50 =	vld [tilespmem:s18+$0x15230]  }
0x1b9: {  	v52 =	vld [tilespmem:s18+$0x10A40]  }
0x1ba: {  	v53 =	vld [tilespmem:s18+$0x12240]  }
0x1bb: {  	v54 =	vld [tilespmem:s18+$0x13A40]  }
0x1bc: {  	v55 =	vld [tilespmem:s18+$0x15240]  }
0x1bd: {  	v57 =	vld [tilespmem:s18+$0x10A50]  }
0x1be: {  	v0 =	vmul.f32 v2, v0;
	v39 =	vmul.f32 v7, v3;
	v58 =	vld [tilespmem:s18+$0x12250]  }
0x1bf: {  	v59 =	vld [tilespmem:s18+$0x13A50];
	v4 =	vmul.f32 v37, v8;
	v5 =	vmul.f32 v38, v6  }
0x1c0: {  	v60 =	vld [tilespmem:s18+$0x15250]  }
0x1c1: {  	v61 =	vld [tilespmem:s18+$0x10A60];
	v0 =	vmul.f32 v39, v0;
	v4 =	vmul.f32 v5, v4  }
0x1c2: {  	v10 =	vld [tilespmem:s18+$0x13A60];
	v2 =	vmul.f32 v40, v9;
	v1 =	vmul.f32 v42, v41  }
0x1c3: {  	v11 =	vld [tilespmem:s18+$0x15260];
	[tilespmem:s18+$0x19A70] =	vst v0;
	v0 =	vmul.f32 v44, v43;
	v51 =	vmul.f32 v46, v45  }
0x1c4: {  	v62 =	vld [tilespmem:s18+$0x12260];
	v56 =	vmul.f32 v48, v47;
	v1 =	vmul.f32 v1, v2  }
0x1c5: {  	v0 =	vmul.f32 v51, v0;
	v2 =	vmul.f32 v50, v49  }
0x1c6: {  	v5 =	vmul.f32 v53, v52;
	v3 =	vmul.f32 v58, v57;
	[tilespmem:s18+$0x19A10] =	vst v1  }
0x1c7: {  	[tilespmem:s18+$0x19A20] =	vst v0;
	v0 =	vmul.f32 v2, v56;
	v1 =	vmul.f32 v55, v54  }
0x1c8: {  	v63 =	vmul.f32 v11, v10;
	v2 =	vmul.f32 v60, v59  }
0x1c9: {  	[tilespmem:s18+$0x19A30] =	vst v0;
	v1 =	vmul.f32 v1, v5;
	v0 =	vmul.f32 v62, v61  }
0x1ca: {  	s7 =	sadd.s32 $0x5, s28;
	[tilespmem:s18+$0x19A00] =	vst v4;
	v2 =	vmul.f32 v2, v3  }
0x1cb: {  	p1 =	sge.u32 s7, s6;
	[tilespmem:s18+$0x19A40] =	vst v1;
	v0 =	vmul.f32 v63, v0  }
0x1cc: {  	s7 =	smul.u32 @!p1 $0x30, s7;
	[tilespmem:s18+$0x19A50] =	vst v2  }
0x1cd: {  	s8 =	simm.s32 @!p1 $0x30;
	s17 =	simm.s32 @!p1 $0x10A00;
	[tilespmem:s18+$0x19A60] =	vst v0  }
0x1ce: {  	[tilespmem:s17], [sflag:$0x3] =	stream.indirect.gather @!p1 [hbm4b:s1+s8], $0x80, s7, s8, $0xb8;
	[tilespmem:$0x1B200] =	vst v63  }
0x1cf: {  	s18 =	simm.s32 @!p1 $0x12200;
	s17 =	sadd.s32 @!p1 $0x1280, s7  }
0x1d0: {  	[tilespmem:s18], [sflag:$0x3] =	stream.indirect.gather @!p1 [hbm4b:s1+s8], $0x80, s17, s8, $0xb8;
	[tilespmem:$0x1B200] =	vst v63  }
0x1d1: {  	s17 =	sadd.s32 @!p1 $0x2500, s7;
	s18 =	simm.s32 @!p1 $0x13A00  }
0x1d2: {  	[tilespmem:s18], [sflag:$0x3] =	stream.indirect.gather @!p1 [hbm4b:s1+s8], $0x80, s17, s8, $0xb8;
	[tilespmem:$0x1B200] =	vst v63  }
.Ltmp10:
0x1d3: {  	s16 =	sadd.s32 s5, s16;
	(pc) =	sbr.rel .LBB2_14-.Ltmp10, $4  }
0x1d4: {  	s16 =	smul.u32 $0x300, s16;
	s7 =	sadd.s32 @!p1 $0x3780, s7;
	s17 =	simm.s32 @!p1 $0x15200  }
0x1d5: {  	[tilespmem:s17], [sflag:$0x3] =	stream.indirect.gather @!p1 [hbm4b:s1+s8], $0x80, s7, s8, $0xb8;
	[tilespmem:$0x1B200] =	vst v63  }
0x1d6: {  	s28 =	sadd.s32 s3, s16  }
0x1d7: {  	[hbm4b:s28+s4] =	stream.linear.scatter [tilespmem:s21], [sflag:$0x6], $0x1800, $0x38;
	[tilespmem:$0x1B200] =	vst v63  }
.LBB2_16:
0x1d8: {  	_ =	sfence.sel $0x180000  }
0x1d9: {  	[bflag:$0x0] =	sbarrier.arrive $0xFFFF  }
0x1da: {  	_ =	strace $0x90000047  }
0x1db: {  	s0 =	stileid.u32;
	[bflag:$0x2] =	sbarrier.arrive $0xFFFF  }
0x1dc: {  	p0 =	sne.s32 s0, $0x0;
	s0 =	rddreg [dreg:$0x3]  }
0x1dd: {  	s0 =	sadd.s32 @!p0 $0x100000, s0  }
0x1de: {  	[sflag:s0] =	ssyncadd.tile.s32 @!p0 $0x1;
	_ =	shalt  }
.Lfunc_end2:
_tile_overlayer_lowered:
.L_overlay_start_2:
0x1df: {  	(tag) =	ssettag $0x2  }
0x1e0: {  	s0 =	rddreg [dreg:$0x0];
	s2 =	stileid.u32  }
0x1e1: {  	s1 =	rddreg [dreg:$0x1];
	p0 =	sne.s32 s2, $0x0  }
0x1e2: {  	s3 =	rddreg [dreg:$0x2];
	[bflag:$0x3] =	sbarrier.arrive $0xFFFF;
	s2 =	simm.s32 @!p0 $0x1C08  }
0x1e3: {  	[timem:s3], [sflag:s2] =	dma.local @!p0 [hbm:s0], s1  }
0x1e4: {  	s0 =	simm.s32 @!p0 $0x8  }
0x1e5: {  	_ =	swait.ge @!p0 [sflag:s0], s1  }
0x1e6: {  	s1 =	ssub.s32 @!p0 $0x0, s1;
	[sflag:s0] =	ssyncset.done @!p0 $0x0  }
0x1e7: {  	[sflag:s0] =	ssyncadd.s32 @!p0 s1  }
0x1e8: {  	[bflag:$0x3] =	sbarrier.arrive $0xFFFF  }
0x1e9: {  	_ =	shalt  }

</sc_bundles>
